<compile_context>
chip_gen: v7x
topology: tpu7x:2x2x1
jax: 0.10.2.dev20260603
libtpu: 0.0.44.dev20260713+nightly
codegen_flags: <defaults>
</compile_context>

<pallas_src>
import functools

import jax
import jax.numpy as jnp
from jax import lax
from jax.experimental import pallas as pl
from jax.experimental.pallas import tpu as pltpu
from jax.experimental.pallas import tpu_sc as plsc

NUM_HEADS = 12
HIDDEN_DIM = 768
MLP_DIM = 3072
N_HASHES = 2
Q_CLUSTER = 128
K_CLUSTER = 128
HEAD_DIM = HIDDEN_DIM // NUM_HEADS
S = 4096
NPART = 3 * NUM_HEADS

ROW_BLK = 512
ATTN_BLK = 16
MLP_BLK = 768


def _ln(x, w, b, eps=1e-6):
    mu = jnp.mean(x, axis=-1, keepdims=True)
    var = jnp.mean((x - mu) ** 2, axis=-1, keepdims=True)
    return (x - mu) / jnp.sqrt(var + eps) * w + b


def _bdot(a, b, dims):
    return jax.lax.dot_general(a.astype(jnp.bfloat16), b.astype(jnp.bfloat16),
                               dims, preferred_element_type=jnp.float32)


def _k1_body(x_ref, w_ref, lw_ref, lb_ref, bq_ref, out_ref):
    xn = _ln(x_ref[...], lw_ref[...], lb_ref[...])
    acc = _bdot(xn, w_ref[...], (((1,), (1,)), ((), ())))
    col = jax.lax.broadcasted_iota(jnp.int32, (1, 3 * HIDDEN_DIM), 1)
    scale = jnp.where(col < HIDDEN_DIM, HEAD_DIM ** -0.5, 1.0)
    out_ref[...] = acc * scale + bq_ref[...] * scale


def _ln_qkv(x, ln1_w, ln1_b, w_qkv, b_qkv):
    return pl.pallas_call(
        _k1_body,
        grid=(S // ROW_BLK,),
        in_specs=[
            pl.BlockSpec((ROW_BLK, HIDDEN_DIM), lambda r: (r, 0)),
            pl.BlockSpec((3 * HIDDEN_DIM, HIDDEN_DIM), lambda r: (0, 0)),
            pl.BlockSpec((1, HIDDEN_DIM), lambda r: (0, 0)),
            pl.BlockSpec((1, HIDDEN_DIM), lambda r: (0, 0)),
            pl.BlockSpec((1, 3 * HIDDEN_DIM), lambda r: (0, 0)),
        ],
        out_specs=pl.BlockSpec((ROW_BLK, 3 * HIDDEN_DIM), lambda r: (r, 0)),
        out_shape=jax.ShapeDtypeStruct((S, 3 * HIDDEN_DIM), jnp.float32),
    )(x, w_qkv, ln1_w.reshape(1, -1), ln1_b.reshape(1, -1), b_qkv.reshape(1, -1))


def _k2_body(q_ref, kv_ref, bo_ref, lse_ref):
    for i in range(ATTN_BLK):
        q = q_ref[i]
        kv = kv_ref[i]
        k = kv[:, :HEAD_DIM]
        v = kv[:, HEAD_DIM:]
        inner = _bdot(q, k, (((1,), (1,)), ((), ())))
        m = jnp.max(inner, axis=-1, keepdims=True)
        e = jnp.exp(inner - m)
        s = jnp.sum(e, axis=-1, keepdims=True)
        bo = _bdot(e / s, v, (((1,), (0,)), ((), ())))
        bo_ref[i] = bo
        lse_ref[i] = (m + jnp.log(s))[:, 0]


def _cluster_attn(s_q, s_kv):
    n_c = s_q.shape[0]
    return pl.pallas_call(
        _k2_body,
        grid=(n_c // ATTN_BLK,),
        in_specs=[
            pl.BlockSpec((ATTN_BLK, Q_CLUSTER, HEAD_DIM), lambda c: (c, 0, 0)),
            pl.BlockSpec((ATTN_BLK, K_CLUSTER, 2 * HEAD_DIM), lambda c: (c, 0, 0)),
        ],
        out_specs=[
            pl.BlockSpec((ATTN_BLK, Q_CLUSTER, HEAD_DIM), lambda c: (c, 0, 0)),
            pl.BlockSpec((ATTN_BLK, Q_CLUSTER), lambda c: (c, 0)),
        ],
        out_shape=[
            jax.ShapeDtypeStruct((n_c, Q_CLUSTER, HEAD_DIM), jnp.float32),
            jax.ShapeDtypeStruct((n_c, Q_CLUSTER), jnp.float32),
        ],
    )(s_q, s_kv)


def _k3_body(o_ref, p_ref, x_ref, wo_ref, bo_ref, l2w_ref, l2b_ref,
             w1_ref, b1_ref, w2_ref, b2_ref, out_ref, h_s, y_s):
    m = pl.program_id(1)

    @pl.when(m == 0)
    def _():
        o = o_ref[...]
        p = p_ref[...]
        row = jax.lax.broadcasted_iota(jnp.int32, (NUM_HEADS, HIDDEN_DIM), 0)
        col = jax.lax.broadcasted_iota(jnp.int32, (NUM_HEADS, HIDDEN_DIM), 1)
        E = jnp.where(col // HEAD_DIM == row, 1.0, 0.0)
        pe1 = jax.lax.dot_general(p[:, :NUM_HEADS], E, (((1,), (0,)), ((), ())),
                                  preferred_element_type=jnp.float32)
        pe2 = jax.lax.dot_general(p[:, NUM_HEADS:], E, (((1,), (0,)), ((), ())),
                                  preferred_element_type=jnp.float32)
        attn = o[:, :HIDDEN_DIM] * pe1 + o[:, HIDDEN_DIM:] * pe2
        h = _bdot(attn, wo_ref[...], (((1,), (1,)), ((), ())))
        h = h + bo_ref[...] + x_ref[...]
        h_s[...] = h
        y_s[...] = _ln(h, l2w_ref[...], l2b_ref[...])

    z = _bdot(y_s[...], w1_ref[...], (((1,), (1,)), ((), ())))
    z = z + b1_ref[...]
    z = 0.5 * z * (1.0 + jax.lax.erf(z * (2.0 ** -0.5)))
    part = _bdot(z, w2_ref[...], (((1,), (1,)), ((), ())))

    @pl.when(m == 0)
    def _():
        out_ref[...] = h_s[...] + b2_ref[...] + part

    @pl.when(m != 0)
    def _():
        out_ref[...] = out_ref[...] + part


def _fused_tail(o_tm, probs_tm, x, w_out, b_out, ln2_w, ln2_b, w1, b1, w2, b2):
    n_m = MLP_DIM // MLP_BLK
    return pl.pallas_call(
        _k3_body,
        grid=(S // ROW_BLK, n_m),
        in_specs=[
            pl.BlockSpec((ROW_BLK, N_HASHES * HIDDEN_DIM), lambda r, m: (r, 0)),
            pl.BlockSpec((ROW_BLK, N_HASHES * NUM_HEADS), lambda r, m: (r, 0)),
            pl.BlockSpec((ROW_BLK, HIDDEN_DIM), lambda r, m: (r, 0)),
            pl.BlockSpec((HIDDEN_DIM, HIDDEN_DIM), lambda r, m: (0, 0)),
            pl.BlockSpec((1, HIDDEN_DIM), lambda r, m: (0, 0)),
            pl.BlockSpec((1, HIDDEN_DIM), lambda r, m: (0, 0)),
            pl.BlockSpec((1, HIDDEN_DIM), lambda r, m: (0, 0)),
            pl.BlockSpec((MLP_BLK, HIDDEN_DIM), lambda r, m: (m, 0)),
            pl.BlockSpec((1, MLP_BLK), lambda r, m: (0, m)),
            pl.BlockSpec((HIDDEN_DIM, MLP_BLK), lambda r, m: (0, m)),
            pl.BlockSpec((1, HIDDEN_DIM), lambda r, m: (0, 0)),
        ],
        out_specs=pl.BlockSpec((ROW_BLK, HIDDEN_DIM), lambda r, m: (r, 0)),
        out_shape=jax.ShapeDtypeStruct((S, HIDDEN_DIM), jnp.float32),
        scratch_shapes=[
            pltpu.VMEM((ROW_BLK, HIDDEN_DIM), jnp.float32),
            pltpu.VMEM((ROW_BLK, HIDDEN_DIM), jnp.float32),
        ],
    )(o_tm, probs_tm, x, w_out, b_out.reshape(1, -1), ln2_w.reshape(1, -1),
      ln2_b.reshape(1, -1), w1, b1.reshape(1, -1), w2, b2.reshape(1, -1))


_N_PERM = N_HASHES * NUM_HEADS


def _sc_inv_body(pos_hbm, out_hbm, pos_v, tab_v):
    wid = lax.axis_index("s") * 2 + lax.axis_index("c")

    @pl.when(wid < _N_PERM)
    def _():
        pltpu.sync_copy(pos_hbm.at[wid], pos_v)

        def body(j, carry):
            idx = pos_v[pl.ds(j * 16, 16)]
            val = lax.iota(jnp.int32, 16) + j * 16
            plsc.store_scatter(tab_v, [idx], val)
            return carry

        lax.fori_loop(0, S // 16, body, 0)
        pltpu.sync_copy(tab_v, out_hbm.at[wid])


def _sc_invert_perm(pos):
    fn = functools.partial(
        pl.kernel,
        mesh=plsc.VectorSubcoreMesh(core_axis_name="c", subcore_axis_name="s"),
        out_type=jax.ShapeDtypeStruct((_N_PERM, S), jnp.int32),
        scratch_types=[
            pltpu.VMEM((S,), jnp.int32),
            pltpu.VMEM((S,), jnp.int32),
        ],
        compiler_params=pltpu.CompilerParams(needs_layout_passes=False),
    )(_sc_inv_body)
    return fn(pos)


def kernel(x, ln1_w, ln1_b, w_qkv, b_qkv, w_out, b_out, ln2_w, ln2_b,
           w1, b1, w2, b2, alpha, beta):
    x2 = x[0]
    hd_ids = jnp.arange(NUM_HEADS, dtype=jnp.int32)
    kv_parts = jnp.stack([NUM_HEADS + hd_ids, 2 * NUM_HEADS + hd_ids],
                         axis=1).reshape(-1)
    parts = jnp.concatenate([hd_ids, kv_parts])
    perm = (parts[:, None] * HEAD_DIM
            + jnp.arange(HEAD_DIM, dtype=jnp.int32)[None, :]).reshape(-1)
    qkv = _ln_qkv(x2, ln1_w, ln1_b, w_qkv[perm], b_qkv[perm])
    qkv_flat = qkv.reshape(S * NPART, HEAD_DIM)
    qkv_flat128 = qkv.reshape(S * NPART // 2, 2 * HEAD_DIM)

    q = qkv[:, :HIDDEN_DIM].reshape(
        S, NUM_HEADS, HEAD_DIM).transpose(1, 0, 2)
    k = qkv[:, HIDDEN_DIM:].reshape(S, NUM_HEADS, 2, HEAD_DIM)[:, :, 0, :]
    k = k.transpose(1, 0, 2)

    q_norms = jnp.linalg.norm(q, axis=-1, keepdims=True)
    k_norms = jnp.linalg.norm(k, axis=-1, keepdims=True)
    MX = jnp.max(q_norms, axis=1, keepdims=True)
    MY = jnp.max(k_norms, axis=1, keepdims=True)
    q_ext = jnp.sqrt(jnp.maximum(MX ** 2 + MY ** 2 - q_norms ** 2, 0.0))
    k_ext = jnp.sqrt(jnp.maximum(MX ** 2 + MY ** 2 - k_norms ** 2, 0.0))
    Qh = jnp.concatenate([q, q_ext, jnp.zeros_like(q_ext)], axis=-1)
    Kh = jnp.concatenate([k, jnp.zeros_like(k_ext), k_ext], axis=-1)
    q_proj = jax.lax.stop_gradient(Qh @ alpha + beta)
    k_proj = jax.lax.stop_gradient(Kh @ alpha + beta)

    keys = jnp.stack([q_proj.transpose(2, 0, 1), k_proj.transpose(2, 0, 1)])
    kb = jax.lax.bitcast_convert_type(keys, jnp.int32)
    kb = kb ^ ((kb >> 31) & jnp.int32(0x7FFFFFFF))
    positions = jnp.argsort(kb, axis=-1)
    q_positions, k_positions = positions[0], positions[1]

    q_rev = _sc_invert_perm(q_positions.reshape(N_HASHES * NUM_HEADS, S))
    q_rev = q_rev.reshape(q_positions.shape)

    head_part = jnp.arange(NUM_HEADS, dtype=jnp.int32)[None, :, None]
    q_idx = q_positions * NPART + head_part
    kv_idx = k_positions * (NPART // 2) + NUM_HEADS // 2 + head_part
    s_q = jnp.take(qkv_flat, q_idx.reshape(-1), axis=0).reshape(-1, Q_CLUSTER, HEAD_DIM)
    s_kv = jnp.take(qkv_flat128, kv_idx.reshape(-1), axis=0).reshape(
        -1, K_CLUSTER, 2 * HEAD_DIM)

    bo, lse = _cluster_attn(s_q, s_kv)

    g = jnp.arange(N_HASHES * NUM_HEADS, dtype=jnp.int32)
    o_idx = g[None, :] * S + q_rev.reshape(N_HASHES * NUM_HEADS, S).T
    o_tm = jnp.take(bo.reshape(-1, HEAD_DIM), o_idx.reshape(-1),
                    axis=0).reshape(S, N_HASHES * HIDDEN_DIM)
    slog = jnp.take(lse.reshape(-1), o_idx.reshape(-1), axis=0).reshape(
        S, N_HASHES, NUM_HEADS)
    mx = jnp.max(slog, axis=1, keepdims=True)
    w = jnp.exp(slog - mx)
    probs_tm = (w / jnp.sum(w, axis=1, keepdims=True)).reshape(
        S, N_HASHES * NUM_HEADS)

    out = _fused_tail(o_tm, probs_tm, x2, w_out, b_out, ln2_w, ln2_b,
                      w1, b1, w2, b2)
    return out[None]

# --- scband reference (transcript-rebuilt; emitter-appended) ---
"""Pipeline reference for scband-smyrf-encoder-block-62886911148419 (READ-ONLY COPY).

The authoritative reference and input builder live on the scoring server;
editing this copy changes nothing except your own understanding.
"""

import jax, jax.numpy as jnp
import numpy as np

NUM_HEADS = 12
HIDDEN_DIM = 768
MLP_DIM = 3072
N_HASHES = 2
Q_CLUSTER = 128
K_CLUSTER = 128
HEAD_DIM = HIDDEN_DIM // NUM_HEADS
B, S = 1, 4096


def setup_inputs(seed: int = 0):
    key = jax.random.key(seed)
    ks = jax.random.split(key, 8)
    D = HIDDEN_DIM
    inp = {}
    inp['x'] = jax.random.normal(ks[0], (B, S, D), dtype=jnp.float32)
    inp['ln1_w'] = jnp.ones((D,), jnp.float32)
    inp['ln1_b'] = jnp.zeros((D,), jnp.float32)
    inp['w_qkv'] = jax.random.normal(ks[1], (3 * D, D), dtype=jnp.float32) * 0.02
    inp['b_qkv'] = jnp.zeros((3 * D,), jnp.float32)
    inp['w_out'] = jax.random.normal(ks[2], (D, D), dtype=jnp.float32) * 0.02
    inp['b_out'] = jnp.zeros((D,), jnp.float32)
    inp['ln2_w'] = jnp.ones((D,), jnp.float32)
    inp['ln2_b'] = jnp.zeros((D,), jnp.float32)
    inp['w1'] = jax.random.normal(ks[3], (MLP_DIM, D), dtype=jnp.float32) * 0.02
    inp['b1'] = jnp.zeros((MLP_DIM,), jnp.float32)
    inp['w2'] = jax.random.normal(ks[4], (D, MLP_DIM), dtype=jnp.float32) * 0.02
    inp['b2'] = jnp.zeros((D,), jnp.float32)
    inp['alpha'] = jax.random.normal(ks[5], (HEAD_DIM + 2, N_HASHES), dtype=jnp.float32)
    inp['beta'] = jax.random.uniform(ks[6], (1, N_HASHES), jnp.float32, 0.0, 1.0)
    return inp


def _layer_norm(x, w, b, eps=1e-06):
    mu = jnp.mean(x, axis=-1, keepdims=True)
    var = jnp.mean((x - mu) ** 2, axis=-1, keepdims=True)
    return (x - mu) / jnp.sqrt(var + eps) * w + b


def _smyrf_attention(q, k, v, alpha, beta):
    # q, k, v: (bs, N, dim) where bs = B * num_heads; q pre-scaled by head_dim**-0.5
    bs, q_len, dim = q.shape
    k_len = k.shape[1]
    v_dim = v.shape[-1]
    # XBOX+ asymmetric transform
    q_norms = jnp.linalg.norm(q, axis=-1, keepdims=True)
    k_norms = jnp.linalg.norm(k, axis=-1, keepdims=True)
    MX = jnp.max(q_norms, axis=1, keepdims=True)
    MY = jnp.max(k_norms, axis=1, keepdims=True)
    q_ext = jnp.sqrt(jnp.maximum(MX ** 2 + MY ** 2 - q_norms ** 2, 0.0))
    k_ext = jnp.sqrt(jnp.maximum(MX ** 2 + MY ** 2 - k_norms ** 2, 0.0))
    Qh = jnp.concatenate([q, q_ext, jnp.zeros_like(q_ext)], axis=-1)
    Kh = jnp.concatenate([k, jnp.zeros_like(k_ext), k_ext], axis=-1)
    # E2LSH hashing; the clustering path is non-differentiable (argsort), like torch
    q_proj = jax.lax.stop_gradient(Qh @ alpha + beta)
    k_proj = jax.lax.stop_gradient(Kh @ alpha + beta)
    q_positions = jnp.argsort(jnp.transpose(q_proj, (2, 0, 1)), axis=-1)  # (n_hashes, bs, N)
    k_positions = jnp.argsort(jnp.transpose(k_proj, (2, 0, 1)), axis=-1)
    q_rev_positions = jnp.argsort(q_positions, axis=-1)
    q_offset = (jnp.arange(bs) * q_len)[None, :, None]
    k_offset = (jnp.arange(bs) * k_len)[None, :, None]
    q_flat = (q_positions + q_offset).reshape(-1)
    k_flat = (k_positions + k_offset).reshape(-1)
    s_q = jnp.take(q.reshape(-1, dim), q_flat, axis=0).reshape(-1, Q_CLUSTER, dim)
    s_k = jnp.take(k.reshape(-1, dim), k_flat, axis=0).reshape(-1, K_CLUSTER, dim)
    s_v = jnp.take(v.reshape(-1, v_dim), k_flat, axis=0).reshape(-1, K_CLUSTER, v_dim)
    inner = jnp.einsum('cqd,ckd->cqk', s_q, s_k)
    dots_logsumexp = jax.scipy.special.logsumexp(inner, axis=-1, keepdims=True)
    dots = jnp.exp(inner - dots_logsumexp)
    bo = jnp.einsum('cqk,ckd->cqd', dots, s_v)
    # undo sort
    q_offset2 = (jnp.arange(bs * N_HASHES) * q_len)[:, None]
    q_rev_flat = (q_rev_positions.reshape(-1, q_len) + q_offset2).reshape(-1)
    o = jnp.take(bo.reshape(-1, v_dim), q_rev_flat, axis=0).reshape(N_HASHES, bs, q_len, v_dim)
    slogits = jnp.take(dots_logsumexp.reshape(-1), q_rev_flat, axis=0).reshape(N_HASHES, bs, q_len)
    probs = jnp.exp(slogits - jax.scipy.special.logsumexp(slogits, axis=0, keepdims=True))
    return jnp.sum(o * probs[..., None], axis=0)


def _mha(x, w_qkv, b_qkv, w_out, b_out, alpha, beta):
    Bx, Sx, D = x.shape
    qkv = x @ w_qkv.T + b_qkv
    q, k, v = jnp.split(qkv, 3, axis=-1)
    q = q * (HEAD_DIM ** -0.5)

    def heads(t):
        return t.reshape(Bx, Sx, NUM_HEADS, HEAD_DIM).transpose(0, 2, 1, 3).reshape(Bx * NUM_HEADS, Sx, HEAD_DIM)

    out = _smyrf_attention(heads(q), heads(k), heads(v), alpha, beta)
    out = out.reshape(Bx, NUM_HEADS, Sx, HEAD_DIM).transpose(0, 2, 1, 3).reshape(Bx, Sx, D)
    return out @ w_out.T + b_out


def _block(x, ln1_w, ln1_b, w_qkv, b_qkv, w_out, b_out, ln2_w, ln2_b, w1, b1, w2, b2, alpha, beta):
    h = _layer_norm(x, ln1_w, ln1_b)
    h = _mha(h, w_qkv, b_qkv, w_out, b_out, alpha, beta)
    h = h + x  # dropout_rate = 0.0 -> identity
    y = _layer_norm(h, ln2_w, ln2_b)
    y = jax.nn.gelu(y @ w1.T + b1, approximate=False)
    y = y @ w2.T + b2
    return h + y


def reference(x, ln1_w, ln1_b, w_qkv, b_qkv, w_out, b_out, ln2_w, ln2_b, w1, b1, w2, b2, alpha, beta):
    return _block(x, ln1_w, ln1_b, w_qkv, b_qkv, w_out, b_out, ln2_w, ln2_b, w1, b1, w2, b2, alpha, beta)

if __name__ == "__main__":
    import jax
    _d = setup_inputs()
    print(jax.jit(kernel)(*tuple(_d.values())))

</pallas_src>

<mosaic_0001>
#map = affine_map<(d0, d1) -> (0, 0)>
module attributes {stable_mosaic.version = 14 : i64} {
  func.func @_sc_inv_body(%arg0: i32, %arg1: i32, %arg2: memref<24x4096xi32, #tpu.memory_space<hbm>>, %arg3: memref<24x4096xi32, #tpu.memory_space<hbm>>, %arg4: memref<4096xi32, #tpu.memory_space<vmem>>, %arg5: memref<4096xi32, #tpu.memory_space<vmem>>) attributes {dimension_semantics = [#tpu.dimension_semantics<core_parallel>, #tpu.dimension_semantics<subcore_parallel>], iteration_bounds = array<i64: 2, 16>, scalar_prefetch = 0 : i64, scratch_operands = 2 : i64, tpu.core_type = #tpu.core_type<sc_vector_subcore>, window_params = [{transform_indices = #map}, {transform_indices = #map}]} {
    %mul3A = arith.constant 2 : i32
    %mul3A_0 = arith.muli %arg1, %mul3A : i32
    %add3A = arith.addi %mul3A_0, %arg0 : i32
    %lt3A = arith.constant 24 : i32
    %lt3A_1 = arith.cmpi slt, %add3A, %lt3A : i32
    %convert_element_type3A = arith.extui %lt3A_1 : i1 to i32
    %cond3A = arith.constant 0 : i32
    %cond3A_2 = arith.cmpi ne, %convert_element_type3A, %cond3A : i32
    scf.if %cond3A_2 {
      "tpu.region"() ({
        %run_scoped3A = tpu.sem_alloc : memref<!tpu.dma_semaphore, #tpu.memory_space<semaphore_mem>>
        %dma_start3A = arith.constant 0 : i32
        %dma_start3A_8 = tpu.memref_slice %arg2[%add3A, %dma_start3A] : memref<24x4096xi32, #tpu.memory_space<hbm>> -> memref<1x4096xi32, #tpu.memory_space<hbm>>
        %dma_start3A_9 = tpu.memref_squeeze %dma_start3A_8 : memref<1x4096xi32, #tpu.memory_space<hbm>> -> memref<4096xi32, #tpu.memory_space<hbm>>
        %dma_start3A_10 = arith.constant 0 : i32
        %dma_start3A_11 = tpu.memref_slice %arg2[%add3A, %dma_start3A_10] : memref<24x4096xi32, #tpu.memory_space<hbm>> -> memref<1x4096xi32, #tpu.memory_space<hbm>>
        %dma_start3A_12 = tpu.memref_squeeze %dma_start3A_11 : memref<1x4096xi32, #tpu.memory_space<hbm>> -> memref<4096xi32, #tpu.memory_space<hbm>>
        tpu.enqueue_dma source(%dma_start3A_12 : memref<4096xi32, #tpu.memory_space<hbm>>) target(%arg4 : memref<4096xi32, #tpu.memory_space<vmem>>) target_semaphore(%run_scoped3A : memref<!tpu.dma_semaphore, #tpu.memory_space<semaphore_mem>>)
        %dma_wait3A = arith.constant 0 : i32
        %dma_wait3A_13 = tpu.memref_slice %arg2[%add3A, %dma_wait3A] : memref<24x4096xi32, #tpu.memory_space<hbm>> -> memref<1x4096xi32, #tpu.memory_space<hbm>>
        %dma_wait3A_14 = tpu.memref_squeeze %dma_wait3A_13 : memref<1x4096xi32, #tpu.memory_space<hbm>> -> memref<4096xi32, #tpu.memory_space<hbm>>
        %dma_wait3A_15 = arith.constant 0 : i32
        %dma_wait3A_16 = tpu.memref_slice %arg2[%add3A, %dma_wait3A_15] : memref<24x4096xi32, #tpu.memory_space<hbm>> -> memref<1x4096xi32, #tpu.memory_space<hbm>>
        %dma_wait3A_17 = tpu.memref_squeeze %dma_wait3A_16 : memref<1x4096xi32, #tpu.memory_space<hbm>> -> memref<4096xi32, #tpu.memory_space<hbm>>
        tpu.wait_dma2 semaphore(%run_scoped3A : memref<!tpu.dma_semaphore, #tpu.memory_space<semaphore_mem>>) src(%dma_wait3A_17 : memref<4096xi32, #tpu.memory_space<hbm>>) dst(%arg4 : memref<4096xi32, #tpu.memory_space<vmem>>)
        tpu.yield
      }) : () -> ()
      %scan3A = arith.constant 0 : i32
      %scan3A_3 = arith.constant 0 : i32
      %scan3A_4 = arith.constant 256 : i32
      %scan3A_5 = arith.addi %scan3A_3, %scan3A_4 : i32
      %scan3A_6 = arith.constant 1 : i32
      scf.for %scan3A_8 = %scan3A_3 to %scan3A_5 step %scan3A_6  : i32 {
        %mul3A_9 = arith.constant 16 : i32
        %mul3A_10 = arith.muli %scan3A_8, %mul3A_9 : i32
        %get3A = arith.index_cast %mul3A_10 : i32 to index
        %get3A_11 = tpu.vector_load %arg4[%get3A] {strides = array<i32>} : memref<4096xi32, #tpu.memory_space<vmem>>, vector<16xi32>,
        %iota3A = tpu.iota {dimensions = array<i32: 0>} : vector<16xi32>
        %mul3A_12 = arith.constant 16 : i32
        %mul3A_13 = arith.muli %scan3A_8, %mul3A_12 : i32
        %add3A_14 = vector.broadcast %mul3A_13 : i32 to vector<16xi32>
        %add3A_15 = arith.addi %iota3A, %add3A_14 : vector<16xi32>
        tpu.vector_store_idx %arg5[%get3A_11], %add3A_15 : memref<4096xi32, #tpu.memory_space<vmem>>[vector<16xi32>], vector<16xi32>,
      }
      %scan3A_7 = arith.constant 256 : i32
      "tpu.region"() ({
        %run_scoped3A = tpu.sem_alloc : memref<!tpu.dma_semaphore, #tpu.memory_space<semaphore_mem>>
        %dma_start3A = arith.constant 0 : i32
        %dma_start3A_8 = tpu.memref_slice %arg3[%add3A, %dma_start3A] : memref<24x4096xi32, #tpu.memory_space<hbm>> -> memref<1x4096xi32, #tpu.memory_space<hbm>>
        %dma_start3A_9 = tpu.memref_squeeze %dma_start3A_8 : memref<1x4096xi32, #tpu.memory_space<hbm>> -> memref<4096xi32, #tpu.memory_space<hbm>>
        %dma_start3A_10 = arith.constant 0 : i32
        %dma_start3A_11 = tpu.memref_slice %arg3[%add3A, %dma_start3A_10] : memref<24x4096xi32, #tpu.memory_space<hbm>> -> memref<1x4096xi32, #tpu.memory_space<hbm>>
        %dma_start3A_12 = tpu.memref_squeeze %dma_start3A_11 : memref<1x4096xi32, #tpu.memory_space<hbm>> -> memref<4096xi32, #tpu.memory_space<hbm>>
        tpu.enqueue_dma source(%arg5 : memref<4096xi32, #tpu.memory_space<vmem>>) target(%dma_start3A_12 : memref<4096xi32, #tpu.memory_space<hbm>>) target_semaphore(%run_scoped3A : memref<!tpu.dma_semaphore, #tpu.memory_space<semaphore_mem>>)
        %dma_wait3A = arith.constant 0 : i32
        %dma_wait3A_13 = tpu.memref_slice %arg3[%add3A, %dma_wait3A] : memref<24x4096xi32, #tpu.memory_space<hbm>> -> memref<1x4096xi32, #tpu.memory_space<hbm>>
        %dma_wait3A_14 = tpu.memref_squeeze %dma_wait3A_13 : memref<1x4096xi32, #tpu.memory_space<hbm>> -> memref<4096xi32, #tpu.memory_space<hbm>>
        %dma_wait3A_15 = arith.constant 0 : i32
        %dma_wait3A_16 = tpu.memref_slice %arg3[%add3A, %dma_wait3A_15] : memref<24x4096xi32, #tpu.memory_space<hbm>> -> memref<1x4096xi32, #tpu.memory_space<hbm>>
        %dma_wait3A_17 = tpu.memref_squeeze %dma_wait3A_16 : memref<1x4096xi32, #tpu.memory_space<hbm>> -> memref<4096xi32, #tpu.memory_space<hbm>>
        tpu.wait_dma2 semaphore(%run_scoped3A : memref<!tpu.dma_semaphore, #tpu.memory_space<semaphore_mem>>) src(%arg5 : memref<4096xi32, #tpu.memory_space<vmem>>) dst(%dma_wait3A_17 : memref<4096xi32, #tpu.memory_space<hbm>>)
        tpu.yield
      }) : () -> ()
    } else {
    }
    return
  }
}

module attributes {stable_mosaic.version = 14 : i64} {
  func.func @_k1_body(%arg0: i32, %arg1: memref<512x768xf32, #tpu.memory_space<vmem>>, %arg2: memref<2304x768xf32, #tpu.memory_space<vmem>>, %arg3: memref<1x768xf32, #tpu.memory_space<vmem>>, %arg4: memref<1x768xf32, #tpu.memory_space<vmem>>, %arg5: memref<1x2304xf32, #tpu.memory_space<vmem>>, %arg6: memref<512x2304xf32, #tpu.memory_space<vmem>>) attributes {dimension_semantics = [#tpu.dimension_semantics<arbitrary>], iteration_bounds = array<i64: 8>, scalar_prefetch = 0 : i64, scratch_operands = 0 : i64, tpu.core_type = #tpu.core_type<tc>, window_params = [{transform_indices = @transform_0, window_bounds = array<i64: 512, 768>}, {pipeline_mode = #tpu.pipeline_mode<synchronous>, transform_indices = @transform_1, window_bounds = array<i64: 2304, 768>}, {pipeline_mode = #tpu.pipeline_mode<synchronous>, transform_indices = @transform_2, window_bounds = array<i64: 1, 768>}, {pipeline_mode = #tpu.pipeline_mode<synchronous>, transform_indices = @transform_3, window_bounds = array<i64: 1, 768>}, {pipeline_mode = #tpu.pipeline_mode<synchronous>, transform_indices = @transform_4, window_bounds = array<i64: 1, 2304>}, {transform_indices = @transform_5, window_bounds = array<i64: 512, 2304>}]} {
    %get3A = arith.constant 0 : index
    %get3A_0 = arith.constant 0 : index
    %get3A_1 = vector.load %arg1[%get3A, %get3A_0] : memref<512x768xf32, #tpu.memory_space<vmem>>, vector<512x768xf32>
    %get3A_2 = arith.constant 0 : index
    %get3A_3 = arith.constant 0 : index
    %get3A_4 = vector.load %arg3[%get3A_2, %get3A_3] : memref<1x768xf32, #tpu.memory_space<vmem>>, vector<1x768xf32>
    %get3A_5 = arith.constant 0 : index
    %get3A_6 = arith.constant 0 : index
    %get3A_7 = vector.load %arg4[%get3A_5, %get3A_6] : memref<1x768xf32, #tpu.memory_space<vmem>>, vector<1x768xf32>
    %reduce_sum3A = arith.constant dense<0.000000e+00> : vector<512xf32>
    %reduce_sum3A_8 = vector.multi_reduction <add>, %get3A_1, %reduce_sum3A [1] : vector<512x768xf32> to vector<512xf32>
    %broadcast_in_dim3A = vector.shape_cast %reduce_sum3A_8 : vector<512xf32> to vector<512x1xf32>
    %div3A = arith.constant 7.680000e+02 : f32
    %div3A_9 = vector.broadcast %div3A : f32 to vector<512x1xf32>
    %div3A_10 = arith.divf %broadcast_in_dim3A, %div3A_9 : vector<512x1xf32>
    %sub3A = vector.broadcast %div3A_10 : vector<512x1xf32> to vector<512x768xf32>
    %sub3A_11 = arith.subf %get3A_1, %sub3A : vector<512x768xf32>
    %integer_pow3A = arith.mulf %sub3A_11, %sub3A_11 : vector<512x768xf32>
    %reduce_sum3A_12 = arith.constant dense<0.000000e+00> : vector<512xf32>
    %reduce_sum3A_13 = vector.multi_reduction <add>, %integer_pow3A, %reduce_sum3A_12 [1] : vector<512x768xf32> to vector<512xf32>
    %broadcast_in_dim3A_14 = vector.shape_cast %reduce_sum3A_13 : vector<512xf32> to vector<512x1xf32>
    %div3A_15 = arith.constant 7.680000e+02 : f32
    %div3A_16 = vector.broadcast %div3A_15 : f32 to vector<512x1xf32>
    %div3A_17 = arith.divf %broadcast_in_dim3A_14, %div3A_16 : vector<512x1xf32>
    %sub3A_18 = vector.broadcast %div3A_10 : vector<512x1xf32> to vector<512x768xf32>
    %sub3A_19 = arith.subf %get3A_1, %sub3A_18 : vector<512x768xf32>
    %add3A = arith.constant 9.99999997E-7 : f32
    %add3A_20 = vector.broadcast %add3A : f32 to vector<512x1xf32>
    %add3A_21 = arith.addf %div3A_17, %add3A_20 : vector<512x1xf32>
    %sqrt3A = math.sqrt %add3A_21 : vector<512x1xf32>
    %div3A_22 = vector.broadcast %sqrt3A : vector<512x1xf32> to vector<512x768xf32>
    %div3A_23 = arith.divf %sub3A_19, %div3A_22 : vector<512x768xf32>
    %mul3A = vector.broadcast %get3A_4 : vector<1x768xf32> to vector<512x768xf32>
    %mul3A_24 = arith.mulf %div3A_23, %mul3A : vector<512x768xf32>
    %add3A_25 = vector.broadcast %get3A_7 : vector<1x768xf32> to vector<512x768xf32>
    %add3A_26 = arith.addf %mul3A_24, %add3A_25 : vector<512x768xf32>
    %get3A_27 = arith.constant 0 : index
    %get3A_28 = arith.constant 0 : index
    %get3A_29 = vector.load %arg2[%get3A_27, %get3A_28] : memref<2304x768xf32, #tpu.memory_space<vmem>>, vector<2304x768xf32>
    %convert_element_type3A = arith.truncf %add3A_26 : vector<512x768xf32> to vector<512x768xbf16>
    %convert_element_type3A_30 = arith.truncf %get3A_29 : vector<2304x768xf32> to vector<2304x768xbf16>
    %dot_general3A = arith.constant dense<0.000000e+00> : vector<512x2304xf32>
    %dot_general3A_31 = tpu.matmul %convert_element_type3A, %convert_element_type3A_30, %dot_general3A {dimension_numbers = #tpu.dot_dimension_numbers<[1], [1], [0], [0], [0, 0, 1, 0], [], []>, transpose_lhs_hint = false} : vector<512x768xbf16>, vector<2304x768xbf16>, vector<512x2304xf32> -> vector<512x2304xf32>
    %iota3A = tpu.iota {dimensions = array<i32: 1>} : vector<1x2304xi32>
    %lt3A = arith.constant 768 : i32
    %lt3A_32 = vector.broadcast %lt3A : i32 to vector<1x2304xi32>
    %lt3A_33 = arith.cmpi slt, %iota3A, %lt3A_32 : vector<1x2304xi32>
    %jit3A = arith.constant 1.250000e-01 : f32
    %jit3A_34 = arith.constant 1.000000e+00 : f32
    %broadcast_in_dim3A_35 = vector.broadcast %jit3A : f32 to vector<1x2304xf32>
    %broadcast_in_dim3A_36 = vector.broadcast %jit3A_34 : f32 to vector<1x2304xf32>
    %select_n3A = arith.select %lt3A_33, %broadcast_in_dim3A_35, %broadcast_in_dim3A_36 : vector<1x2304xi1>, vector<1x2304xf32>
    %mul3A_37 = vector.broadcast %select_n3A : vector<1x2304xf32> to vector<512x2304xf32>
    %mul3A_38 = arith.mulf %dot_general3A_31, %mul3A_37 : vector<512x2304xf32>
    %get3A_39 = arith.constant 0 : index
    %get3A_40 = arith.constant 0 : index
    %get3A_41 = vector.load %arg5[%get3A_39, %get3A_40] : memref<1x2304xf32, #tpu.memory_space<vmem>>, vector<1x2304xf32>
    %mul3A_42 = arith.mulf %get3A_41, %select_n3A : vector<1x2304xf32>
    %add3A_43 = vector.broadcast %mul3A_42 : vector<1x2304xf32> to vector<512x2304xf32>
    %add3A_44 = arith.addf %mul3A_38, %add3A_43 : vector<512x2304xf32>
    %swap3A = arith.constant 0 : index
    %swap3A_45 = arith.constant 0 : index
    %swap3A_46 = vector.load %arg6[%swap3A, %swap3A_45] : memref<512x2304xf32, #tpu.memory_space<vmem>>, vector<512x2304xf32>
    tpu.vector_store %arg6[%swap3A, %swap3A_45], %add3A_44 {strides = array<i32>} : memref<512x2304xf32, #tpu.memory_space<vmem>>, vector<512x2304xf32>,
    return
  }
  func.func @transform_0(%arg0: i32) -> (i32, i32) {
    %c0_i32 = arith.constant 0 : i32
    %c0_i32_0 = arith.constant 0 : i32
    return %arg0, %c0_i32 : i32, i32
  }
  func.func @transform_1(%arg0: i32) -> (i32, i32) {
    %c0_i32 = arith.constant 0 : i32
    %c0_i32_0 = arith.constant 0 : i32
    %c0_i32_1 = arith.constant 0 : i32
    return %c0_i32, %c0_i32_0 : i32, i32
  }
  func.func @transform_2(%arg0: i32) -> (i32, i32) {
    %c0_i32 = arith.constant 0 : i32
    %c0_i32_0 = arith.constant 0 : i32
    %c0_i32_1 = arith.constant 0 : i32
    return %c0_i32, %c0_i32_0 : i32, i32
  }
  func.func @transform_3(%arg0: i32) -> (i32, i32) {
    %c0_i32 = arith.constant 0 : i32
    %c0_i32_0 = arith.constant 0 : i32
    %c0_i32_1 = arith.constant 0 : i32
    return %c0_i32, %c0_i32_0 : i32, i32
  }
  func.func @transform_4(%arg0: i32) -> (i32, i32) {
    %c0_i32 = arith.constant 0 : i32
    %c0_i32_0 = arith.constant 0 : i32
    %c0_i32_1 = arith.constant 0 : i32
    return %c0_i32, %c0_i32_0 : i32, i32
  }
  func.func @transform_5(%arg0: i32) -> (i32, i32) {
    %c0_i32 = arith.constant 0 : i32
    %c0_i32_0 = arith.constant 0 : i32
    return %arg0, %c0_i32 : i32, i32
  }
}

module attributes {stable_mosaic.version = 14 : i64} {
  func.func @_k2_body(%arg0: i32, %arg1: memref<16x128x64xf32, #tpu.memory_space<vmem>>, %arg2: memref<16x128x128xf32, #tpu.memory_space<vmem>>, %arg3: memref<16x128x64xf32, #tpu.memory_space<vmem>>, %arg4: memref<16x128xf32, #tpu.memory_space<vmem>>) attributes {dimension_semantics = [#tpu.dimension_semantics<arbitrary>], iteration_bounds = array<i64: 48>, scalar_prefetch = 0 : i64, scratch_operands = 0 : i64, tpu.core_type = #tpu.core_type<tc>, window_params = [{transform_indices = @transform_0, window_bounds = array<i64: 16, 128, 64>}, {transform_indices = @transform_1, window_bounds = array<i64: 16, 128, 128>}, {transform_indices = @transform_2, window_bounds = array<i64: 16, 128, 64>}, {transform_indices = @transform_3, window_bounds = array<i64: 16, 128>}]} {
    %get3A = arith.constant 0 : index
    %get3A_0 = arith.constant 0 : index
    %get3A_1 = arith.constant 0 : index
    %get3A_2 = vector.load %arg1[%get3A, %get3A_0, %get3A_1] : memref<16x128x64xf32, #tpu.memory_space<vmem>>, vector<1x128x64xf32>
    %get3A_3 = vector.shape_cast %get3A_2 : vector<1x128x64xf32> to vector<128x64xf32>
    %get3A_4 = arith.constant 0 : index
    %get3A_5 = arith.constant 0 : index
    %get3A_6 = arith.constant 0 : index
    %get3A_7 = vector.load %arg2[%get3A_4, %get3A_5, %get3A_6] : memref<16x128x128xf32, #tpu.memory_space<vmem>>, vector<1x128x128xf32>
    %get3A_8 = vector.shape_cast %get3A_7 : vector<1x128x128xf32> to vector<128x128xf32>
    %slice3A = vector.extract_strided_slice %get3A_8 {offsets = [0, 0], sizes = [128, 64], strides = [1, 1]} : vector<128x128xf32> to vector<128x64xf32>
    %slice3A_9 = vector.extract_strided_slice %get3A_8 {offsets = [0, 64], sizes = [128, 64], strides = [1, 1]} : vector<128x128xf32> to vector<128x64xf32>
    %convert_element_type3A = arith.truncf %get3A_3 : vector<128x64xf32> to vector<128x64xbf16>
    %convert_element_type3A_10 = arith.truncf %slice3A : vector<128x64xf32> to vector<128x64xbf16>
    %dot_general3A = arith.constant dense<0.000000e+00> : vector<128x128xf32>
    %dot_general3A_11 = tpu.matmul %convert_element_type3A, %convert_element_type3A_10, %dot_general3A {dimension_numbers = #tpu.dot_dimension_numbers<[1], [1], [0], [0], [0, 0, 1, 0], [], []>, transpose_lhs_hint = false} : vector<128x64xbf16>, vector<128x64xbf16>, vector<128x128xf32> -> vector<128x128xf32>
    %reduce_max3A = arith.constant dense<0xFF800000> : vector<128xf32>
    %reduce_max3A_12 = vector.multi_reduction <maximumf>, %dot_general3A_11, %reduce_max3A [1] : vector<128x128xf32> to vector<128xf32>
    %broadcast_in_dim3A = vector.shape_cast %reduce_max3A_12 : vector<128xf32> to vector<128x1xf32>
    %sub3A = vector.broadcast %broadcast_in_dim3A : vector<128x1xf32> to vector<128x128xf32>
    %sub3A_13 = arith.subf %dot_general3A_11, %sub3A : vector<128x128xf32>
    %exp3A = math.exp %sub3A_13 : vector<128x128xf32>
    %reduce_sum3A = arith.constant dense<0.000000e+00> : vector<128xf32>
    %reduce_sum3A_14 = vector.multi_reduction <add>, %exp3A, %reduce_sum3A [1] : vector<128x128xf32> to vector<128xf32>
    %broadcast_in_dim3A_15 = vector.shape_cast %reduce_sum3A_14 : vector<128xf32> to vector<128x1xf32>
    %div3A = vector.broadcast %broadcast_in_dim3A_15 : vector<128x1xf32> to vector<128x128xf32>
    %div3A_16 = arith.divf %exp3A, %div3A : vector<128x128xf32>
    %convert_element_type3A_17 = arith.truncf %div3A_16 : vector<128x128xf32> to vector<128x128xbf16>
    %convert_element_type3A_18 = arith.truncf %slice3A_9 : vector<128x64xf32> to vector<128x64xbf16>
    %dot_general3A_19 = arith.constant dense<0.000000e+00> : vector<128x64xf32>
    %dot_general3A_20 = tpu.matmul %convert_element_type3A_17, %convert_element_type3A_18, %dot_general3A_19 {dimension_numbers = #tpu.dot_dimension_numbers<[1], [0], [0], [1], [0, 0, 1, 1], [], []>, transpose_lhs_hint = false} : vector<128x128xbf16>, vector<128x64xbf16>, vector<128x64xf32> -> vector<128x64xf32>
    %swap3A = arith.constant 0 : index
    %swap3A_21 = arith.constant 0 : index
    %swap3A_22 = arith.constant 0 : index
    %swap3A_23 = vector.load %arg3[%swap3A, %swap3A_21, %swap3A_22] : memref<16x128x64xf32, #tpu.memory_space<vmem>>, vector<1x128x64xf32>
    %swap3A_24 = vector.shape_cast %swap3A_23 : vector<1x128x64xf32> to vector<128x64xf32>
    %swap3A_25 = vector.shape_cast %dot_general3A_20 : vector<128x64xf32> to vector<1x128x64xf32>
    tpu.vector_store %arg3[%swap3A, %swap3A_21, %swap3A_22], %swap3A_25 {strides = array<i32>} : memref<16x128x64xf32, #tpu.memory_space<vmem>>, vector<1x128x64xf32>,
    %log3A = math.log %broadcast_in_dim3A_15 : vector<128x1xf32>
    %add3A = arith.addf %broadcast_in_dim3A, %log3A : vector<128x1xf32>
    %squeeze3A = vector.shape_cast %add3A : vector<128x1xf32> to vector<128xf32>
    %swap3A_26 = arith.constant 0 : index
    %swap3A_27 = arith.constant 0 : index
    %swap3A_28 = vector.load %arg4[%swap3A_26, %swap3A_27] : memref<16x128xf32, #tpu.memory_space<vmem>>, vector<1x128xf32>
    %swap3A_29 = vector.shape_cast %swap3A_28 : vector<1x128xf32> to vector<128xf32>
    %swap3A_30 = vector.shape_cast %squeeze3A : vector<128xf32> to vector<1x128xf32>
    tpu.vector_store %arg4[%swap3A_26, %swap3A_27], %swap3A_30 {strides = array<i32>} : memref<16x128xf32, #tpu.memory_space<vmem>>, vector<1x128xf32>,
    %get3A_31 = arith.constant 1 : index
    %get3A_32 = arith.constant 0 : index
    %get3A_33 = arith.constant 0 : index
    %get3A_34 = vector.load %arg1[%get3A_31, %get3A_32, %get3A_33] : memref<16x128x64xf32, #tpu.memory_space<vmem>>, vector<1x128x64xf32>
    %get3A_35 = vector.shape_cast %get3A_34 : vector<1x128x64xf32> to vector<128x64xf32>
    %get3A_36 = arith.constant 1 : index
    %get3A_37 = arith.constant 0 : index
    %get3A_38 = arith.constant 0 : index
    %get3A_39 = vector.load %arg2[%get3A_36, %get3A_37, %get3A_38] : memref<16x128x128xf32, #tpu.memory_space<vmem>>, vector<1x128x128xf32>
    %get3A_40 = vector.shape_cast %get3A_39 : vector<1x128x128xf32> to vector<128x128xf32>
    %slice3A_41 = vector.extract_strided_slice %get3A_40 {offsets = [0, 0], sizes = [128, 64], strides = [1, 1]} : vector<128x128xf32> to vector<128x64xf32>
    %slice3A_42 = vector.extract_strided_slice %get3A_40 {offsets = [0, 64], sizes = [128, 64], strides = [1, 1]} : vector<128x128xf32> to vector<128x64xf32>
    %convert_element_type3A_43 = arith.truncf %get3A_35 : vector<128x64xf32> to vector<128x64xbf16>
    %convert_element_type3A_44 = arith.truncf %slice3A_41 : vector<128x64xf32> to vector<128x64xbf16>
    %dot_general3A_45 = arith.constant dense<0.000000e+00> : vector<128x128xf32>
    %dot_general3A_46 = tpu.matmul %convert_element_type3A_43, %convert_element_type3A_44, %dot_general3A_45 {dimension_numbers = #tpu.dot_dimension_numbers<[1], [1], [0], [0], [0, 0, 1, 0], [], []>, transpose_lhs_hint = false} : vector<128x64xbf16>, vector<128x64xbf16>, vector<128x128xf32> -> vector<128x128xf32>
    %reduce_max3A_47 = arith.constant dense<0xFF800000> : vector<128xf32>
    %reduce_max3A_48 = vector.multi_reduction <maximumf>, %dot_general3A_46, %reduce_max3A_47 [1] : vector<128x128xf32> to vector<128xf32>
    %broadcast_in_dim3A_49 = vector.shape_cast %reduce_max3A_48 : vector<128xf32> to vector<128x1xf32>
    %sub3A_50 = vector.broadcast %broadcast_in_dim3A_49 : vector<128x1xf32> to vector<128x128xf32>
    %sub3A_51 = arith.subf %dot_general3A_46, %sub3A_50 : vector<128x128xf32>
    %exp3A_52 = math.exp %sub3A_51 : vector<128x128xf32>
    %reduce_sum3A_53 = arith.constant dense<0.000000e+00> : vector<128xf32>
    %reduce_sum3A_54 = vector.multi_reduction <add>, %exp3A_52, %reduce_sum3A_53 [1] : vector<128x128xf32> to vector<128xf32>
    %broadcast_in_dim3A_55 = vector.shape_cast %reduce_sum3A_54 : vector<128xf32> to vector<128x1xf32>
    %div3A_56 = vector.broadcast %broadcast_in_dim3A_55 : vector<128x1xf32> to vector<128x128xf32>
    %div3A_57 = arith.divf %exp3A_52, %div3A_56 : vector<128x128xf32>
    %convert_element_type3A_58 = arith.truncf %div3A_57 : vector<128x128xf32> to vector<128x128xbf16>
    %convert_element_type3A_59 = arith.truncf %slice3A_42 : vector<128x64xf32> to vector<128x64xbf16>
    %dot_general3A_60 = arith.constant dense<0.000000e+00> : vector<128x64xf32>
    %dot_general3A_61 = tpu.matmul %convert_element_type3A_58, %convert_element_type3A_59, %dot_general3A_60 {dimension_numbers = #tpu.dot_dimension_numbers<[1], [0], [0], [1], [0, 0, 1, 1], [], []>, transpose_lhs_hint = false} : vector<128x128xbf16>, vector<128x64xbf16>, vector<128x64xf32> -> vector<128x64xf32>
    %swap3A_62 = arith.constant 1 : index
    %swap3A_63 = arith.constant 0 : index
    %swap3A_64 = arith.constant 0 : index
    %swap3A_65 = vector.load %arg3[%swap3A_62, %swap3A_63, %swap3A_64] : memref<16x128x64xf32, #tpu.memory_space<vmem>>, vector<1x128x64xf32>
    %swap3A_66 = vector.shape_cast %swap3A_65 : vector<1x128x64xf32> to vector<128x64xf32>
    %swap3A_67 = vector.shape_cast %dot_general3A_61 : vector<128x64xf32> to vector<1x128x64xf32>
    tpu.vector_store %arg3[%swap3A_62, %swap3A_63, %swap3A_64], %swap3A_67 {strides = array<i32>} : memref<16x128x64xf32, #tpu.memory_space<vmem>>, vector<1x128x64xf32>,
    %log3A_68 = math.log %broadcast_in_dim3A_55 : vector<128x1xf32>
    %add3A_69 = arith.addf %broadcast_in_dim3A_49, %log3A_68 : vector<128x1xf32>
    %squeeze3A_70 = vector.shape_cast %add3A_69 : vector<128x1xf32> to vector<128xf32>
    %swap3A_71 = arith.constant 1 : index
    %swap3A_72 = arith.constant 0 : index
    %swap3A_73 = vector.load %arg4[%swap3A_71, %swap3A_72] : memref<16x128xf32, #tpu.memory_space<vmem>>, vector<1x128xf32>
    %swap3A_74 = vector.shape_cast %swap3A_73 : vector<1x128xf32> to vector<128xf32>
    %swap3A_75 = vector.shape_cast %squeeze3A_70 : vector<128xf32> to vector<1x128xf32>
    tpu.vector_store %arg4[%swap3A_71, %swap3A_72], %swap3A_75 {strides = array<i32>} : memref<16x128xf32, #tpu.memory_space<vmem>>, vector<1x128xf32>,
    %get3A_76 = arith.constant 2 : index
    %get3A_77 = arith.constant 0 : index
    %get3A_78 = arith.constant 0 : index
    %get3A_79 = vector.load %arg1[%get3A_76, %get3A_77, %get3A_78] : memref<16x128x64xf32, #tpu.memory_space<vmem>>, vector<1x128x64xf32>
    %get3A_80 = vector.shape_cast %get3A_79 : vector<1x128x64xf32> to vector<128x64xf32>
    %get3A_81 = arith.constant 2 : index
    %get3A_82 = arith.constant 0 : index
    %get3A_83 = arith.constant 0 : index
    %get3A_84 = vector.load %arg2[%get3A_81, %get3A_82, %get3A_83] : memref<16x128x128xf32, #tpu.memory_space<vmem>>, vector<1x128x128xf32>
    %get3A_85 = vector.shape_cast %get3A_84 : vector<1x128x128xf32> to vector<128x128xf32>
    %slice3A_86 = vector.extract_strided_slice %get3A_85 {offsets = [0, 0], sizes = [128, 64], strides = [1, 1]} : vector<128x128xf32> to vector<128x64xf32>
    %slice3A_87 = vector.extract_strided_slice %get3A_85 {offsets = [0, 64], sizes = [128, 64], strides = [1, 1]} : vector<128x128xf32> to vector<128x64xf32>
    %convert_element_type3A_88 = arith.truncf %get3A_80 : vector<128x64xf32> to vector<128x64xbf16>
    %convert_element_type3A_89 = arith.truncf %slice3A_86 : vector<128x64xf32> to vector<128x64xbf16>
    %dot_general3A_90 = arith.constant dense<0.000000e+00> : vector<128x128xf32>
    %dot_general3A_91 = tpu.matmul %convert_element_type3A_88, %convert_element_type3A_89, %dot_general3A_90 {dimension_numbers = #tpu.dot_dimension_numbers<[1], [1], [0], [0], [0, 0, 1, 0], [], []>, transpose_lhs_hint = false} : vector<128x64xbf16>, vector<128x64xbf16>, vector<128x128xf32> -> vector<128x128xf32>
    %reduce_max3A_92 = arith.constant dense<0xFF800000> : vector<128xf32>
    %reduce_max3A_93 = vector.multi_reduction <maximumf>, %dot_general3A_91, %reduce_max3A_92 [1] : vector<128x128xf32> to vector<128xf32>
    %broadcast_in_dim3A_94 = vector.shape_cast %reduce_max3A_93 : vector<128xf32> to vector<128x1xf32>
    %sub3A_95 = vector.broadcast %broadcast_in_dim3A_94 : vector<128x1xf32> to vector<128x128xf32>
    %sub3A_96 = arith.subf %dot_general3A_91, %sub3A_95 : vector<128x128xf32>
    %exp3A_97 = math.exp %sub3A_96 : vector<128x128xf32>
    %reduce_sum3A_98 = arith.constant dense<0.000000e+00> : vector<128xf32>
    %reduce_sum3A_99 = vector.multi_reduction <add>, %exp3A_97, %reduce_sum3A_98 [1] : vector<128x128xf32> to vector<128xf32>
    %broadcast_in_dim3A_100 = vector.shape_cast %reduce_sum3A_99 : vector<128xf32> to vector<128x1xf32>
    %div3A_101 = vector.broadcast %broadcast_in_dim3A_100 : vector<128x1xf32> to vector<128x128xf32>
    %div3A_102 = arith.divf %exp3A_97, %div3A_101 : vector<128x128xf32>
    %convert_element_type3A_103 = arith.truncf %div3A_102 : vector<128x128xf32> to vector<128x128xbf16>
    %convert_element_type3A_104 = arith.truncf %slice3A_87 : vector<128x64xf32> to vector<128x64xbf16>
    %dot_general3A_105 = arith.constant dense<0.000000e+00> : vector<128x64xf32>
    %dot_general3A_106 = tpu.matmul %convert_element_type3A_103, %convert_element_type3A_104, %dot_general3A_105 {dimension_numbers = #tpu.dot_dimension_numbers<[1], [0], [0], [1], [0, 0, 1, 1], [], []>, transpose_lhs_hint = false} : vector<128x128xbf16>, vector<128x64xbf16>, vector<128x64xf32> -> vector<128x64xf32>
    %swap3A_107 = arith.constant 2 : index
    %swap3A_108 = arith.constant 0 : index
    %swap3A_109 = arith.constant 0 : index
    %swap3A_110 = vector.load %arg3[%swap3A_107, %swap3A_108, %swap3A_109] : memref<16x128x64xf32, #tpu.memory_space<vmem>>, vector<1x128x64xf32>
    %swap3A_111 = vector.shape_cast %swap3A_110 : vector<1x128x64xf32> to vector<128x64xf32>
    %swap3A_112 = vector.shape_cast %dot_general3A_106 : vector<128x64xf32> to vector<1x128x64xf32>
    tpu.vector_store %arg3[%swap3A_107, %swap3A_108, %swap3A_109], %swap3A_112 {strides = array<i32>} : memref<16x128x64xf32, #tpu.memory_space<vmem>>, vector<1x128x64xf32>,
    %log3A_113 = math.log %broadcast_in_dim3A_100 : vector<128x1xf32>
    %add3A_114 = arith.addf %broadcast_in_dim3A_94, %log3A_113 : vector<128x1xf32>
    %squeeze3A_115 = vector.shape_cast %add3A_114 : vector<128x1xf32> to vector<128xf32>
    %swap3A_116 = arith.constant 2 : index
    %swap3A_117 = arith.constant 0 : index
    %swap3A_118 = vector.load %arg4[%swap3A_116, %swap3A_117] : memref<16x128xf32, #tpu.memory_space<vmem>>, vector<1x128xf32>
    %swap3A_119 = vector.shape_cast %swap3A_118 : vector<1x128xf32> to vector<128xf32>
    %swap3A_120 = vector.shape_cast %squeeze3A_115 : vector<128xf32> to vector<1x128xf32>
    tpu.vector_store %arg4[%swap3A_116, %swap3A_117], %swap3A_120 {strides = array<i32>} : memref<16x128xf32, #tpu.memory_space<vmem>>, vector<1x128xf32>,
    %get3A_121 = arith.constant 3 : index
    %get3A_122 = arith.constant 0 : index
    %get3A_123 = arith.constant 0 : index
    %get3A_124 = vector.load %arg1[%get3A_121, %get3A_122, %get3A_123] : memref<16x128x64xf32, #tpu.memory_space<vmem>>, vector<1x128x64xf32>
    %get3A_125 = vector.shape_cast %get3A_124 : vector<1x128x64xf32> to vector<128x64xf32>
    %get3A_126 = arith.constant 3 : index
    %get3A_127 = arith.constant 0 : index
    %get3A_128 = arith.constant 0 : index
    %get3A_129 = vector.load %arg2[%get3A_126, %get3A_127, %get3A_128] : memref<16x128x128xf32, #tpu.memory_space<vmem>>, vector<1x128x128xf32>
    %get3A_130 = vector.shape_cast %get3A_129 : vector<1x128x128xf32> to vector<128x128xf32>
    %slice3A_131 = vector.extract_strided_slice %get3A_130 {offsets = [0, 0], sizes = [128, 64], strides = [1, 1]} : vector<128x128xf32> to vector<128x64xf32>
    %slice3A_132 = vector.extract_strided_slice %get3A_130 {offsets = [0, 64], sizes = [128, 64], strides = [1, 1]} : vector<128x128xf32> to vector<128x64xf32>
    %convert_element_type3A_133 = arith.truncf %get3A_125 : vector<128x64xf32> to vector<128x64xbf16>
    %convert_element_type3A_134 = arith.truncf %slice3A_131 : vector<128x64xf32> to vector<128x64xbf16>
    %dot_general3A_135 = arith.constant dense<0.000000e+00> : vector<128x128xf32>
    %dot_general3A_136 = tpu.matmul %convert_element_type3A_133, %convert_element_type3A_134, %dot_general3A_135 {dimension_numbers = #tpu.dot_dimension_numbers<[1], [1], [0], [0], [0, 0, 1, 0], [], []>, transpose_lhs_hint = false} : vector<128x64xbf16>, vector<128x64xbf16>, vector<128x128xf32> -> vector<128x128xf32>
    %reduce_max3A_137 = arith.constant dense<0xFF800000> : vector<128xf32>
    %reduce_max3A_138 = vector.multi_reduction <maximumf>, %dot_general3A_136, %reduce_max3A_137 [1] : vector<128x128xf32> to vector<128xf32>
    %broadcast_in_dim3A_139 = vector.shape_cast %reduce_max3A_138 : vector<128xf32> to vector<128x1xf32>
    %sub3A_140 = vector.broadcast %broadcast_in_dim3A_139 : vector<128x1xf32> to vector<128x128xf32>
    %sub3A_141 = arith.subf %dot_general3A_136, %sub3A_140 : vector<128x128xf32>
    %exp3A_142 = math.exp %sub3A_141 : vector<128x128xf32>
    %reduce_sum3A_143 = arith.constant dense<0.000000e+00> : vector<128xf32>
    %reduce_sum3A_144 = vector.multi_reduction <add>, %exp3A_142, %reduce_sum3A_143 [1] : vector<128x128xf32> to vector<128xf32>
    %broadcast_in_dim3A_145 = vector.shape_cast %reduce_sum3A_144 : vector<128xf32> to vector<128x1xf32>
    %div3A_146 = vector.broadcast %broadcast_in_dim3A_145 : vector<128x1xf32> to vector<128x128xf32>
    %div3A_147 = arith.divf %exp3A_142, %div3A_146 : vector<128x128xf32>
    %convert_element_type3A_148 = arith.truncf %div3A_147 : vector<128x128xf32> to vector<128x128xbf16>
    %convert_element_type3A_149 = arith.truncf %slice3A_132 : vector<128x64xf32> to vector<128x64xbf16>
    %dot_general3A_150 = arith.constant dense<0.000000e+00> : vector<128x64xf32>
    %dot_general3A_151 = tpu.matmul %convert_element_type3A_148, %convert_element_type3A_149, %dot_general3A_150 {dimension_numbers = #tpu.dot_dimension_numbers<[1], [0], [0], [1], [0, 0, 1, 1], [], []>, transpose_lhs_hint = false} : vector<128x128xbf16>, vector<128x64xbf16>, vector<128x64xf32> -> vector<128x64xf32>
    %swap3A_152 = arith.constant 3 : index
    %swap3A_153 = arith.constant 0 : index
    %swap3A_154 = arith.constant 0 : index
    %swap3A_155 = vector.load %arg3[%swap3A_152, %swap3A_153, %swap3A_154] : memref<16x128x64xf32, #tpu.memory_space<vmem>>, vector<1x128x64xf32>
    %swap3A_156 = vector.shape_cast %swap3A_155 : vector<1x128x64xf32> to vector<128x64xf32>
    %swap3A_157 = vector.shape_cast %dot_general3A_151 : vector<128x64xf32> to vector<1x128x64xf32>
    tpu.vector_store %arg3[%swap3A_152, %swap3A_153, %swap3A_154], %swap3A_157 {strides = array<i32>} : memref<16x128x64xf32, #tpu.memory_space<vmem>>, vector<1x128x64xf32>,
    %log3A_158 = math.log %broadcast_in_dim3A_145 : vector<128x1xf32>
    %add3A_159 = arith.addf %broadcast_in_dim3A_139, %log3A_158 : vector<128x1xf32>
    %squeeze3A_160 = vector.shape_cast %add3A_159 : vector<128x1xf32> to vector<128xf32>
    %swap3A_161 = arith.constant 3 : index
    %swap3A_162 = arith.constant 0 : index
    %swap3A_163 = vector.load %arg4[%swap3A_161, %swap3A_162] : memref<16x128xf32, #tpu.memory_space<vmem>>, vector<1x128xf32>
    %swap3A_164 = vector.shape_cast %swap3A_163 : vector<1x128xf32> to vector<128xf32>
    %swap3A_165 = vector.shape_cast %squeeze3A_160 : vector<128xf32> to vector<1x128xf32>
    tpu.vector_store %arg4[%swap3A_161, %swap3A_162], %swap3A_165 {strides = array<i32>} : memref<16x128xf32, #tpu.memory_space<vmem>>, vector<1x128xf32>,
    %get3A_166 = arith.constant 4 : index
    %get3A_167 = arith.constant 0 : index
    %get3A_168 = arith.constant 0 : index
    %get3A_169 = vector.load %arg1[%get3A_166, %get3A_167, %get3A_168] : memref<16x128x64xf32, #tpu.memory_space<vmem>>, vector<1x128x64xf32>
    %get3A_170 = vector.shape_cast %get3A_169 : vector<1x128x64xf32> to vector<128x64xf32>
    %get3A_171 = arith.constant 4 : index
    %get3A_172 = arith.constant 0 : index
    %get3A_173 = arith.constant 0 : index
    %get3A_174 = vector.load %arg2[%get3A_171, %get3A_172, %get3A_173] : memref<16x128x128xf32, #tpu.memory_space<vmem>>, vector<1x128x128xf32>
    %get3A_175 = vector.shape_cast %get3A_174 : vector<1x128x128xf32> to vector<128x128xf32>
    %slice3A_176 = vector.extract_strided_slice %get3A_175 {offsets = [0, 0], sizes = [128, 64], strides = [1, 1]} : vector<128x128xf32> to vector<128x64xf32>
    %slice3A_177 = vector.extract_strided_slice %get3A_175 {offsets = [0, 64], sizes = [128, 64], strides = [1, 1]} : vector<128x128xf32> to vector<128x64xf32>
    %convert_element_type3A_178 = arith.truncf %get3A_170 : vector<128x64xf32> to vector<128x64xbf16>
    %convert_element_type3A_179 = arith.truncf %slice3A_176 : vector<128x64xf32> to vector<128x64xbf16>
    %dot_general3A_180 = arith.constant dense<0.000000e+00> : vector<128x128xf32>
    %dot_general3A_181 = tpu.matmul %convert_element_type3A_178, %convert_element_type3A_179, %dot_general3A_180 {dimension_numbers = #tpu.dot_dimension_numbers<[1], [1], [0], [0], [0, 0, 1, 0], [], []>, transpose_lhs_hint = false} : vector<128x64xbf16>, vector<128x64xbf16>, vector<128x128xf32> -> vector<128x128xf32>
    %reduce_max3A_182 = arith.constant dense<0xFF800000> : vector<128xf32>
    %reduce_max3A_183 = vector.multi_reduction <maximumf>, %dot_general3A_181, %reduce_max3A_182 [1] : vector<128x128xf32> to vector<128xf32>
    %broadcast_in_dim3A_184 = vector.shape_cast %reduce_max3A_183 : vector<128xf32> to vector<128x1xf32>
    %sub3A_185 = vector.broadcast %broadcast_in_dim3A_184 : vector<128x1xf32> to vector<128x128xf32>
    %sub3A_186 = arith.subf %dot_general3A_181, %sub3A_185 : vector<128x128xf32>
    %exp3A_187 = math.exp %sub3A_186 : vector<128x128xf32>
    %reduce_sum3A_188 = arith.constant dense<0.000000e+00> : vector<128xf32>
    %reduce_sum3A_189 = vector.multi_reduction <add>, %exp3A_187, %reduce_sum3A_188 [1] : vector<128x128xf32> to vector<128xf32>
    %broadcast_in_dim3A_190 = vector.shape_cast %reduce_sum3A_189 : vector<128xf32> to vector<128x1xf32>
    %div3A_191 = vector.broadcast %broadcast_in_dim3A_190 : vector<128x1xf32> to vector<128x128xf32>
    %div3A_192 = arith.divf %exp3A_187, %div3A_191 : vector<128x128xf32>
    %convert_element_type3A_193 = arith.truncf %div3A_192 : vector<128x128xf32> to vector<128x128xbf16>
    %convert_element_type3A_194 = arith.truncf %slice3A_177 : vector<128x64xf32> to vector<128x64xbf16>
    %dot_general3A_195 = arith.constant dense<0.000000e+00> : vector<128x64xf32>
    %dot_general3A_196 = tpu.matmul %convert_element_type3A_193, %convert_element_type3A_194, %dot_general3A_195 {dimension_numbers = #tpu.dot_dimension_numbers<[1], [0], [0], [1], [0, 0, 1, 1], [], []>, transpose_lhs_hint = false} : vector<128x128xbf16>, vector<128x64xbf16>, vector<128x64xf32> -> vector<128x64xf32>
    %swap3A_197 = arith.constant 4 : index
    %swap3A_198 = arith.constant 0 : index
    %swap3A_199 = arith.constant 0 : index
    %swap3A_200 = vector.load %arg3[%swap3A_197, %swap3A_198, %swap3A_199] : memref<16x128x64xf32, #tpu.memory_space<vmem>>, vector<1x128x64xf32>
    %swap3A_201 = vector.shape_cast %swap3A_200 : vector<1x128x64xf32> to vector<128x64xf32>
    %swap3A_202 = vector.shape_cast %dot_general3A_196 : vector<128x64xf32> to vector<1x128x64xf32>
    tpu.vector_store %arg3[%swap3A_197, %swap3A_198, %swap3A_199], %swap3A_202 {strides = array<i32>} : memref<16x128x64xf32, #tpu.memory_space<vmem>>, vector<1x128x64xf32>,
    %log3A_203 = math.log %broadcast_in_dim3A_190 : vector<128x1xf32>
    %add3A_204 = arith.addf %broadcast_in_dim3A_184, %log3A_203 : vector<128x1xf32>
    %squeeze3A_205 = vector.shape_cast %add3A_204 : vector<128x1xf32> to vector<128xf32>
    %swap3A_206 = arith.constant 4 : index
    %swap3A_207 = arith.constant 0 : index
    %swap3A_208 = vector.load %arg4[%swap3A_206, %swap3A_207] : memref<16x128xf32, #tpu.memory_space<vmem>>, vector<1x128xf32>
    %swap3A_209 = vector.shape_cast %swap3A_208 : vector<1x128xf32> to vector<128xf32>
    %swap3A_210 = vector.shape_cast %squeeze3A_205 : vector<128xf32> to vector<1x128xf32>
    tpu.vector_store %arg4[%swap3A_206, %swap3A_207], %swap3A_210 {strides = array<i32>} : memref<16x128xf32, #tpu.memory_space<vmem>>, vector<1x128xf32>,
    %get3A_211 = arith.constant 5 : index
    %get3A_212 = arith.constant 0 : index
    %get3A_213 = arith.constant 0 : index
    %get3A_214 = vector.load %arg1[%get3A_211, %get3A_212, %get3A_213] : memref<16x128x64xf32, #tpu.memory_space<vmem>>, vector<1x128x64xf32>
    %get3A_215 = vector.shape_cast %get3A_214 : vector<1x128x64xf32> to vector<128x64xf32>
    %get3A_216 = arith.constant 5 : index
    %get3A_217 = arith.constant 0 : index
    %get3A_218 = arith.constant 0 : index
    %get3A_219 = vector.load %arg2[%get3A_216, %get3A_217, %get3A_218] : memref<16x128x128xf32, #tpu.memory_space<vmem>>, vector<1x128x128xf32>
    %get3A_220 = vector.shape_cast %get3A_219 : vector<1x128x128xf32> to vector<128x128xf32>
    %slice3A_221 = vector.extract_strided_slice %get3A_220 {offsets = [0, 0], sizes = [128, 64], strides = [1, 1]} : vector<128x128xf32> to vector<128x64xf32>
    %slice3A_222 = vector.extract_strided_slice %get3A_220 {offsets = [0, 64], sizes = [128, 64], strides = [1, 1]} : vector<128x128xf32> to vector<128x64xf32>
    %convert_element_type3A_223 = arith.truncf %get3A_215 : vector<128x64xf32> to vector<128x64xbf16>
    %convert_element_type3A_224 = arith.truncf %slice3A_221 : vector<128x64xf32> to vector<128x64xbf16>
    %dot_general3A_225 = arith.constant dense<0.000000e+00> : vector<128x128xf32>
    %dot_general3A_226 = tpu.matmul %convert_element_type3A_223, %convert_element_type3A_224, %dot_general3A_225 {dimension_numbers = #tpu.dot_dimension_numbers<[1], [1], [0], [0], [0, 0, 1, 0], [], []>, transpose_lhs_hint = false} : vector<128x64xbf16>, vector<128x64xbf16>, vector<128x128xf32> -> vector<128x128xf32>
    %reduce_max3A_227 = arith.constant dense<0xFF800000> : vector<128xf32>
    %reduce_max3A_228 = vector.multi_reduction <maximumf>, %dot_general3A_226, %reduce_max3A_227 [1] : vector<128x128xf32> to vector<128xf32>
    %broadcast_in_dim3A_229 = vector.shape_cast %reduce_max3A_228 : vector<128xf32> to vector<128x1xf32>
    %sub3A_230 = vector.broadcast %broadcast_in_dim3A_229 : vector<128x1xf32> to vector<128x128xf32>
    %sub3A_231 = arith.subf %dot_general3A_226, %sub3A_230 : vector<128x128xf32>
    %exp3A_232 = math.exp %sub3A_231 : vector<128x128xf32>
    %reduce_sum3A_233 = arith.constant dense<0.000000e+00> : vector<128xf32>
    %reduce_sum3A_234 = vector.multi_reduction <add>, %exp3A_232, %reduce_sum3A_233 [1] : vector<128x128xf32> to vector<128xf32>
    %broadcast_in_dim3A_235 = vector.shape_cast %reduce_sum3A_234 : vector<128xf32> to vector<128x1xf32>
    %div3A_236 = vector.broadcast %broadcast_in_dim3A_235 : vector<128x1xf32> to vector<128x128xf32>
    %div3A_237 = arith.divf %exp3A_232, %div3A_236 : vector<128x128xf32>
    %convert_element_type3A_238 = arith.truncf %div3A_237 : vector<128x128xf32> to vector<128x128xbf16>
    %convert_element_type3A_239 = arith.truncf %slice3A_222 : vector<128x64xf32> to vector<128x64xbf16>
    %dot_general3A_240 = arith.constant dense<0.000000e+00> : vector<128x64xf32>
    %dot_general3A_241 = tpu.matmul %convert_element_type3A_238, %convert_element_type3A_239, %dot_general3A_240 {dimension_numbers = #tpu.dot_dimension_numbers<[1], [0], [0], [1], [0, 0, 1, 1], [], []>, transpose_lhs_hint = false} : vector<128x128xbf16>, vector<128x64xbf16>, vector<128x64xf32> -> vector<128x64xf32>
    %swap3A_242 = arith.constant 5 : index
    %swap3A_243 = arith.constant 0 : index
    %swap3A_244 = arith.constant 0 : index
    %swap3A_245 = vector.load %arg3[%swap3A_242, %swap3A_243, %swap3A_244] : memref<16x128x64xf32, #tpu.memory_space<vmem>>, vector<1x128x64xf32>
    %swap3A_246 = vector.shape_cast %swap3A_245 : vector<1x128x64xf32> to vector<128x64xf32>
    %swap3A_247 = vector.shape_cast %dot_general3A_241 : vector<128x64xf32> to vector<1x128x64xf32>
    tpu.vector_store %arg3[%swap3A_242, %swap3A_243, %swap3A_244], %swap3A_247 {strides = array<i32>} : memref<16x128x64xf32, #tpu.memory_space<vmem>>, vector<1x128x64xf32>,
    %log3A_248 = math.log %broadcast_in_dim3A_235 : vector<128x1xf32>
    %add3A_249 = arith.addf %broadcast_in_dim3A_229, %log3A_248 : vector<128x1xf32>
    %squeeze3A_250 = vector.shape_cast %add3A_249 : vector<128x1xf32> to vector<128xf32>
    %swap3A_251 = arith.constant 5 : index
    %swap3A_252 = arith.constant 0 : index
    %swap3A_253 = vector.load %arg4[%swap3A_251, %swap3A_252] : memref<16x128xf32, #tpu.memory_space<vmem>>, vector<1x128xf32>
    %swap3A_254 = vector.shape_cast %swap3A_253 : vector<1x128xf32> to vector<128xf32>
    %swap3A_255 = vector.shape_cast %squeeze3A_250 : vector<128xf32> to vector<1x128xf32>
    tpu.vector_store %arg4[%swap3A_251, %swap3A_252], %swap3A_255 {strides = array<i32>} : memref<16x128xf32, #tpu.memory_space<vmem>>, vector<1x128xf32>,
    %get3A_256 = arith.constant 6 : index
    %get3A_257 = arith.constant 0 : index
    %get3A_258 = arith.constant 0 : index
    %get3A_259 = vector.load %arg1[%get3A_256, %get3A_257, %get3A_258] : memref<16x128x64xf32, #tpu.memory_space<vmem>>, vector<1x128x64xf32>
    %get3A_260 = vector.shape_cast %get3A_259 : vector<1x128x64xf32> to vector<128x64xf32>
    %get3A_261 = arith.constant 6 : index
    %get3A_262 = arith.constant 0 : index
    %get3A_263 = arith.constant 0 : index
    %get3A_264 = vector.load %arg2[%get3A_261, %get3A_262, %get3A_263] : memref<16x128x128xf32, #tpu.memory_space<vmem>>, vector<1x128x128xf32>
    %get3A_265 = vector.shape_cast %get3A_264 : vector<1x128x128xf32> to vector<128x128xf32>
    %slice3A_266 = vector.extract_strided_slice %get3A_265 {offsets = [0, 0], sizes = [128, 64], strides = [1, 1]} : vector<128x128xf32> to vector<128x64xf32>
    %slice3A_267 = vector.extract_strided_slice %get3A_265 {offsets = [0, 64], sizes = [128, 64], strides = [1, 1]} : vector<128x128xf32> to vector<128x64xf32>
    %convert_element_type3A_268 = arith.truncf %get3A_260 : vector<128x64xf32> to vector<128x64xbf16>
    %convert_element_type3A_269 = arith.truncf %slice3A_266 : vector<128x64xf32> to vector<128x64xbf16>
    %dot_general3A_270 = arith.constant dense<0.000000e+00> : vector<128x128xf32>
    %dot_general3A_271 = tpu.matmul %convert_element_type3A_268, %convert_element_type3A_269, %dot_general3A_270 {dimension_numbers = #tpu.dot_dimension_numbers<[1], [1], [0], [0], [0, 0, 1, 0], [], []>, transpose_lhs_hint = false} : vector<128x64xbf16>, vector<128x64xbf16>, vector<128x128xf32> -> vector<128x128xf32>
    %reduce_max3A_272 = arith.constant dense<0xFF800000> : vector<128xf32>
    %reduce_max3A_273 = vector.multi_reduction <maximumf>, %dot_general3A_271, %reduce_max3A_272 [1] : vector<128x128xf32> to vector<128xf32>
    %broadcast_in_dim3A_274 = vector.shape_cast %reduce_max3A_273 : vector<128xf32> to vector<128x1xf32>
    %sub3A_275 = vector.broadcast %broadcast_in_dim3A_274 : vector<128x1xf32> to vector<128x128xf32>
    %sub3A_276 = arith.subf %dot_general3A_271, %sub3A_275 : vector<128x128xf32>
    %exp3A_277 = math.exp %sub3A_276 : vector<128x128xf32>
    %reduce_sum3A_278 = arith.constant dense<0.000000e+00> : vector<128xf32>
    %reduce_sum3A_279 = vector.multi_reduction <add>, %exp3A_277, %reduce_sum3A_278 [1] : vector<128x128xf32> to vector<128xf32>
    %broadcast_in_dim3A_280 = vector.shape_cast %reduce_sum3A_279 : vector<128xf32> to vector<128x1xf32>
    %div3A_281 = vector.broadcast %broadcast_in_dim3A_280 : vector<128x1xf32> to vector<128x128xf32>
    %div3A_282 = arith.divf %exp3A_277, %div3A_281 : vector<128x128xf32>
    %convert_element_type3A_283 = arith.truncf %div3A_282 : vector<128x128xf32> to vector<128x128xbf16>
    %convert_element_type3A_284 = arith.truncf %slice3A_267 : vector<128x64xf32> to vector<128x64xbf16>
    %dot_general3A_285 = arith.constant dense<0.000000e+00> : vector<128x64xf32>
    %dot_general3A_286 = tpu.matmul %convert_element_type3A_283, %convert_element_type3A_284, %dot_general3A_285 {dimension_numbers = #tpu.dot_dimension_numbers<[1], [0], [0], [1], [0, 0, 1, 1], [], []>, transpose_lhs_hint = false} : vector<128x128xbf16>, vector<128x64xbf16>, vector<128x64xf32> -> vector<128x64xf32>
    %swap3A_287 = arith.constant 6 : index
    %swap3A_288 = arith.constant 0 : index
    %swap3A_289 = arith.constant 0 : index
    %swap3A_290 = vector.load %arg3[%swap3A_287, %swap3A_288, %swap3A_289] : memref<16x128x64xf32, #tpu.memory_space<vmem>>, vector<1x128x64xf32>
    %swap3A_291 = vector.shape_cast %swap3A_290 : vector<1x128x64xf32> to vector<128x64xf32>
    %swap3A_292 = vector.shape_cast %dot_general3A_286 : vector<128x64xf32> to vector<1x128x64xf32>
    tpu.vector_store %arg3[%swap3A_287, %swap3A_288, %swap3A_289], %swap3A_292 {strides = array<i32>} : memref<16x128x64xf32, #tpu.memory_space<vmem>>, vector<1x128x64xf32>,
    %log3A_293 = math.log %broadcast_in_dim3A_280 : vector<128x1xf32>
    %add3A_294 = arith.addf %broadcast_in_dim3A_274, %log3A_293 : vector<128x1xf32>
    %squeeze3A_295 = vector.shape_cast %add3A_294 : vector<128x1xf32> to vector<128xf32>
    %swap3A_296 = arith.constant 6 : index
    %swap3A_297 = arith.constant 0 : index
    %swap3A_298 = vector.load %arg4[%swap3A_296, %swap3A_297] : memref<16x128xf32, #tpu.memory_space<vmem>>, vector<1x128xf32>
    %swap3A_299 = vector.shape_cast %swap3A_298 : vector<1x128xf32> to vector<128xf32>
    %swap3A_300 = vector.shape_cast %squeeze3A_295 : vector<128xf32> to vector<1x128xf32>
    tpu.vector_store %arg4[%swap3A_296, %swap3A_297], %swap3A_300 {strides = array<i32>} : memref<16x128xf32, #tpu.memory_space<vmem>>, vector<1x128xf32>,
    %get3A_301 = arith.constant 7 : index
    %get3A_302 = arith.constant 0 : index
    %get3A_303 = arith.constant 0 : index
    %get3A_304 = vector.load %arg1[%get3A_301, %get3A_302, %get3A_303] : memref<16x128x64xf32, #tpu.memory_space<vmem>>, vector<1x128x64xf32>
    %get3A_305 = vector.shape_cast %get3A_304 : vector<1x128x64xf32> to vector<128x64xf32>
    %get3A_306 = arith.constant 7 : index
    %get3A_307 = arith.constant 0 : index
    %get3A_308 = arith.constant 0 : index
    %get3A_309 = vector.load %arg2[%get3A_306, %get3A_307, %get3A_308] : memref<16x128x128xf32, #tpu.memory_space<vmem>>, vector<1x128x128xf32>
    %get3A_310 = vector.shape_cast %get3A_309 : vector<1x128x128xf32> to vector<128x128xf32>
    %slice3A_311 = vector.extract_strided_slice %get3A_310 {offsets = [0, 0], sizes = [128, 64], strides = [1, 1]} : vector<128x128xf32> to vector<128x64xf32>
    %slice3A_312 = vector.extract_strided_slice %get3A_310 {offsets = [0, 64], sizes = [128, 64], strides = [1, 1]} : vector<128x128xf32> to vector<128x64xf32>
    %convert_element_type3A_313 = arith.truncf %get3A_305 : vector<128x64xf32> to vector<128x64xbf16>
    %convert_element_type3A_314 = arith.truncf %slice3A_311 : vector<128x64xf32> to vector<128x64xbf16>
    %dot_general3A_315 = arith.constant dense<0.000000e+00> : vector<128x128xf32>
    %dot_general3A_316 = tpu.matmul %convert_element_type3A_313, %convert_element_type3A_314, %dot_general3A_315 {dimension_numbers = #tpu.dot_dimension_numbers<[1], [1], [0], [0], [0, 0, 1, 0], [], []>, transpose_lhs_hint = false} : vector<128x64xbf16>, vector<128x64xbf16>, vector<128x128xf32> -> vector<128x128xf32>
    %reduce_max3A_317 = arith.constant dense<0xFF800000> : vector<128xf32>
    %reduce_max3A_318 = vector.multi_reduction <maximumf>, %dot_general3A_316, %reduce_max3A_317 [1] : vector<128x128xf32> to vector<128xf32>
    %broadcast_in_dim3A_319 = vector.shape_cast %reduce_max3A_318 : vector<128xf32> to vector<128x1xf32>
    %sub3A_320 = vector.broadcast %broadcast_in_dim3A_319 : vector<128x1xf32> to vector<128x128xf32>
    %sub3A_321 = arith.subf %dot_general3A_316, %sub3A_320 : vector<128x128xf32>
    %exp3A_322 = math.exp %sub3A_321 : vector<128x128xf32>
    %reduce_sum3A_323 = arith.constant dense<0.000000e+00> : vector<128xf32>
    %reduce_sum3A_324 = vector.multi_reduction <add>, %exp3A_322, %reduce_sum3A_323 [1] : vector<128x128xf32> to vector<128xf32>
    %broadcast_in_dim3A_325 = vector.shape_cast %reduce_sum3A_324 : vector<128xf32> to vector<128x1xf32>
    %div3A_326 = vector.broadcast %broadcast_in_dim3A_325 : vector<128x1xf32> to vector<128x128xf32>
    %div3A_327 = arith.divf %exp3A_322, %div3A_326 : vector<128x128xf32>
    %convert_element_type3A_328 = arith.truncf %div3A_327 : vector<128x128xf32> to vector<128x128xbf16>
    %convert_element_type3A_329 = arith.truncf %slice3A_312 : vector<128x64xf32> to vector<128x64xbf16>
    %dot_general3A_330 = arith.constant dense<0.000000e+00> : vector<128x64xf32>
    %dot_general3A_331 = tpu.matmul %convert_element_type3A_328, %convert_element_type3A_329, %dot_general3A_330 {dimension_numbers = #tpu.dot_dimension_numbers<[1], [0], [0], [1], [0, 0, 1, 1], [], []>, transpose_lhs_hint = false} : vector<128x128xbf16>, vector<128x64xbf16>, vector<128x64xf32> -> vector<128x64xf32>
    %swap3A_332 = arith.constant 7 : index
    %swap3A_333 = arith.constant 0 : index
    %swap3A_334 = arith.constant 0 : index
    %swap3A_335 = vector.load %arg3[%swap3A_332, %swap3A_333, %swap3A_334] : memref<16x128x64xf32, #tpu.memory_space<vmem>>, vector<1x128x64xf32>
    %swap3A_336 = vector.shape_cast %swap3A_335 : vector<1x128x64xf32> to vector<128x64xf32>
    %swap3A_337 = vector.shape_cast %dot_general3A_331 : vector<128x64xf32> to vector<1x128x64xf32>
    tpu.vector_store %arg3[%swap3A_332, %swap3A_333, %swap3A_334], %swap3A_337 {strides = array<i32>} : memref<16x128x64xf32, #tpu.memory_space<vmem>>, vector<1x128x64xf32>,
    %log3A_338 = math.log %broadcast_in_dim3A_325 : vector<128x1xf32>
    %add3A_339 = arith.addf %broadcast_in_dim3A_319, %log3A_338 : vector<128x1xf32>
    %squeeze3A_340 = vector.shape_cast %add3A_339 : vector<128x1xf32> to vector<128xf32>
    %swap3A_341 = arith.constant 7 : index
    %swap3A_342 = arith.constant 0 : index
    %swap3A_343 = vector.load %arg4[%swap3A_341, %swap3A_342] : memref<16x128xf32, #tpu.memory_space<vmem>>, vector<1x128xf32>
    %swap3A_344 = vector.shape_cast %swap3A_343 : vector<1x128xf32> to vector<128xf32>
    %swap3A_345 = vector.shape_cast %squeeze3A_340 : vector<128xf32> to vector<1x128xf32>
    tpu.vector_store %arg4[%swap3A_341, %swap3A_342], %swap3A_345 {strides = array<i32>} : memref<16x128xf32, #tpu.memory_space<vmem>>, vector<1x128xf32>,
    %get3A_346 = arith.constant 8 : index
    %get3A_347 = arith.constant 0 : index
    %get3A_348 = arith.constant 0 : index
    %get3A_349 = vector.load %arg1[%get3A_346, %get3A_347, %get3A_348] : memref<16x128x64xf32, #tpu.memory_space<vmem>>, vector<1x128x64xf32>
    %get3A_350 = vector.shape_cast %get3A_349 : vector<1x128x64xf32> to vector<128x64xf32>
    %get3A_351 = arith.constant 8 : index
    %get3A_352 = arith.constant 0 : index
    %get3A_353 = arith.constant 0 : index
    %get3A_354 = vector.load %arg2[%get3A_351, %get3A_352, %get3A_353] : memref<16x128x128xf32, #tpu.memory_space<vmem>>, vector<1x128x128xf32>
    %get3A_355 = vector.shape_cast %get3A_354 : vector<1x128x128xf32> to vector<128x128xf32>
    %slice3A_356 = vector.extract_strided_slice %get3A_355 {offsets = [0, 0], sizes = [128, 64], strides = [1, 1]} : vector<128x128xf32> to vector<128x64xf32>
    %slice3A_357 = vector.extract_strided_slice %get3A_355 {offsets = [0, 64], sizes = [128, 64], strides = [1, 1]} : vector<128x128xf32> to vector<128x64xf32>
    %convert_element_type3A_358 = arith.truncf %get3A_350 : vector<128x64xf32> to vector<128x64xbf16>
    %convert_element_type3A_359 = arith.truncf %slice3A_356 : vector<128x64xf32> to vector<128x64xbf16>
    %dot_general3A_360 = arith.constant dense<0.000000e+00> : vector<128x128xf32>
    %dot_general3A_361 = tpu.matmul %convert_element_type3A_358, %convert_element_type3A_359, %dot_general3A_360 {dimension_numbers = #tpu.dot_dimension_numbers<[1], [1], [0], [0], [0, 0, 1, 0], [], []>, transpose_lhs_hint = false} : vector<128x64xbf16>, vector<128x64xbf16>, vector<128x128xf32> -> vector<128x128xf32>
    %reduce_max3A_362 = arith.constant dense<0xFF800000> : vector<128xf32>
    %reduce_max3A_363 = vector.multi_reduction <maximumf>, %dot_general3A_361, %reduce_max3A_362 [1] : vector<128x128xf32> to vector<128xf32>
    %broadcast_in_dim3A_364 = vector.shape_cast %reduce_max3A_363 : vector<128xf32> to vector<128x1xf32>
    %sub3A_365 = vector.broadcast %broadcast_in_dim3A_364 : vector<128x1xf32> to vector<128x128xf32>
    %sub3A_366 = arith.subf %dot_general3A_361, %sub3A_365 : vector<128x128xf32>
    %exp3A_367 = math.exp %sub3A_366 : vector<128x128xf32>
    %reduce_sum3A_368 = arith.constant dense<0.000000e+00> : vector<128xf32>
    %reduce_sum3A_369 = vector.multi_reduction <add>, %exp3A_367, %reduce_sum3A_368 [1] : vector<128x128xf32> to vector<128xf32>
    %broadcast_in_dim3A_370 = vector.shape_cast %reduce_sum3A_369 : vector<128xf32> to vector<128x1xf32>
    %div3A_371 = vector.broadcast %broadcast_in_dim3A_370 : vector<128x1xf32> to vector<128x128xf32>
    %div3A_372 = arith.divf %exp3A_367, %div3A_371 : vector<128x128xf32>
    %convert_element_type3A_373 = arith.truncf %div3A_372 : vector<128x128xf32> to vector<128x128xbf16>
    %convert_element_type3A_374 = arith.truncf %slice3A_357 : vector<128x64xf32> to vector<128x64xbf16>
    %dot_general3A_375 = arith.constant dense<0.000000e+00> : vector<128x64xf32>
    %dot_general3A_376 = tpu.matmul %convert_element_type3A_373, %convert_element_type3A_374, %dot_general3A_375 {dimension_numbers = #tpu.dot_dimension_numbers<[1], [0], [0], [1], [0, 0, 1, 1], [], []>, transpose_lhs_hint = false} : vector<128x128xbf16>, vector<128x64xbf16>, vector<128x64xf32> -> vector<128x64xf32>
    %swap3A_377 = arith.constant 8 : index
    %swap3A_378 = arith.constant 0 : index
    %swap3A_379 = arith.constant 0 : index
    %swap3A_380 = vector.load %arg3[%swap3A_377, %swap3A_378, %swap3A_379] : memref<16x128x64xf32, #tpu.memory_space<vmem>>, vector<1x128x64xf32>
    %swap3A_381 = vector.shape_cast %swap3A_380 : vector<1x128x64xf32> to vector<128x64xf32>
    %swap3A_382 = vector.shape_cast %dot_general3A_376 : vector<128x64xf32> to vector<1x128x64xf32>
    tpu.vector_store %arg3[%swap3A_377, %swap3A_378, %swap3A_379], %swap3A_382 {strides = array<i32>} : memref<16x128x64xf32, #tpu.memory_space<vmem>>, vector<1x128x64xf32>,
    %log3A_383 = math.log %broadcast_in_dim3A_370 : vector<128x1xf32>
    %add3A_384 = arith.addf %broadcast_in_dim3A_364, %log3A_383 : vector<128x1xf32>
    %squeeze3A_385 = vector.shape_cast %add3A_384 : vector<128x1xf32> to vector<128xf32>
    %swap3A_386 = arith.constant 8 : index
    %swap3A_387 = arith.constant 0 : index
    %swap3A_388 = vector.load %arg4[%swap3A_386, %swap3A_387] : memref<16x128xf32, #tpu.memory_space<vmem>>, vector<1x128xf32>
    %swap3A_389 = vector.shape_cast %swap3A_388 : vector<1x128xf32> to vector<128xf32>
    %swap3A_390 = vector.shape_cast %squeeze3A_385 : vector<128xf32> to vector<1x128xf32>
    tpu.vector_store %arg4[%swap3A_386, %swap3A_387], %swap3A_390 {strides = array<i32>} : memref<16x128xf32, #tpu.memory_space<vmem>>, vector<1x128xf32>,
    %get3A_391 = arith.constant 9 : index
    %get3A_392 = arith.constant 0 : index
    %get3A_393 = arith.constant 0 : index
    %get3A_394 = vector.load %arg1[%get3A_391, %get3A_392, %get3A_393] : memref<16x128x64xf32, #tpu.memory_space<vmem>>, vector<1x128x64xf32>
    %get3A_395 = vector.shape_cast %get3A_394 : vector<1x128x64xf32> to vector<128x64xf32>
    %get3A_396 = arith.constant 9 : index
    %get3A_397 = arith.constant 0 : index
    %get3A_398 = arith.constant 0 : index
    %get3A_399 = vector.load %arg2[%get3A_396, %get3A_397, %get3A_398] : memref<16x128x128xf32, #tpu.memory_space<vmem>>, vector<1x128x128xf32>
    %get3A_400 = vector.shape_cast %get3A_399 : vector<1x128x128xf32> to vector<128x128xf32>
    %slice3A_401 = vector.extract_strided_slice %get3A_400 {offsets = [0, 0], sizes = [128, 64], strides = [1, 1]} : vector<128x128xf32> to vector<128x64xf32>
    %slice3A_402 = vector.extract_strided_slice %get3A_400 {offsets = [0, 64], sizes = [128, 64], strides = [1, 1]} : vector<128x128xf32> to vector<128x64xf32>
    %convert_element_type3A_403 = arith.truncf %get3A_395 : vector<128x64xf32> to vector<128x64xbf16>
    %convert_element_type3A_404 = arith.truncf %slice3A_401 : vector<128x64xf32> to vector<128x64xbf16>
    %dot_general3A_405 = arith.constant dense<0.000000e+00> : vector<128x128xf32>
    %dot_general3A_406 = tpu.matmul %convert_element_type3A_403, %convert_element_type3A_404, %dot_general3A_405 {dimension_numbers = #tpu.dot_dimension_numbers<[1], [1], [0], [0], [0, 0, 1, 0], [], []>, transpose_lhs_hint = false} : vector<128x64xbf16>, vector<128x64xbf16>, vector<128x128xf32> -> vector<128x128xf32>
    %reduce_max3A_407 = arith.constant dense<0xFF800000> : vector<128xf32>
    %reduce_max3A_408 = vector.multi_reduction <maximumf>, %dot_general3A_406, %reduce_max3A_407 [1] : vector<128x128xf32> to vector<128xf32>
    %broadcast_in_dim3A_409 = vector.shape_cast %reduce_max3A_408 : vector<128xf32> to vector<128x1xf32>
    %sub3A_410 = vector.broadcast %broadcast_in_dim3A_409 : vector<128x1xf32> to vector<128x128xf32>
    %sub3A_411 = arith.subf %dot_general3A_406, %sub3A_410 : vector<128x128xf32>
    %exp3A_412 = math.exp %sub3A_411 : vector<128x128xf32>
    %reduce_sum3A_413 = arith.constant dense<0.000000e+00> : vector<128xf32>
    %reduce_sum3A_414 = vector.multi_reduction <add>, %exp3A_412, %reduce_sum3A_413 [1] : vector<128x128xf32> to vector<128xf32>
    %broadcast_in_dim3A_415 = vector.shape_cast %reduce_sum3A_414 : vector<128xf32> to vector<128x1xf32>
    %div3A_416 = vector.broadcast %broadcast_in_dim3A_415 : vector<128x1xf32> to vector<128x128xf32>
    %div3A_417 = arith.divf %exp3A_412, %div3A_416 : vector<128x128xf32>
    %convert_element_type3A_418 = arith.truncf %div3A_417 : vector<128x128xf32> to vector<128x128xbf16>
    %convert_element_type3A_419 = arith.truncf %slice3A_402 : vector<128x64xf32> to vector<128x64xbf16>
    %dot_general3A_420 = arith.constant dense<0.000000e+00> : vector<128x64xf32>
    %dot_general3A_421 = tpu.matmul %convert_element_type3A_418, %convert_element_type3A_419, %dot_general3A_420 {dimension_numbers = #tpu.dot_dimension_numbers<[1], [0], [0], [1], [0, 0, 1, 1], [], []>, transpose_lhs_hint = false} : vector<128x128xbf16>, vector<128x64xbf16>, vector<128x64xf32> -> vector<128x64xf32>
    %swap3A_422 = arith.constant 9 : index
    %swap3A_423 = arith.constant 0 : index
    %swap3A_424 = arith.constant 0 : index
    %swap3A_425 = vector.load %arg3[%swap3A_422, %swap3A_423, %swap3A_424] : memref<16x128x64xf32, #tpu.memory_space<vmem>>, vector<1x128x64xf32>
    %swap3A_426 = vector.shape_cast %swap3A_425 : vector<1x128x64xf32> to vector<128x64xf32>
    %swap3A_427 = vector.shape_cast %dot_general3A_421 : vector<128x64xf32> to vector<1x128x64xf32>
    tpu.vector_store %arg3[%swap3A_422, %swap3A_423, %swap3A_424], %swap3A_427 {strides = array<i32>} : memref<16x128x64xf32, #tpu.memory_space<vmem>>, vector<1x128x64xf32>,
    %log3A_428 = math.log %broadcast_in_dim3A_415 : vector<128x1xf32>
    %add3A_429 = arith.addf %broadcast_in_dim3A_409, %log3A_428 : vector<128x1xf32>
    %squeeze3A_430 = vector.shape_cast %add3A_429 : vector<128x1xf32> to vector<128xf32>
    %swap3A_431 = arith.constant 9 : index
    %swap3A_432 = arith.constant 0 : index
    %swap3A_433 = vector.load %arg4[%swap3A_431, %swap3A_432] : memref<16x128xf32, #tpu.memory_space<vmem>>, vector<1x128xf32>
    %swap3A_434 = vector.shape_cast %swap3A_433 : vector<1x128xf32> to vector<128xf32>
    %swap3A_435 = vector.shape_cast %squeeze3A_430 : vector<128xf32> to vector<1x128xf32>
    tpu.vector_store %arg4[%swap3A_431, %swap3A_432], %swap3A_435 {strides = array<i32>} : memref<16x128xf32, #tpu.memory_space<vmem>>, vector<1x128xf32>,
    %get3A_436 = arith.constant 10 : index
    %get3A_437 = arith.constant 0 : index
    %get3A_438 = arith.constant 0 : index
    %get3A_439 = vector.load %arg1[%get3A_436, %get3A_437, %get3A_438] : memref<16x128x64xf32, #tpu.memory_space<vmem>>, vector<1x128x64xf32>
    %get3A_440 = vector.shape_cast %get3A_439 : vector<1x128x64xf32> to vector<128x64xf32>
    %get3A_441 = arith.constant 10 : index
    %get3A_442 = arith.constant 0 : index
    %get3A_443 = arith.constant 0 : index
    %get3A_444 = vector.load %arg2[%get3A_441, %get3A_442, %get3A_443] : memref<16x128x128xf32, #tpu.memory_space<vmem>>, vector<1x128x128xf32>
    %get3A_445 = vector.shape_cast %get3A_444 : vector<1x128x128xf32> to vector<128x128xf32>
    %slice3A_446 = vector.extract_strided_slice %get3A_445 {offsets = [0, 0], sizes = [128, 64], strides = [1, 1]} : vector<128x128xf32> to vector<128x64xf32>
    %slice3A_447 = vector.extract_strided_slice %get3A_445 {offsets = [0, 64], sizes = [128, 64], strides = [1, 1]} : vector<128x128xf32> to vector<128x64xf32>
    %convert_element_type3A_448 = arith.truncf %get3A_440 : vector<128x64xf32> to vector<128x64xbf16>
    %convert_element_type3A_449 = arith.truncf %slice3A_446 : vector<128x64xf32> to vector<128x64xbf16>
    %dot_general3A_450 = arith.constant dense<0.000000e+00> : vector<128x128xf32>
    %dot_general3A_451 = tpu.matmul %convert_element_type3A_448, %convert_element_type3A_449, %dot_general3A_450 {dimension_numbers = #tpu.dot_dimension_numbers<[1], [1], [0], [0], [0, 0, 1, 0], [], []>, transpose_lhs_hint = false} : vector<128x64xbf16>, vector<128x64xbf16>, vector<128x128xf32> -> vector<128x128xf32>
    %reduce_max3A_452 = arith.constant dense<0xFF800000> : vector<128xf32>
    %reduce_max3A_453 = vector.multi_reduction <maximumf>, %dot_general3A_451, %reduce_max3A_452 [1] : vector<128x128xf32> to vector<128xf32>
    %broadcast_in_dim3A_454 = vector.shape_cast %reduce_max3A_453 : vector<128xf32> to vector<128x1xf32>
    %sub3A_455 = vector.broadcast %broadcast_in_dim3A_454 : vector<128x1xf32> to vector<128x128xf32>
    %sub3A_456 = arith.subf %dot_general3A_451, %sub3A_455 : vector<128x128xf32>
    %exp3A_457 = math.exp %sub3A_456 : vector<128x128xf32>
    %reduce_sum3A_458 = arith.constant dense<0.000000e+00> : vector<128xf32>
    %reduce_sum3A_459 = vector.multi_reduction <add>, %exp3A_457, %reduce_sum3A_458 [1] : vector<128x128xf32> to vector<128xf32>
    %broadcast_in_dim3A_460 = vector.shape_cast %reduce_sum3A_459 : vector<128xf32> to vector<128x1xf32>
    %div3A_461 = vector.broadcast %broadcast_in_dim3A_460 : vector<128x1xf32> to vector<128x128xf32>
    %div3A_462 = arith.divf %exp3A_457, %div3A_461 : vector<128x128xf32>
    %convert_element_type3A_463 = arith.truncf %div3A_462 : vector<128x128xf32> to vector<128x128xbf16>
    %convert_element_type3A_464 = arith.truncf %slice3A_447 : vector<128x64xf32> to vector<128x64xbf16>
    %dot_general3A_465 = arith.constant dense<0.000000e+00> : vector<128x64xf32>
    %dot_general3A_466 = tpu.matmul %convert_element_type3A_463, %convert_element_type3A_464, %dot_general3A_465 {dimension_numbers = #tpu.dot_dimension_numbers<[1], [0], [0], [1], [0, 0, 1, 1], [], []>, transpose_lhs_hint = false} : vector<128x128xbf16>, vector<128x64xbf16>, vector<128x64xf32> -> vector<128x64xf32>
    %swap3A_467 = arith.constant 10 : index
    %swap3A_468 = arith.constant 0 : index
    %swap3A_469 = arith.constant 0 : index
    %swap3A_470 = vector.load %arg3[%swap3A_467, %swap3A_468, %swap3A_469] : memref<16x128x64xf32, #tpu.memory_space<vmem>>, vector<1x128x64xf32>
    %swap3A_471 = vector.shape_cast %swap3A_470 : vector<1x128x64xf32> to vector<128x64xf32>
    %swap3A_472 = vector.shape_cast %dot_general3A_466 : vector<128x64xf32> to vector<1x128x64xf32>
    tpu.vector_store %arg3[%swap3A_467, %swap3A_468, %swap3A_469], %swap3A_472 {strides = array<i32>} : memref<16x128x64xf32, #tpu.memory_space<vmem>>, vector<1x128x64xf32>,
    %log3A_473 = math.log %broadcast_in_dim3A_460 : vector<128x1xf32>
    %add3A_474 = arith.addf %broadcast_in_dim3A_454, %log3A_473 : vector<128x1xf32>
    %squeeze3A_475 = vector.shape_cast %add3A_474 : vector<128x1xf32> to vector<128xf32>
    %swap3A_476 = arith.constant 10 : index
    %swap3A_477 = arith.constant 0 : index
    %swap3A_478 = vector.load %arg4[%swap3A_476, %swap3A_477] : memref<16x128xf32, #tpu.memory_space<vmem>>, vector<1x128xf32>
    %swap3A_479 = vector.shape_cast %swap3A_478 : vector<1x128xf32> to vector<128xf32>
    %swap3A_480 = vector.shape_cast %squeeze3A_475 : vector<128xf32> to vector<1x128xf32>
    tpu.vector_store %arg4[%swap3A_476, %swap3A_477], %swap3A_480 {strides = array<i32>} : memref<16x128xf32, #tpu.memory_space<vmem>>, vector<1x128xf32>,
    %get3A_481 = arith.constant 11 : index
    %get3A_482 = arith.constant 0 : index
    %get3A_483 = arith.constant 0 : index
    %get3A_484 = vector.load %arg1[%get3A_481, %get3A_482, %get3A_483] : memref<16x128x64xf32, #tpu.memory_space<vmem>>, vector<1x128x64xf32>
    %get3A_485 = vector.shape_cast %get3A_484 : vector<1x128x64xf32> to vector<128x64xf32>
    %get3A_486 = arith.constant 11 : index
    %get3A_487 = arith.constant 0 : index
    %get3A_488 = arith.constant 0 : index
    %get3A_489 = vector.load %arg2[%get3A_486, %get3A_487, %get3A_488] : memref<16x128x128xf32, #tpu.memory_space<vmem>>, vector<1x128x128xf32>
    %get3A_490 = vector.shape_cast %get3A_489 : vector<1x128x128xf32> to vector<128x128xf32>
    %slice3A_491 = vector.extract_strided_slice %get3A_490 {offsets = [0, 0], sizes = [128, 64], strides = [1, 1]} : vector<128x128xf32> to vector<128x64xf32>
    %slice3A_492 = vector.extract_strided_slice %get3A_490 {offsets = [0, 64], sizes = [128, 64], strides = [1, 1]} : vector<128x128xf32> to vector<128x64xf32>
    %convert_element_type3A_493 = arith.truncf %get3A_485 : vector<128x64xf32> to vector<128x64xbf16>
    %convert_element_type3A_494 = arith.truncf %slice3A_491 : vector<128x64xf32> to vector<128x64xbf16>
    %dot_general3A_495 = arith.constant dense<0.000000e+00> : vector<128x128xf32>
    %dot_general3A_496 = tpu.matmul %convert_element_type3A_493, %convert_element_type3A_494, %dot_general3A_495 {dimension_numbers = #tpu.dot_dimension_numbers<[1], [1], [0], [0], [0, 0, 1, 0], [], []>, transpose_lhs_hint = false} : vector<128x64xbf16>, vector<128x64xbf16>, vector<128x128xf32> -> vector<128x128xf32>
    %reduce_max3A_497 = arith.constant dense<0xFF800000> : vector<128xf32>
    %reduce_max3A_498 = vector.multi_reduction <maximumf>, %dot_general3A_496, %reduce_max3A_497 [1] : vector<128x128xf32> to vector<128xf32>
    %broadcast_in_dim3A_499 = vector.shape_cast %reduce_max3A_498 : vector<128xf32> to vector<128x1xf32>
    %sub3A_500 = vector.broadcast %broadcast_in_dim3A_499 : vector<128x1xf32> to vector<128x128xf32>
    %sub3A_501 = arith.subf %dot_general3A_496, %sub3A_500 : vector<128x128xf32>
    %exp3A_502 = math.exp %sub3A_501 : vector<128x128xf32>
    %reduce_sum3A_503 = arith.constant dense<0.000000e+00> : vector<128xf32>
    %reduce_sum3A_504 = vector.multi_reduction <add>, %exp3A_502, %reduce_sum3A_503 [1] : vector<128x128xf32> to vector<128xf32>
    %broadcast_in_dim3A_505 = vector.shape_cast %reduce_sum3A_504 : vector<128xf32> to vector<128x1xf32>
    %div3A_506 = vector.broadcast %broadcast_in_dim3A_505 : vector<128x1xf32> to vector<128x128xf32>
    %div3A_507 = arith.divf %exp3A_502, %div3A_506 : vector<128x128xf32>
    %convert_element_type3A_508 = arith.truncf %div3A_507 : vector<128x128xf32> to vector<128x128xbf16>
    %convert_element_type3A_509 = arith.truncf %slice3A_492 : vector<128x64xf32> to vector<128x64xbf16>
    %dot_general3A_510 = arith.constant dense<0.000000e+00> : vector<128x64xf32>
    %dot_general3A_511 = tpu.matmul %convert_element_type3A_508, %convert_element_type3A_509, %dot_general3A_510 {dimension_numbers = #tpu.dot_dimension_numbers<[1], [0], [0], [1], [0, 0, 1, 1], [], []>, transpose_lhs_hint = false} : vector<128x128xbf16>, vector<128x64xbf16>, vector<128x64xf32> -> vector<128x64xf32>
    %swap3A_512 = arith.constant 11 : index
    %swap3A_513 = arith.constant 0 : index
    %swap3A_514 = arith.constant 0 : index
    %swap3A_515 = vector.load %arg3[%swap3A_512, %swap3A_513, %swap3A_514] : memref<16x128x64xf32, #tpu.memory_space<vmem>>, vector<1x128x64xf32>
    %swap3A_516 = vector.shape_cast %swap3A_515 : vector<1x128x64xf32> to vector<128x64xf32>
    %swap3A_517 = vector.shape_cast %dot_general3A_511 : vector<128x64xf32> to vector<1x128x64xf32>
    tpu.vector_store %arg3[%swap3A_512, %swap3A_513, %swap3A_514], %swap3A_517 {strides = array<i32>} : memref<16x128x64xf32, #tpu.memory_space<vmem>>, vector<1x128x64xf32>,
    %log3A_518 = math.log %broadcast_in_dim3A_505 : vector<128x1xf32>
    %add3A_519 = arith.addf %broadcast_in_dim3A_499, %log3A_518 : vector<128x1xf32>
    %squeeze3A_520 = vector.shape_cast %add3A_519 : vector<128x1xf32> to vector<128xf32>
    %swap3A_521 = arith.constant 11 : index
    %swap3A_522 = arith.constant 0 : index
    %swap3A_523 = vector.load %arg4[%swap3A_521, %swap3A_522] : memref<16x128xf32, #tpu.memory_space<vmem>>, vector<1x128xf32>
    %swap3A_524 = vector.shape_cast %swap3A_523 : vector<1x128xf32> to vector<128xf32>
    %swap3A_525 = vector.shape_cast %squeeze3A_520 : vector<128xf32> to vector<1x128xf32>
    tpu.vector_store %arg4[%swap3A_521, %swap3A_522], %swap3A_525 {strides = array<i32>} : memref<16x128xf32, #tpu.memory_space<vmem>>, vector<1x128xf32>,
    %get3A_526 = arith.constant 12 : index
    %get3A_527 = arith.constant 0 : index
    %get3A_528 = arith.constant 0 : index
    %get3A_529 = vector.load %arg1[%get3A_526, %get3A_527, %get3A_528] : memref<16x128x64xf32, #tpu.memory_space<vmem>>, vector<1x128x64xf32>
    %get3A_530 = vector.shape_cast %get3A_529 : vector<1x128x64xf32> to vector<128x64xf32>
    %get3A_531 = arith.constant 12 : index
    %get3A_532 = arith.constant 0 : index
    %get3A_533 = arith.constant 0 : index
    %get3A_534 = vector.load %arg2[%get3A_531, %get3A_532, %get3A_533] : memref<16x128x128xf32, #tpu.memory_space<vmem>>, vector<1x128x128xf32>
    %get3A_535 = vector.shape_cast %get3A_534 : vector<1x128x128xf32> to vector<128x128xf32>
    %slice3A_536 = vector.extract_strided_slice %get3A_535 {offsets = [0, 0], sizes = [128, 64], strides = [1, 1]} : vector<128x128xf32> to vector<128x64xf32>
    %slice3A_537 = vector.extract_strided_slice %get3A_535 {offsets = [0, 64], sizes = [128, 64], strides = [1, 1]} : vector<128x128xf32> to vector<128x64xf32>
    %convert_element_type3A_538 = arith.truncf %get3A_530 : vector<128x64xf32> to vector<128x64xbf16>
    %convert_element_type3A_539 = arith.truncf %slice3A_536 : vector<128x64xf32> to vector<128x64xbf16>
    %dot_general3A_540 = arith.constant dense<0.000000e+00> : vector<128x128xf32>
    %dot_general3A_541 = tpu.matmul %convert_element_type3A_538, %convert_element_type3A_539, %dot_general3A_540 {dimension_numbers = #tpu.dot_dimension_numbers<[1], [1], [0], [0], [0, 0, 1, 0], [], []>, transpose_lhs_hint = false} : vector<128x64xbf16>, vector<128x64xbf16>, vector<128x128xf32> -> vector<128x128xf32>
    %reduce_max3A_542 = arith.constant dense<0xFF800000> : vector<128xf32>
    %reduce_max3A_543 = vector.multi_reduction <maximumf>, %dot_general3A_541, %reduce_max3A_542 [1] : vector<128x128xf32> to vector<128xf32>
    %broadcast_in_dim3A_544 = vector.shape_cast %reduce_max3A_543 : vector<128xf32> to vector<128x1xf32>
    %sub3A_545 = vector.broadcast %broadcast_in_dim3A_544 : vector<128x1xf32> to vector<128x128xf32>
    %sub3A_546 = arith.subf %dot_general3A_541, %sub3A_545 : vector<128x128xf32>
    %exp3A_547 = math.exp %sub3A_546 : vector<128x128xf32>
    %reduce_sum3A_548 = arith.constant dense<0.000000e+00> : vector<128xf32>
    %reduce_sum3A_549 = vector.multi_reduction <add>, %exp3A_547, %reduce_sum3A_548 [1] : vector<128x128xf32> to vector<128xf32>
    %broadcast_in_dim3A_550 = vector.shape_cast %reduce_sum3A_549 : vector<128xf32> to vector<128x1xf32>
    %div3A_551 = vector.broadcast %broadcast_in_dim3A_550 : vector<128x1xf32> to vector<128x128xf32>
    %div3A_552 = arith.divf %exp3A_547, %div3A_551 : vector<128x128xf32>
    %convert_element_type3A_553 = arith.truncf %div3A_552 : vector<128x128xf32> to vector<128x128xbf16>
    %convert_element_type3A_554 = arith.truncf %slice3A_537 : vector<128x64xf32> to vector<128x64xbf16>
    %dot_general3A_555 = arith.constant dense<0.000000e+00> : vector<128x64xf32>
    %dot_general3A_556 = tpu.matmul %convert_element_type3A_553, %convert_element_type3A_554, %dot_general3A_555 {dimension_numbers = #tpu.dot_dimension_numbers<[1], [0], [0], [1], [0, 0, 1, 1], [], []>, transpose_lhs_hint = false} : vector<128x128xbf16>, vector<128x64xbf16>, vector<128x64xf32> -> vector<128x64xf32>
    %swap3A_557 = arith.constant 12 : index
    %swap3A_558 = arith.constant 0 : index
    %swap3A_559 = arith.constant 0 : index
    %swap3A_560 = vector.load %arg3[%swap3A_557, %swap3A_558, %swap3A_559] : memref<16x128x64xf32, #tpu.memory_space<vmem>>, vector<1x128x64xf32>
    %swap3A_561 = vector.shape_cast %swap3A_560 : vector<1x128x64xf32> to vector<128x64xf32>
    %swap3A_562 = vector.shape_cast %dot_general3A_556 : vector<128x64xf32> to vector<1x128x64xf32>
    tpu.vector_store %arg3[%swap3A_557, %swap3A_558, %swap3A_559], %swap3A_562 {strides = array<i32>} : memref<16x128x64xf32, #tpu.memory_space<vmem>>, vector<1x128x64xf32>,
    %log3A_563 = math.log %broadcast_in_dim3A_550 : vector<128x1xf32>
    %add3A_564 = arith.addf %broadcast_in_dim3A_544, %log3A_563 : vector<128x1xf32>
    %squeeze3A_565 = vector.shape_cast %add3A_564 : vector<128x1xf32> to vector<128xf32>
    %swap3A_566 = arith.constant 12 : index
    %swap3A_567 = arith.constant 0 : index
    %swap3A_568 = vector.load %arg4[%swap3A_566, %swap3A_567] : memref<16x128xf32, #tpu.memory_space<vmem>>, vector<1x128xf32>
    %swap3A_569 = vector.shape_cast %swap3A_568 : vector<1x128xf32> to vector<128xf32>
    %swap3A_570 = vector.shape_cast %squeeze3A_565 : vector<128xf32> to vector<1x128xf32>
    tpu.vector_store %arg4[%swap3A_566, %swap3A_567], %swap3A_570 {strides = array<i32>} : memref<16x128xf32, #tpu.memory_space<vmem>>, vector<1x128xf32>,
    %get3A_571 = arith.constant 13 : index
    %get3A_572 = arith.constant 0 : index
    %get3A_573 = arith.constant 0 : index
    %get3A_574 = vector.load %arg1[%get3A_571, %get3A_572, %get3A_573] : memref<16x128x64xf32, #tpu.memory_space<vmem>>, vector<1x128x64xf32>
    %get3A_575 = vector.shape_cast %get3A_574 : vector<1x128x64xf32> to vector<128x64xf32>
    %get3A_576 = arith.constant 13 : index
    %get3A_577 = arith.constant 0 : index
    %get3A_578 = arith.constant 0 : index
    %get3A_579 = vector.load %arg2[%get3A_576, %get3A_577, %get3A_578] : memref<16x128x128xf32, #tpu.memory_space<vmem>>, vector<1x128x128xf32>
    %get3A_580 = vector.shape_cast %get3A_579 : vector<1x128x128xf32> to vector<128x128xf32>
    %slice3A_581 = vector.extract_strided_slice %get3A_580 {offsets = [0, 0], sizes = [128, 64], strides = [1, 1]} : vector<128x128xf32> to vector<128x64xf32>
    %slice3A_582 = vector.extract_strided_slice %get3A_580 {offsets = [0, 64], sizes = [128, 64], strides = [1, 1]} : vector<128x128xf32> to vector<128x64xf32>
    %convert_element_type3A_583 = arith.truncf %get3A_575 : vector<128x64xf32> to vector<128x64xbf16>
    %convert_element_type3A_584 = arith.truncf %slice3A_581 : vector<128x64xf32> to vector<128x64xbf16>
    %dot_general3A_585 = arith.constant dense<0.000000e+00> : vector<128x128xf32>
    %dot_general3A_586 = tpu.matmul %convert_element_type3A_583, %convert_element_type3A_584, %dot_general3A_585 {dimension_numbers = #tpu.dot_dimension_numbers<[1], [1], [0], [0], [0, 0, 1, 0], [], []>, transpose_lhs_hint = false} : vector<128x64xbf16>, vector<128x64xbf16>, vector<128x128xf32> -> vector<128x128xf32>
    %reduce_max3A_587 = arith.constant dense<0xFF800000> : vector<128xf32>
    %reduce_max3A_588 = vector.multi_reduction <maximumf>, %dot_general3A_586, %reduce_max3A_587 [1] : vector<128x128xf32> to vector<128xf32>
    %broadcast_in_dim3A_589 = vector.shape_cast %reduce_max3A_588 : vector<128xf32> to vector<128x1xf32>
    %sub3A_590 = vector.broadcast %broadcast_in_dim3A_589 : vector<128x1xf32> to vector<128x128xf32>
    %sub3A_591 = arith.subf %dot_general3A_586, %sub3A_590 : vector<128x128xf32>
    %exp3A_592 = math.exp %sub3A_591 : vector<128x128xf32>
    %reduce_sum3A_593 = arith.constant dense<0.000000e+00> : vector<128xf32>
    %reduce_sum3A_594 = vector.multi_reduction <add>, %exp3A_592, %reduce_sum3A_593 [1] : vector<128x128xf32> to vector<128xf32>
    %broadcast_in_dim3A_595 = vector.shape_cast %reduce_sum3A_594 : vector<128xf32> to vector<128x1xf32>
    %div3A_596 = vector.broadcast %broadcast_in_dim3A_595 : vector<128x1xf32> to vector<128x128xf32>
    %div3A_597 = arith.divf %exp3A_592, %div3A_596 : vector<128x128xf32>
    %convert_element_type3A_598 = arith.truncf %div3A_597 : vector<128x128xf32> to vector<128x128xbf16>
    %convert_element_type3A_599 = arith.truncf %slice3A_582 : vector<128x64xf32> to vector<128x64xbf16>
    %dot_general3A_600 = arith.constant dense<0.000000e+00> : vector<128x64xf32>
    %dot_general3A_601 = tpu.matmul %convert_element_type3A_598, %convert_element_type3A_599, %dot_general3A_600 {dimension_numbers = #tpu.dot_dimension_numbers<[1], [0], [0], [1], [0, 0, 1, 1], [], []>, transpose_lhs_hint = false} : vector<128x128xbf16>, vector<128x64xbf16>, vector<128x64xf32> -> vector<128x64xf32>
    %swap3A_602 = arith.constant 13 : index
    %swap3A_603 = arith.constant 0 : index
    %swap3A_604 = arith.constant 0 : index
    %swap3A_605 = vector.load %arg3[%swap3A_602, %swap3A_603, %swap3A_604] : memref<16x128x64xf32, #tpu.memory_space<vmem>>, vector<1x128x64xf32>
    %swap3A_606 = vector.shape_cast %swap3A_605 : vector<1x128x64xf32> to vector<128x64xf32>
    %swap3A_607 = vector.shape_cast %dot_general3A_601 : vector<128x64xf32> to vector<1x128x64xf32>
    tpu.vector_store %arg3[%swap3A_602, %swap3A_603, %swap3A_604], %swap3A_607 {strides = array<i32>} : memref<16x128x64xf32, #tpu.memory_space<vmem>>, vector<1x128x64xf32>,
    %log3A_608 = math.log %broadcast_in_dim3A_595 : vector<128x1xf32>
    %add3A_609 = arith.addf %broadcast_in_dim3A_589, %log3A_608 : vector<128x1xf32>
    %squeeze3A_610 = vector.shape_cast %add3A_609 : vector<128x1xf32> to vector<128xf32>
    %swap3A_611 = arith.constant 13 : index
    %swap3A_612 = arith.constant 0 : index
    %swap3A_613 = vector.load %arg4[%swap3A_611, %swap3A_612] : memref<16x128xf32, #tpu.memory_space<vmem>>, vector<1x128xf32>
    %swap3A_614 = vector.shape_cast %swap3A_613 : vector<1x128xf32> to vector<128xf32>
    %swap3A_615 = vector.shape_cast %squeeze3A_610 : vector<128xf32> to vector<1x128xf32>
    tpu.vector_store %arg4[%swap3A_611, %swap3A_612], %swap3A_615 {strides = array<i32>} : memref<16x128xf32, #tpu.memory_space<vmem>>, vector<1x128xf32>,
    %get3A_616 = arith.constant 14 : index
    %get3A_617 = arith.constant 0 : index
    %get3A_618 = arith.constant 0 : index
    %get3A_619 = vector.load %arg1[%get3A_616, %get3A_617, %get3A_618] : memref<16x128x64xf32, #tpu.memory_space<vmem>>, vector<1x128x64xf32>
    %get3A_620 = vector.shape_cast %get3A_619 : vector<1x128x64xf32> to vector<128x64xf32>
    %get3A_621 = arith.constant 14 : index
    %get3A_622 = arith.constant 0 : index
    %get3A_623 = arith.constant 0 : index
    %get3A_624 = vector.load %arg2[%get3A_621, %get3A_622, %get3A_623] : memref<16x128x128xf32, #tpu.memory_space<vmem>>, vector<1x128x128xf32>
    %get3A_625 = vector.shape_cast %get3A_624 : vector<1x128x128xf32> to vector<128x128xf32>
    %slice3A_626 = vector.extract_strided_slice %get3A_625 {offsets = [0, 0], sizes = [128, 64], strides = [1, 1]} : vector<128x128xf32> to vector<128x64xf32>
    %slice3A_627 = vector.extract_strided_slice %get3A_625 {offsets = [0, 64], sizes = [128, 64], strides = [1, 1]} : vector<128x128xf32> to vector<128x64xf32>
    %convert_element_type3A_628 = arith.truncf %get3A_620 : vector<128x64xf32> to vector<128x64xbf16>
    %convert_element_type3A_629 = arith.truncf %slice3A_626 : vector<128x64xf32> to vector<128x64xbf16>
    %dot_general3A_630 = arith.constant dense<0.000000e+00> : vector<128x128xf32>
    %dot_general3A_631 = tpu.matmul %convert_element_type3A_628, %convert_element_type3A_629, %dot_general3A_630 {dimension_numbers = #tpu.dot_dimension_numbers<[1], [1], [0], [0], [0, 0, 1, 0], [], []>, transpose_lhs_hint = false} : vector<128x64xbf16>, vector<128x64xbf16>, vector<128x128xf32> -> vector<128x128xf32>
    %reduce_max3A_632 = arith.constant dense<0xFF800000> : vector<128xf32>
    %reduce_max3A_633 = vector.multi_reduction <maximumf>, %dot_general3A_631, %reduce_max3A_632 [1] : vector<128x128xf32> to vector<128xf32>
    %broadcast_in_dim3A_634 = vector.shape_cast %reduce_max3A_633 : vector<128xf32> to vector<128x1xf32>
    %sub3A_635 = vector.broadcast %broadcast_in_dim3A_634 : vector<128x1xf32> to vector<128x128xf32>
    %sub3A_636 = arith.subf %dot_general3A_631, %sub3A_635 : vector<128x128xf32>
    %exp3A_637 = math.exp %sub3A_636 : vector<128x128xf32>
    %reduce_sum3A_638 = arith.constant dense<0.000000e+00> : vector<128xf32>
    %reduce_sum3A_639 = vector.multi_reduction <add>, %exp3A_637, %reduce_sum3A_638 [1] : vector<128x128xf32> to vector<128xf32>
    %broadcast_in_dim3A_640 = vector.shape_cast %reduce_sum3A_639 : vector<128xf32> to vector<128x1xf32>
    %div3A_641 = vector.broadcast %broadcast_in_dim3A_640 : vector<128x1xf32> to vector<128x128xf32>
    %div3A_642 = arith.divf %exp3A_637, %div3A_641 : vector<128x128xf32>
    %convert_element_type3A_643 = arith.truncf %div3A_642 : vector<128x128xf32> to vector<128x128xbf16>
    %convert_element_type3A_644 = arith.truncf %slice3A_627 : vector<128x64xf32> to vector<128x64xbf16>
    %dot_general3A_645 = arith.constant dense<0.000000e+00> : vector<128x64xf32>
    %dot_general3A_646 = tpu.matmul %convert_element_type3A_643, %convert_element_type3A_644, %dot_general3A_645 {dimension_numbers = #tpu.dot_dimension_numbers<[1], [0], [0], [1], [0, 0, 1, 1], [], []>, transpose_lhs_hint = false} : vector<128x128xbf16>, vector<128x64xbf16>, vector<128x64xf32> -> vector<128x64xf32>
    %swap3A_647 = arith.constant 14 : index
    %swap3A_648 = arith.constant 0 : index
    %swap3A_649 = arith.constant 0 : index
    %swap3A_650 = vector.load %arg3[%swap3A_647, %swap3A_648, %swap3A_649] : memref<16x128x64xf32, #tpu.memory_space<vmem>>, vector<1x128x64xf32>
    %swap3A_651 = vector.shape_cast %swap3A_650 : vector<1x128x64xf32> to vector<128x64xf32>
    %swap3A_652 = vector.shape_cast %dot_general3A_646 : vector<128x64xf32> to vector<1x128x64xf32>
    tpu.vector_store %arg3[%swap3A_647, %swap3A_648, %swap3A_649], %swap3A_652 {strides = array<i32>} : memref<16x128x64xf32, #tpu.memory_space<vmem>>, vector<1x128x64xf32>,
    %log3A_653 = math.log %broadcast_in_dim3A_640 : vector<128x1xf32>
    %add3A_654 = arith.addf %broadcast_in_dim3A_634, %log3A_653 : vector<128x1xf32>
    %squeeze3A_655 = vector.shape_cast %add3A_654 : vector<128x1xf32> to vector<128xf32>
    %swap3A_656 = arith.constant 14 : index
    %swap3A_657 = arith.constant 0 : index
    %swap3A_658 = vector.load %arg4[%swap3A_656, %swap3A_657] : memref<16x128xf32, #tpu.memory_space<vmem>>, vector<1x128xf32>
    %swap3A_659 = vector.shape_cast %swap3A_658 : vector<1x128xf32> to vector<128xf32>
    %swap3A_660 = vector.shape_cast %squeeze3A_655 : vector<128xf32> to vector<1x128xf32>
    tpu.vector_store %arg4[%swap3A_656, %swap3A_657], %swap3A_660 {strides = array<i32>} : memref<16x128xf32, #tpu.memory_space<vmem>>, vector<1x128xf32>,
    %get3A_661 = arith.constant 15 : index
    %get3A_662 = arith.constant 0 : index
    %get3A_663 = arith.constant 0 : index
    %get3A_664 = vector.load %arg1[%get3A_661, %get3A_662, %get3A_663] : memref<16x128x64xf32, #tpu.memory_space<vmem>>, vector<1x128x64xf32>
    %get3A_665 = vector.shape_cast %get3A_664 : vector<1x128x64xf32> to vector<128x64xf32>
    %get3A_666 = arith.constant 15 : index
    %get3A_667 = arith.constant 0 : index
    %get3A_668 = arith.constant 0 : index
    %get3A_669 = vector.load %arg2[%get3A_666, %get3A_667, %get3A_668] : memref<16x128x128xf32, #tpu.memory_space<vmem>>, vector<1x128x128xf32>
    %get3A_670 = vector.shape_cast %get3A_669 : vector<1x128x128xf32> to vector<128x128xf32>
    %slice3A_671 = vector.extract_strided_slice %get3A_670 {offsets = [0, 0], sizes = [128, 64], strides = [1, 1]} : vector<128x128xf32> to vector<128x64xf32>
    %slice3A_672 = vector.extract_strided_slice %get3A_670 {offsets = [0, 64], sizes = [128, 64], strides = [1, 1]} : vector<128x128xf32> to vector<128x64xf32>
    %convert_element_type3A_673 = arith.truncf %get3A_665 : vector<128x64xf32> to vector<128x64xbf16>
    %convert_element_type3A_674 = arith.truncf %slice3A_671 : vector<128x64xf32> to vector<128x64xbf16>
    %dot_general3A_675 = arith.constant dense<0.000000e+00> : vector<128x128xf32>
    %dot_general3A_676 = tpu.matmul %convert_element_type3A_673, %convert_element_type3A_674, %dot_general3A_675 {dimension_numbers = #tpu.dot_dimension_numbers<[1], [1], [0], [0], [0, 0, 1, 0], [], []>, transpose_lhs_hint = false} : vector<128x64xbf16>, vector<128x64xbf16>, vector<128x128xf32> -> vector<128x128xf32>
    %reduce_max3A_677 = arith.constant dense<0xFF800000> : vector<128xf32>
    %reduce_max3A_678 = vector.multi_reduction <maximumf>, %dot_general3A_676, %reduce_max3A_677 [1] : vector<128x128xf32> to vector<128xf32>
    %broadcast_in_dim3A_679 = vector.shape_cast %reduce_max3A_678 : vector<128xf32> to vector<128x1xf32>
    %sub3A_680 = vector.broadcast %broadcast_in_dim3A_679 : vector<128x1xf32> to vector<128x128xf32>
    %sub3A_681 = arith.subf %dot_general3A_676, %sub3A_680 : vector<128x128xf32>
    %exp3A_682 = math.exp %sub3A_681 : vector<128x128xf32>
    %reduce_sum3A_683 = arith.constant dense<0.000000e+00> : vector<128xf32>
    %reduce_sum3A_684 = vector.multi_reduction <add>, %exp3A_682, %reduce_sum3A_683 [1] : vector<128x128xf32> to vector<128xf32>
    %broadcast_in_dim3A_685 = vector.shape_cast %reduce_sum3A_684 : vector<128xf32> to vector<128x1xf32>
    %div3A_686 = vector.broadcast %broadcast_in_dim3A_685 : vector<128x1xf32> to vector<128x128xf32>
    %div3A_687 = arith.divf %exp3A_682, %div3A_686 : vector<128x128xf32>
    %convert_element_type3A_688 = arith.truncf %div3A_687 : vector<128x128xf32> to vector<128x128xbf16>
    %convert_element_type3A_689 = arith.truncf %slice3A_672 : vector<128x64xf32> to vector<128x64xbf16>
    %dot_general3A_690 = arith.constant dense<0.000000e+00> : vector<128x64xf32>
    %dot_general3A_691 = tpu.matmul %convert_element_type3A_688, %convert_element_type3A_689, %dot_general3A_690 {dimension_numbers = #tpu.dot_dimension_numbers<[1], [0], [0], [1], [0, 0, 1, 1], [], []>, transpose_lhs_hint = false} : vector<128x128xbf16>, vector<128x64xbf16>, vector<128x64xf32> -> vector<128x64xf32>
    %swap3A_692 = arith.constant 15 : index
    %swap3A_693 = arith.constant 0 : index
    %swap3A_694 = arith.constant 0 : index
    %swap3A_695 = vector.load %arg3[%swap3A_692, %swap3A_693, %swap3A_694] : memref<16x128x64xf32, #tpu.memory_space<vmem>>, vector<1x128x64xf32>
    %swap3A_696 = vector.shape_cast %swap3A_695 : vector<1x128x64xf32> to vector<128x64xf32>
    %swap3A_697 = vector.shape_cast %dot_general3A_691 : vector<128x64xf32> to vector<1x128x64xf32>
    tpu.vector_store %arg3[%swap3A_692, %swap3A_693, %swap3A_694], %swap3A_697 {strides = array<i32>} : memref<16x128x64xf32, #tpu.memory_space<vmem>>, vector<1x128x64xf32>,
    %log3A_698 = math.log %broadcast_in_dim3A_685 : vector<128x1xf32>
    %add3A_699 = arith.addf %broadcast_in_dim3A_679, %log3A_698 : vector<128x1xf32>
    %squeeze3A_700 = vector.shape_cast %add3A_699 : vector<128x1xf32> to vector<128xf32>
    %swap3A_701 = arith.constant 15 : index
    %swap3A_702 = arith.constant 0 : index
    %swap3A_703 = vector.load %arg4[%swap3A_701, %swap3A_702] : memref<16x128xf32, #tpu.memory_space<vmem>>, vector<1x128xf32>
    %swap3A_704 = vector.shape_cast %swap3A_703 : vector<1x128xf32> to vector<128xf32>
    %swap3A_705 = vector.shape_cast %squeeze3A_700 : vector<128xf32> to vector<1x128xf32>
    tpu.vector_store %arg4[%swap3A_701, %swap3A_702], %swap3A_705 {strides = array<i32>} : memref<16x128xf32, #tpu.memory_space<vmem>>, vector<1x128xf32>,
    return
  }
  func.func @transform_0(%arg0: i32) -> (i32, i32, i32) {
    %c0_i32 = arith.constant 0 : i32
    %c0_i32_0 = arith.constant 0 : i32
    %c0_i32_1 = arith.constant 0 : i32
    return %arg0, %c0_i32, %c0_i32_0 : i32, i32, i32
  }
  func.func @transform_1(%arg0: i32) -> (i32, i32, i32) {
    %c0_i32 = arith.constant 0 : i32
    %c0_i32_0 = arith.constant 0 : i32
    %c0_i32_1 = arith.constant 0 : i32
    return %arg0, %c0_i32, %c0_i32_0 : i32, i32, i32
  }
  func.func @transform_2(%arg0: i32) -> (i32, i32, i32) {
    %c0_i32 = arith.constant 0 : i32
    %c0_i32_0 = arith.constant 0 : i32
    %c0_i32_1 = arith.constant 0 : i32
    return %arg0, %c0_i32, %c0_i32_0 : i32, i32, i32
  }
  func.func @transform_3(%arg0: i32) -> (i32, i32) {
    %c0_i32 = arith.constant 0 : i32
    %c0_i32_0 = arith.constant 0 : i32
    return %arg0, %c0_i32 : i32, i32
  }
}

module attributes {stable_mosaic.version = 14 : i64} {
  func.func @_k3_body(%arg0: i32, %arg1: i32, %arg2: memref<512x1536xf32, #tpu.memory_space<vmem>>, %arg3: memref<512x24xf32, #tpu.memory_space<vmem>>, %arg4: memref<512x768xf32, #tpu.memory_space<vmem>>, %arg5: memref<768x768xf32, #tpu.memory_space<vmem>>, %arg6: memref<1x768xf32, #tpu.memory_space<vmem>>, %arg7: memref<1x768xf32, #tpu.memory_space<vmem>>, %arg8: memref<1x768xf32, #tpu.memory_space<vmem>>, %arg9: memref<768x768xf32, #tpu.memory_space<vmem>>, %arg10: memref<1x768xf32, #tpu.memory_space<vmem>>, %arg11: memref<768x768xf32, #tpu.memory_space<vmem>>, %arg12: memref<1x768xf32, #tpu.memory_space<vmem>>, %arg13: memref<512x768xf32, #tpu.memory_space<vmem>>, %arg14: memref<512x768xf32, #tpu.memory_space<vmem>>, %arg15: memref<512x768xf32, #tpu.memory_space<vmem>>) attributes {dimension_semantics = [#tpu.dimension_semantics<arbitrary>, #tpu.dimension_semantics<arbitrary>], iteration_bounds = array<i64: 8, 4>, scalar_prefetch = 0 : i64, scratch_operands = 2 : i64, tpu.core_type = #tpu.core_type<tc>, window_params = [{transform_indices = @transform_0, window_bounds = array<i64: 512, 1536>}, {transform_indices = @transform_1, window_bounds = array<i64: 512, 24>}, {transform_indices = @transform_2, window_bounds = array<i64: 512, 768>}, {pipeline_mode = #tpu.pipeline_mode<synchronous>, transform_indices = @transform_3, window_bounds = array<i64: 768, 768>}, {pipeline_mode = #tpu.pipeline_mode<synchronous>, transform_indices = @transform_4, window_bounds = array<i64: 1, 768>}, {pipeline_mode = #tpu.pipeline_mode<synchronous>, transform_indices = @transform_5, window_bounds = array<i64: 1, 768>}, {pipeline_mode = #tpu.pipeline_mode<synchronous>, transform_indices = @transform_6, window_bounds = array<i64: 1, 768>}, {transform_indices = @transform_7, window_bounds = array<i64: 768, 768>}, {transform_indices = @transform_8, window_bounds = array<i64: 1, 768>}, {transform_indices = @transform_9, window_bounds = array<i64: 768, 768>}, {pipeline_mode = #tpu.pipeline_mode<synchronous>, transform_indices = @transform_10, window_bounds = array<i64: 1, 768>}, {transform_indices = @transform_11, window_bounds = array<i64: 512, 768>}]} {
    %eq3A = arith.constant 0 : i32
    %eq3A_0 = arith.cmpi eq, %arg1, %eq3A : i32
    %convert_element_type3A = arith.extui %eq3A_0 : i1 to i32
    %cond3A = arith.constant 0 : i32
    %cond3A_1 = arith.cmpi ne, %convert_element_type3A, %cond3A : i32
    scf.if %cond3A_1 {
      %get3A_39 = arith.constant 0 : index
      %get3A_40 = arith.constant 0 : index
      %get3A_41 = vector.load %arg2[%get3A_39, %get3A_40] : memref<512x1536xf32, #tpu.memory_space<vmem>>, vector<512x1536xf32>
      %get3A_42 = arith.constant 0 : index
      %get3A_43 = arith.constant 0 : index
      %get3A_44 = vector.load %arg3[%get3A_42, %get3A_43] : memref<512x24xf32, #tpu.memory_space<vmem>>, vector<512x24xf32>
      %iota3A = tpu.iota {dimensions = array<i32: 0>} : vector<12x768xi32>
      %iota3A_45 = tpu.iota {dimensions = array<i32: 1>} : vector<12x768xi32>
      %jit3A = arith.constant 64 : i32
      %div3A = vector.broadcast %jit3A : i32 to vector<12x768xi32>
      %div3A_46 = arith.divsi %iota3A_45, %div3A : vector<12x768xi32>
      %sign3A = arith.constant 0 : i32
      %sign3A_47 = vector.broadcast %sign3A : i32 to vector<12x768xi32>
      %sign3A_48 = arith.cmpi sgt, %iota3A_45, %sign3A_47 : vector<12x768xi32>
      %sign3A_49 = arith.extui %sign3A_48 : vector<12x768xi1> to vector<12x768xi32>
      %sign3A_50 = arith.constant 0 : i32
      %sign3A_51 = vector.broadcast %sign3A_50 : i32 to vector<12x768xi32>
      %sign3A_52 = arith.cmpi slt, %iota3A_45, %sign3A_51 : vector<12x768xi32>
      %sign3A_53 = arith.extui %sign3A_52 : vector<12x768xi1> to vector<12x768xi32>
      %sign3A_54 = arith.subi %sign3A_49, %sign3A_53 : vector<12x768xi32>
      %sign3A_55 = arith.constant 0 : i32
      %sign3A_56 = arith.cmpi sgt, %jit3A, %sign3A_55 : i32
      %sign3A_57 = arith.extui %sign3A_56 : i1 to i32
      %sign3A_58 = arith.constant 0 : i32
      %sign3A_59 = arith.cmpi slt, %jit3A, %sign3A_58 : i32
      %sign3A_60 = arith.extui %sign3A_59 : i1 to i32
      %sign3A_61 = arith.subi %sign3A_57, %sign3A_60 : i32
      %ne3A_62 = vector.broadcast %sign3A_61 : i32 to vector<12x768xi32>
      %ne3A_63 = arith.cmpi ne, %sign3A_54, %ne3A_62 : vector<12x768xi32>
      %rem3A = vector.broadcast %jit3A : i32 to vector<12x768xi32>
      %rem3A_64 = arith.remsi %iota3A_45, %rem3A : vector<12x768xi32>
      %ne3A_65 = arith.constant 0 : i32
      %ne3A_66 = vector.broadcast %ne3A_65 : i32 to vector<12x768xi32>
      %ne3A_67 = arith.cmpi ne, %rem3A_64, %ne3A_66 : vector<12x768xi32>
      %and3A = arith.andi %ne3A_63, %ne3A_67 : vector<12x768xi1>
      %sub3A = arith.constant 1 : i32
      %sub3A_68 = vector.broadcast %sub3A : i32 to vector<12x768xi32>
      %sub3A_69 = arith.subi %div3A_46, %sub3A_68 : vector<12x768xi32>
      %select_n3A = arith.select %and3A, %sub3A_69, %div3A_46 : vector<12x768xi1>, vector<12x768xi32>
      %eq3A_70 = arith.cmpi eq, %select_n3A, %iota3A : vector<12x768xi32>
      %jit3A_71 = arith.constant 1.000000e+00 : f32
      %jit3A_72 = arith.constant 0.000000e+00 : f32
      %broadcast_in_dim3A = vector.broadcast %jit3A_71 : f32 to vector<12x768xf32>
      %broadcast_in_dim3A_73 = vector.broadcast %jit3A_72 : f32 to vector<12x768xf32>
      %select_n3A_74 = arith.select %eq3A_70, %broadcast_in_dim3A, %broadcast_in_dim3A_73 : vector<12x768xi1>, vector<12x768xf32>
      %slice3A = vector.extract_strided_slice %get3A_44 {offsets = [0, 0], sizes = [512, 12], strides = [1, 1]} : vector<512x24xf32> to vector<512x12xf32>
      %dot_general3A_75 = arith.constant dense<0.000000e+00> : vector<512x768xf32>
      %dot_general3A_76 = tpu.matmul %slice3A, %select_n3A_74, %dot_general3A_75 {dimension_numbers = #tpu.dot_dimension_numbers<[1], [0], [0], [1], [0, 0, 1, 1], [], []>, transpose_lhs_hint = false} : vector<512x12xf32>, vector<12x768xf32>, vector<512x768xf32> -> vector<512x768xf32>
      %slice3A_77 = vector.extract_strided_slice %get3A_44 {offsets = [0, 12], sizes = [512, 12], strides = [1, 1]} : vector<512x24xf32> to vector<512x12xf32>
      %dot_general3A_78 = arith.constant dense<0.000000e+00> : vector<512x768xf32>
      %dot_general3A_79 = tpu.matmul %slice3A_77, %select_n3A_74, %dot_general3A_78 {dimension_numbers = #tpu.dot_dimension_numbers<[1], [0], [0], [1], [0, 0, 1, 1], [], []>, transpose_lhs_hint = false} : vector<512x12xf32>, vector<12x768xf32>, vector<512x768xf32> -> vector<512x768xf32>
      %slice3A_80 = vector.extract_strided_slice %get3A_41 {offsets = [0, 0], sizes = [512, 768], strides = [1, 1]} : vector<512x1536xf32> to vector<512x768xf32>
      %mul3A_81 = arith.mulf %slice3A_80, %dot_general3A_76 : vector<512x768xf32>
      %slice3A_82 = vector.extract_strided_slice %get3A_41 {offsets = [0, 768], sizes = [512, 768], strides = [1, 1]} : vector<512x1536xf32> to vector<512x768xf32>
      %mul3A_83 = arith.mulf %slice3A_82, %dot_general3A_79 : vector<512x768xf32>
      %add3A_84 = arith.addf %mul3A_81, %mul3A_83 : vector<512x768xf32>
      %get3A_85 = arith.constant 0 : index
      %get3A_86 = arith.constant 0 : index
      %get3A_87 = vector.load %arg5[%get3A_85, %get3A_86] : memref<768x768xf32, #tpu.memory_space<vmem>>, vector<768x768xf32>
      %convert_element_type3A_88 = arith.truncf %add3A_84 : vector<512x768xf32> to vector<512x768xbf16>
      %convert_element_type3A_89 = arith.truncf %get3A_87 : vector<768x768xf32> to vector<768x768xbf16>
      %dot_general3A_90 = arith.constant dense<0.000000e+00> : vector<512x768xf32>
      %dot_general3A_91 = tpu.matmul %convert_element_type3A_88, %convert_element_type3A_89, %dot_general3A_90 {dimension_numbers = #tpu.dot_dimension_numbers<[1], [1], [0], [0], [0, 0, 1, 0], [], []>, transpose_lhs_hint = false} : vector<512x768xbf16>, vector<768x768xbf16>, vector<512x768xf32> -> vector<512x768xf32>
      %get3A_92 = arith.constant 0 : index
      %get3A_93 = arith.constant 0 : index
      %get3A_94 = vector.load %arg6[%get3A_92, %get3A_93] : memref<1x768xf32, #tpu.memory_space<vmem>>, vector<1x768xf32>
      %add3A_95 = vector.broadcast %get3A_94 : vector<1x768xf32> to vector<512x768xf32>
      %add3A_96 = arith.addf %dot_general3A_91, %add3A_95 : vector<512x768xf32>
      %get3A_97 = arith.constant 0 : index
      %get3A_98 = arith.constant 0 : index
      %get3A_99 = vector.load %arg4[%get3A_97, %get3A_98] : memref<512x768xf32, #tpu.memory_space<vmem>>, vector<512x768xf32>
      %add3A_100 = arith.addf %add3A_96, %get3A_99 : vector<512x768xf32>
      %swap3A = arith.constant 0 : index
      %swap3A_101 = arith.constant 0 : index
      %swap3A_102 = vector.load %arg14[%swap3A, %swap3A_101] : memref<512x768xf32, #tpu.memory_space<vmem>>, vector<512x768xf32>
      tpu.vector_store %arg14[%swap3A, %swap3A_101], %add3A_100 {strides = array<i32>} : memref<512x768xf32, #tpu.memory_space<vmem>>, vector<512x768xf32>,
      %get3A_103 = arith.constant 0 : index
      %get3A_104 = arith.constant 0 : index
      %get3A_105 = vector.load %arg7[%get3A_103, %get3A_104] : memref<1x768xf32, #tpu.memory_space<vmem>>, vector<1x768xf32>
      %get3A_106 = arith.constant 0 : index
      %get3A_107 = arith.constant 0 : index
      %get3A_108 = vector.load %arg8[%get3A_106, %get3A_107] : memref<1x768xf32, #tpu.memory_space<vmem>>, vector<1x768xf32>
      %reduce_sum3A = arith.constant dense<0.000000e+00> : vector<512xf32>
      %reduce_sum3A_109 = vector.multi_reduction <add>, %add3A_100, %reduce_sum3A [1] : vector<512x768xf32> to vector<512xf32>
      %broadcast_in_dim3A_110 = vector.shape_cast %reduce_sum3A_109 : vector<512xf32> to vector<512x1xf32>
      %div3A_111 = arith.constant 7.680000e+02 : f32
      %div3A_112 = vector.broadcast %div3A_111 : f32 to vector<512x1xf32>
      %div3A_113 = arith.divf %broadcast_in_dim3A_110, %div3A_112 : vector<512x1xf32>
      %sub3A_114 = vector.broadcast %div3A_113 : vector<512x1xf32> to vector<512x768xf32>
      %sub3A_115 = arith.subf %add3A_100, %sub3A_114 : vector<512x768xf32>
      %integer_pow3A = arith.mulf %sub3A_115, %sub3A_115 : vector<512x768xf32>
      %reduce_sum3A_116 = arith.constant dense<0.000000e+00> : vector<512xf32>
      %reduce_sum3A_117 = vector.multi_reduction <add>, %integer_pow3A, %reduce_sum3A_116 [1] : vector<512x768xf32> to vector<512xf32>
      %broadcast_in_dim3A_118 = vector.shape_cast %reduce_sum3A_117 : vector<512xf32> to vector<512x1xf32>
      %div3A_119 = arith.constant 7.680000e+02 : f32
      %div3A_120 = vector.broadcast %div3A_119 : f32 to vector<512x1xf32>
      %div3A_121 = arith.divf %broadcast_in_dim3A_118, %div3A_120 : vector<512x1xf32>
      %sub3A_122 = vector.broadcast %div3A_113 : vector<512x1xf32> to vector<512x768xf32>
      %sub3A_123 = arith.subf %add3A_100, %sub3A_122 : vector<512x768xf32>
      %add3A_124 = arith.constant 9.99999997E-7 : f32
      %add3A_125 = vector.broadcast %add3A_124 : f32 to vector<512x1xf32>
      %add3A_126 = arith.addf %div3A_121, %add3A_125 : vector<512x1xf32>
      %sqrt3A = math.sqrt %add3A_126 : vector<512x1xf32>
      %div3A_127 = vector.broadcast %sqrt3A : vector<512x1xf32> to vector<512x768xf32>
      %div3A_128 = arith.divf %sub3A_123, %div3A_127 : vector<512x768xf32>
      %mul3A_129 = vector.broadcast %get3A_105 : vector<1x768xf32> to vector<512x768xf32>
      %mul3A_130 = arith.mulf %div3A_128, %mul3A_129 : vector<512x768xf32>
      %add3A_131 = vector.broadcast %get3A_108 : vector<1x768xf32> to vector<512x768xf32>
      %add3A_132 = arith.addf %mul3A_130, %add3A_131 : vector<512x768xf32>
      %swap3A_133 = arith.constant 0 : index
      %swap3A_134 = arith.constant 0 : index
      %swap3A_135 = vector.load %arg15[%swap3A_133, %swap3A_134] : memref<512x768xf32, #tpu.memory_space<vmem>>, vector<512x768xf32>
      tpu.vector_store %arg15[%swap3A_133, %swap3A_134], %add3A_132 {strides = array<i32>} : memref<512x768xf32, #tpu.memory_space<vmem>>, vector<512x768xf32>,
    } else {
    }
    %get3A = arith.constant 0 : index
    %get3A_2 = arith.constant 0 : index
    %get3A_3 = vector.load %arg15[%get3A, %get3A_2] : memref<512x768xf32, #tpu.memory_space<vmem>>, vector<512x768xf32>
    %get3A_4 = arith.constant 0 : index
    %get3A_5 = arith.constant 0 : index
    %get3A_6 = vector.load %arg9[%get3A_4, %get3A_5] : memref<768x768xf32, #tpu.memory_space<vmem>>, vector<768x768xf32>
    %convert_element_type3A_7 = arith.truncf %get3A_3 : vector<512x768xf32> to vector<512x768xbf16>
    %convert_element_type3A_8 = arith.truncf %get3A_6 : vector<768x768xf32> to vector<768x768xbf16>
    %dot_general3A = arith.constant dense<0.000000e+00> : vector<512x768xf32>
    %dot_general3A_9 = tpu.matmul %convert_element_type3A_7, %convert_element_type3A_8, %dot_general3A {dimension_numbers = #tpu.dot_dimension_numbers<[1], [1], [0], [0], [0, 0, 1, 0], [], []>, transpose_lhs_hint = false} : vector<512x768xbf16>, vector<768x768xbf16>, vector<512x768xf32> -> vector<512x768xf32>
    %get3A_10 = arith.constant 0 : index
    %get3A_11 = arith.constant 0 : index
    %get3A_12 = vector.load %arg10[%get3A_10, %get3A_11] : memref<1x768xf32, #tpu.memory_space<vmem>>, vector<1x768xf32>
    %add3A = vector.broadcast %get3A_12 : vector<1x768xf32> to vector<512x768xf32>
    %add3A_13 = arith.addf %dot_general3A_9, %add3A : vector<512x768xf32>
    %mul3A = arith.constant 5.000000e-01 : f32
    %mul3A_14 = vector.broadcast %mul3A : f32 to vector<512x768xf32>
    %mul3A_15 = arith.mulf %mul3A_14, %add3A_13 : vector<512x768xf32>
    %mul3A_16 = arith.constant 0.707106769 : f32
    %mul3A_17 = vector.broadcast %mul3A_16 : f32 to vector<512x768xf32>
    %mul3A_18 = arith.mulf %add3A_13, %mul3A_17 : vector<512x768xf32>
    %erf3A = math.erf %mul3A_18 : vector<512x768xf32>
    %add3A_19 = arith.constant 1.000000e+00 : f32
    %add3A_20 = vector.broadcast %add3A_19 : f32 to vector<512x768xf32>
    %add3A_21 = arith.addf %add3A_20, %erf3A : vector<512x768xf32>
    %mul3A_22 = arith.mulf %mul3A_15, %add3A_21 : vector<512x768xf32>
    %get3A_23 = arith.constant 0 : index
    %get3A_24 = arith.constant 0 : index
    %get3A_25 = vector.load %arg11[%get3A_23, %get3A_24] : memref<768x768xf32, #tpu.memory_space<vmem>>, vector<768x768xf32>
    %convert_element_type3A_26 = arith.truncf %mul3A_22 : vector<512x768xf32> to vector<512x768xbf16>
    %convert_element_type3A_27 = arith.truncf %get3A_25 : vector<768x768xf32> to vector<768x768xbf16>
    %dot_general3A_28 = arith.constant dense<0.000000e+00> : vector<512x768xf32>
    %dot_general3A_29 = tpu.matmul %convert_element_type3A_26, %convert_element_type3A_27, %dot_general3A_28 {dimension_numbers = #tpu.dot_dimension_numbers<[1], [1], [0], [0], [0, 0, 1, 0], [], []>, transpose_lhs_hint = false} : vector<512x768xbf16>, vector<768x768xbf16>, vector<512x768xf32> -> vector<512x768xf32>
    %eq3A_30 = arith.constant 0 : i32
    %eq3A_31 = arith.cmpi eq, %arg1, %eq3A_30 : i32
    %convert_element_type3A_32 = arith.extui %eq3A_31 : i1 to i32
    %cond3A_33 = arith.constant 0 : i32
    %cond3A_34 = arith.cmpi ne, %convert_element_type3A_32, %cond3A_33 : i32
    scf.if %cond3A_34 {
      %get3A_39 = arith.constant 0 : index
      %get3A_40 = arith.constant 0 : index
      %get3A_41 = vector.load %arg14[%get3A_39, %get3A_40] : memref<512x768xf32, #tpu.memory_space<vmem>>, vector<512x768xf32>
      %get3A_42 = arith.constant 0 : index
      %get3A_43 = arith.constant 0 : index
      %get3A_44 = vector.load %arg12[%get3A_42, %get3A_43] : memref<1x768xf32, #tpu.memory_space<vmem>>, vector<1x768xf32>
      %add3A_45 = vector.broadcast %get3A_44 : vector<1x768xf32> to vector<512x768xf32>
      %add3A_46 = arith.addf %get3A_41, %add3A_45 : vector<512x768xf32>
      %add3A_47 = arith.addf %add3A_46, %dot_general3A_29 : vector<512x768xf32>
      %swap3A = arith.constant 0 : index
      %swap3A_48 = arith.constant 0 : index
      %swap3A_49 = vector.load %arg13[%swap3A, %swap3A_48] : memref<512x768xf32, #tpu.memory_space<vmem>>, vector<512x768xf32>
      tpu.vector_store %arg13[%swap3A, %swap3A_48], %add3A_47 {strides = array<i32>} : memref<512x768xf32, #tpu.memory_space<vmem>>, vector<512x768xf32>,
    } else {
    }
    %ne3A = arith.constant 0 : i32
    %ne3A_35 = arith.cmpi ne, %arg1, %ne3A : i32
    %convert_element_type3A_36 = arith.extui %ne3A_35 : i1 to i32
    %cond3A_37 = arith.constant 0 : i32
    %cond3A_38 = arith.cmpi ne, %convert_element_type3A_36, %cond3A_37 : i32
    scf.if %cond3A_38 {
      %get3A_39 = arith.constant 0 : index
      %get3A_40 = arith.constant 0 : index
      %get3A_41 = vector.load %arg13[%get3A_39, %get3A_40] : memref<512x768xf32, #tpu.memory_space<vmem>>, vector<512x768xf32>
      %add3A_42 = arith.addf %get3A_41, %dot_general3A_29 : vector<512x768xf32>
      %swap3A = arith.constant 0 : index
      %swap3A_43 = arith.constant 0 : index
      %swap3A_44 = vector.load %arg13[%swap3A, %swap3A_43] : memref<512x768xf32, #tpu.memory_space<vmem>>, vector<512x768xf32>
      tpu.vector_store %arg13[%swap3A, %swap3A_43], %add3A_42 {strides = array<i32>} : memref<512x768xf32, #tpu.memory_space<vmem>>, vector<512x768xf32>,
    } else {
    }
    return
  }
  func.func @transform_0(%arg0: i32, %arg1: i32) -> (i32, i32) {
    %c0_i32 = arith.constant 0 : i32
    %c0_i32_0 = arith.constant 0 : i32
    return %arg0, %c0_i32 : i32, i32
  }
  func.func @transform_1(%arg0: i32, %arg1: i32) -> (i32, i32) {
    %c0_i32 = arith.constant 0 : i32
    %c0_i32_0 = arith.constant 0 : i32
    return %arg0, %c0_i32 : i32, i32
  }
  func.func @transform_2(%arg0: i32, %arg1: i32) -> (i32, i32) {
    %c0_i32 = arith.constant 0 : i32
    %c0_i32_0 = arith.constant 0 : i32
    return %arg0, %c0_i32 : i32, i32
  }
  func.func @transform_3(%arg0: i32, %arg1: i32) -> (i32, i32) {
    %c0_i32 = arith.constant 0 : i32
    %c0_i32_0 = arith.constant 0 : i32
    %c0_i32_1 = arith.constant 0 : i32
    return %c0_i32, %c0_i32_0 : i32, i32
  }
  func.func @transform_4(%arg0: i32, %arg1: i32) -> (i32, i32) {
    %c0_i32 = arith.constant 0 : i32
    %c0_i32_0 = arith.constant 0 : i32
    %c0_i32_1 = arith.constant 0 : i32
    return %c0_i32, %c0_i32_0 : i32, i32
  }
  func.func @transform_5(%arg0: i32, %arg1: i32) -> (i32, i32) {
    %c0_i32 = arith.constant 0 : i32
    %c0_i32_0 = arith.constant 0 : i32
    %c0_i32_1 = arith.constant 0 : i32
    return %c0_i32, %c0_i32_0 : i32, i32
  }
  func.func @transform_6(%arg0: i32, %arg1: i32) -> (i32, i32) {
    %c0_i32 = arith.constant 0 : i32
    %c0_i32_0 = arith.constant 0 : i32
    %c0_i32_1 = arith.constant 0 : i32
    return %c0_i32, %c0_i32_0 : i32, i32
  }
  func.func @transform_7(%arg0: i32, %arg1: i32) -> (i32, i32) {
    %c0_i32 = arith.constant 0 : i32
    %c0_i32_0 = arith.constant 0 : i32
    return %arg1, %c0_i32 : i32, i32
  }
  func.func @transform_8(%arg0: i32, %arg1: i32) -> (i32, i32) {
    %c0_i32 = arith.constant 0 : i32
    %c0_i32_0 = arith.constant 0 : i32
    return %c0_i32, %arg1 : i32, i32
  }
  func.func @transform_9(%arg0: i32, %arg1: i32) -> (i32, i32) {
    %c0_i32 = arith.constant 0 : i32
    %c0_i32_0 = arith.constant 0 : i32
    return %c0_i32, %arg1 : i32, i32
  }
  func.func @transform_10(%arg0: i32, %arg1: i32) -> (i32, i32) {
    %c0_i32 = arith.constant 0 : i32
    %c0_i32_0 = arith.constant 0 : i32
    %c0_i32_1 = arith.constant 0 : i32
    return %c0_i32, %c0_i32_0 : i32, i32
  }
  func.func @transform_11(%arg0: i32, %arg1: i32) -> (i32, i32) {
    %c0_i32 = arith.constant 0 : i32
    %c0_i32_0 = arith.constant 0 : i32
    return %arg0, %c0_i32 : i32, i32
  }
}

</mosaic_0001>

<sc_bundles>
// kernel: gather_offload_async_start.1
scs
__scs_entry_jumppad:
0x0: {  	(pc) =	sbr.rel $0x88, $3  }
0x1: {  	(tag) =	ssettag $0x0;
	lr =	simm.s32 $0x1  }
0x2: {  	[smem:$0x3F92] =	sst lr;
	_ =	strace $0xD0000000  }
0x3: {  	_ = 	snop  }
0x4: {  	_ = 	snop  }
0x5: {  	_ = 	snop  }
0x6: {  	_ = 	snop  }
0x7: {  	_ = 	snop  }
__scs_overlays_trampoline_lowered:
0x8: {  	[smem:$0x3FA1] =	sst s0  }
0x9: {  	[smem:$0x3FA2] =	sst s1  }
0xa: {  	[smem:$0x3FA3] =	sst s2  }
0xb: {  	[smem:$0x3FA4] =	sst s3  }
0xc: {  	[smem:$0x3FA5] =	sst s4  }
0xd: {  	[smem:$0x3FA6] =	sst s5  }
0xe: {  	[smem:$0x3FA7] =	sst s6  }
0xf: {  	[smem:$0x3FA8] =	sst s7  }
0x10: {  	[smem:$0x3FA9] =	sst s8  }
0x11: {  	[smem:$0x3FAA] =	sst s9;
	s0 =	simm.s32 @!p0 $0x0  }
0x12: {  	s1 =	sld [smem:$0x3F90];
	s0 =	simm.s32 @p0 $0x1  }
0x13: {  	[smem:$0x3FAB] =	sst s0;
	s0 =	simm.s32 @!p1 $0x0  }
0x14: {  	s2 =	sld [smem:$0x3F8F];
	s0 =	simm.s32 @p1 $0x1  }
0x15: {  	[smem:$0x3FAC] =	sst s0;
	s0 =	simm.s32 @!p2 $0x0  }
0x16: {  	s3 =	sld [smem:$0x3FDB];
	s0 =	simm.s32 @p2 $0x1  }
0x17: {  	s4 =	simm.s32 $0x1BF5;
	[smem:$0x3FAE] =	sst s0  }
0x18: {  	s0 =	sld [smem:$0x3F91];
	_ =	swait.ge [sflag:s4], $0x0  }
0x19: {  	s7 =	sld [smem:$0x3F92]  }
0x1a: {  	s8 =	sadd.s32 $0xFFFFE003, lr  }
0x1b: {  	s9 =	sadd.s32 $0xFFFFFEF7, lr;
	s5 =	simm.s32 $0xFFFFFFFF;
	p2 =	slt.u32 s8, $0xFFFFF086  }
0x1c: {  	p1 =	slt.u32 s9, $0xF7A;
	s5 =	simm.s32 @!p2 $0x0  }
0x1d: {  	s5 =	simm.s32 @p1 $0x1;
	p0 =	seq.s32 s7, s2  }
0x1e: {  	s7 =	smul.u32 @!p0 $0xF7A, s2;
	p2 =	seq.s32 @!p0 s5, $0x0  }
0x1f: {  	s9 =	smul.u32 $0xF7A, s1;
	s8 =	simm.s32 @!p0 $0x1BF5;
	p2 =	por !p2, p0  }
0x20: {  	[sflag:s8] =	ssyncset.s32 @!p0 $0xFFFFF086;
	s6 =	sadd.s32 @!p0 s3, s7;
	s7 =	simm.s32 @!p0 $0x108  }
0x21: {  	s3 =	sadd.s32 s3, s9;
	s6 =	sadd.s32 @!p0 $0x88, s6;
	s7 =	simm.s32 @p2 $0x1082  }
0x22: {  	[simem:s7], [sflag:s8] =	dma.local @!p0 [hbm:s6], $0xF7A  }
0x23: {  	s9 =	sor.u32 $0xD0000000, s2;
	s6 =	simm.s32 $0x108;
	_ =	swait.ge @!p0 [sflag:s8], $0x0  }
0x24: {  	s3 =	sadd.s32 $0x88, s3;
	s6 =	simm.s32 @!p1 $0x1082;
	[sflag:s4] =	ssyncset.s32 $0xFFFFF086  }
0x25: {  	[simem:s6], [sflag:s4] =	dma.local [hbm:s3], $0xF7A  }
0x26: {  	[smem:$0x3F92] =	sst s1;
	(tag) =	ssettag s2;
	_ =	strace s9  }
0x27: {  	s1 =	sld [smem:$0x3FA2]  }
0x28: {  	s2 =	sld [smem:$0x3FA3]  }
0x29: {  	s4 =	sld [smem:$0x3FA5]  }
0x2a: {  	p0 =	seq.s32 s5, $0x0;
	s5 =	sld [smem:$0x3FA6]  }
0x2b: {  	s6 =	sld [smem:$0x3FA7]  }
0x2c: {  	s7 =	sld [smem:$0x3FA8]  }
0x2d: {  	s3 =	simm.s32 $0x108;
	s8 =	sld [smem:$0x3FA9]  }
0x2e: {  	s3 =	simm.s32 @!p0 $0x1082;
	s9 =	sld [smem:$0x3FAA]  }
0x2f: {  	lr =	sadd.s32 s0, s3;
	s0 =	sld [smem:$0x3FA1]  }
0x30: {  	s3 =	sld [smem:$0x3FA4]  }
0x31: {  	[smem:$0x3FAD] =	sst s10  }
0x32: {  	s10 =	sld [smem:$0x3FAB];
	_ =	sdelay $0x3  }
0x33: {  	p0 =	seq.s32 s10, $0x1;
	s10 =	sld [smem:$0x3FAD];
	_ =	sdelay $0x3  }
0x34: {  	[smem:$0x3FAD] =	sst s10  }
0x35: {  	s10 =	sld [smem:$0x3FAC];
	_ =	sdelay $0x3  }
0x36: {  	p1 =	seq.s32 s10, $0x1;
	s10 =	sld [smem:$0x3FAD];
	_ =	sdelay $0x3  }
0x37: {  	[smem:$0x3FAD] =	sst s10  }
0x38: {  	s10 =	sld [smem:$0x3FAE]  }
0x39: {  	_ = 	snop;
	(pc) =	sbr.ind lr, $3  }
0x3a: {  	_ = 	snop  }
0x3b: {  	_ = 	snop  }
0x3c: {  	p2 =	seq.s32 s10, $0x1;
	s10 =	sld [smem:$0x3FAD]  }
0x3d: {  	_ =	shalt  }
0x3e: {  	_ =	shalt  }
0x3f: {  	_ =	shalt  }
0x40: {  	_ =	shalt  }
0x41: {  	_ =	shalt  }
0x42: {  	_ =	shalt  }
0x43: {  	_ =	shalt  }
0x44: {  	_ =	shalt  }
0x45: {  	_ =	shalt  }
0x46: {  	_ =	shalt  }
0x47: {  	_ =	shalt  }
0x48: {  	_ =	shalt  }
0x49: {  	_ =	shalt  }
0x4a: {  	_ =	shalt  }
0x4b: {  	_ =	shalt  }
0x4c: {  	_ =	shalt  }
0x4d: {  	_ =	shalt  }
0x4e: {  	_ =	shalt  }
0x4f: {  	_ =	shalt  }
0x50: {  	_ =	shalt  }
0x51: {  	_ =	shalt  }
0x52: {  	_ =	shalt  }
0x53: {  	_ =	shalt  }
0x54: {  	_ =	shalt  }
0x55: {  	_ =	shalt  }
0x56: {  	_ =	shalt  }
0x57: {  	_ =	shalt  }
0x58: {  	_ =	shalt  }
0x59: {  	_ =	shalt  }
0x5a: {  	_ =	shalt  }
0x5b: {  	_ =	shalt  }
0x5c: {  	_ =	shalt  }
0x5d: {  	_ =	shalt  }
0x5e: {  	_ =	shalt  }
0x5f: {  	_ =	shalt  }
0x60: {  	_ =	shalt  }
0x61: {  	_ =	shalt  }
0x62: {  	_ =	shalt  }
0x63: {  	_ =	shalt  }
0x64: {  	_ =	shalt  }
0x65: {  	_ =	shalt  }
0x66: {  	_ =	shalt  }
0x67: {  	_ =	shalt  }
0x68: {  	_ =	shalt  }
0x69: {  	_ =	shalt  }
0x6a: {  	_ =	shalt  }
0x6b: {  	_ =	shalt  }
0x6c: {  	_ =	shalt  }
0x6d: {  	_ =	shalt  }
0x6e: {  	_ =	shalt  }
0x6f: {  	_ =	shalt  }
0x70: {  	_ =	shalt  }
0x71: {  	_ =	shalt  }
0x72: {  	_ =	shalt  }
0x73: {  	_ =	shalt  }
0x74: {  	_ =	shalt  }
0x75: {  	_ =	shalt  }
0x76: {  	_ =	shalt  }
0x77: {  	_ =	shalt  }
0x78: {  	_ =	shalt  }
0x79: {  	_ =	shalt  }
0x7a: {  	_ =	shalt  }
0x7b: {  	_ =	shalt  }
0x7c: {  	_ =	shalt  }
0x7d: {  	_ =	shalt  }
0x7e: {  	_ =	shalt  }
0x7f: {  	_ =	shalt  }
0x80: {  	_ =	shalt  }
0x81: {  	_ =	shalt  }
0x82: {  	_ =	shalt  }
0x83: {  	_ =	shalt  }
0x84: {  	_ =	shalt  }
0x85: {  	_ =	shalt  }
0x86: {  	_ =	shalt  }
0x87: {  	_ =	shalt  }
.Lfunc_end0:
.L_simem_size_0:
called_computation.1_lowered:
.L_overlay_start_0:
0x88: {  	s2 =	sld [smem:$0x3FD9]  }
0x89: {  	s3 =	sld [smem:$0x3FFE];
	_ =	sdelay $0x1  }
0x8a: {  	s1 =	srdreg.scid  }
0x8b: {  	s0 =	sand.u32 $0x1, s1  }
0x8c: {  	s17 =	sshll.u32 s0, $0xA;
	s2 =	sadd.s32 s3, s2  }
0x8d: {  	s2 =	sadd.s32 s2, s17  }
0x8e: {  	[smem:$0x3FB9] =	sst s2  }
0x8f: {  	_ = 	snop  }
0x90: {  	s2 =	sld [smem:$0x3FC5];
	(tm) =	ssettm $0x1  }
0x91: {  	s18 =	sld [smem:$0x3FFB];
	_ =	sdelay $0x3  }
0x92: {  	_ =	strace s18  }
0x93: {  	s3 =	sld [smem:$0x3FFC];
	_ =	sdelay $0x3  }
0x94: {  	_ =	strace s3  }
0x95: {  	s3 =	sld [smem:$0x3FFD];
	_ =	sdelay $0x3  }
0x96: {  	_ =	strace s3  }
0x97: {  	_ =	strace $0x8FFFFFFF  }
0x98: {  	s19 =	sld [smem:$0x3FDB];
	_ =	sdelay $0x1  }
0x99: {  	s4 =	simm.s32 $_scs_section_size  }
0x9a: {  	s5 =	simm.s32 $_size__tile_overlayer_lowered;
	s6 =	simm.s32 $_tile_overlayer_lowered  }
0x9b: {  	s22 =	simm.s32 $0x1BFF;
	s21 =	sshll.u32 s6, $0x1;
	s3 =	sadd.s32 s4, s19  }
0x9c: {  	s7 =	simm.s32 $0x0;
	s20 =	sshll.u32 s5, $0x1;
	s5 =	sadd.s32 s21, s3  }
0x9d: {  	[timem:s7], [sflag:s22] =	dma.local [hbm:s5], s20  }
0x9e: {  	_ =	swait.ge [sflag:s22], s20  }
0x9f: {  	s4 =	ssub.s32 $0x0, s20;
	[sflag:s22] =	ssyncset.done $0x0  }
0xa0: {  	[sflag:s22] =	ssyncadd.s32 s4;
	_ =	sdelay $0x1  }
0xa1: {  	s23 =	simm.s32 $0x1B8B  }
0xa2: {  	_ =	swait.ge [sflag:s23], $0x1  }
0xa3: {  	[sflag:s23] =	ssyncset.done $0x0  }
0xa4: {  	s25 =	simm.s32 $0x1B8E;
	s24 =	sld [smem:$0x3FFE];
	[sflag:s23] =	ssyncadd.s32 $0xFFFFFFFF  }
0xa5: {  	s26 =	simm.s32 $execute0_lowered;
	[smem:$0x3FD2] =	sst s25  }
0xa6: {  	s5 =	sshll.u32 s26, $0x1;
	_ =	strace $0x80000046;
	[dreg:$0x1] =	wrdreg $0xFFFFFFFF  }
0xa7: {  	s28 =	simm.s32 $_size_execute0_lowered;
	s3 =	sadd.s32 s3, s5;
	[dreg:$0x0] =	wrdreg $0x0  }
0xa8: {  	s5 =	sshll.u32 s28, $0x1;
	[dreg:$0x2] =	wrdreg s3  }
0xa9: {  	[dreg:$0x3] =	wrdreg s5  }
0xaa: {  	[dreg:$0x4] =	wrdreg $0xC0  }
0xab: {  	_ =	task [dreg:s7], $0x5FFFF  }
0xac: {  	[dreg:$0x1] =	wrdreg $0xFFFFFFFF  }
0xad: {  	[dreg:$0x0] =	wrdreg $0x60  }
0xae: {  	[dreg:$0x2] =	wrdreg s2  }
0xaf: {  	[dreg:$0x3] =	wrdreg s24  }
0xb0: {  	[dreg:$0x4] =	wrdreg $0xA  }
0xb1: {  	_ =	task.clear_ibuf [dreg:s7], $0x5FFFF;
	_ =	strace $0x90000046  }
0xb2: {  	s29 =	simm.s32 $0xA;
	_ =	strace $0x80000048  }
0xb3: {  	_ =	swait.ge [sflag:s29], $0x1  }
0xb4: {  	[sflag:s29] =	ssyncadd.s32 $0xFFFFFFFF  }
0xb5: {  	_ =	strace $0x90000048  }
0xb6: {  	_ =	sfence  }
0xb7: {  	s30 =	sld [smem:$0x0];
	_ =	sdelay $0x2  }
0xb8: {  	s31 =	sshll.u32 s1, $0xD;
	s1 =	sshrl.u32 s1, $0x2  }
0xb9: {  	s3 =	sand.u32 $0x4000, s31;
	s1 =	sadd.s32 s1, s30  }
0xba: {  	s0 =	sor.u32 s3, s0;
	s1 =	sshll.u32 s1, $0x11  }
0xbb: {  	s0 =	sor.u32 s1, s0  }
0xbc: {  	s0 =	sadd.s32 $0x8F2B, s0  }
0xbd: {  	[sflag:s0] =	ssyncadd.remote.s32 $0x1  }
0xbe: {  	_ =	sfence.sel $0xFFFF  }
0xbf: {  	[dreg:$0x0] =	wrdreg $0xFFFFFFFF;
	(pc) =	sbr.abs _section_cstart, $3  }
0xc0: {  	[dreg:$0x1] =	wrdreg $0xFFFFFFFF  }
0xc1: {  	_ =	task.clear_ibuf [dreg:s7], $0x2FFFF;
	_ =	strace $0x9FFFFFFF  }
0xc2: {  	(tm) =	ssettm $0x7FFFFFFF  }
0xc3: {  	_ =	shalt  }
tec
execute0_lowered:
.L_overlay_start_1:
0x0: {  	(tag) =	ssettag $0x1  }
0x1: {  	s1 =	srdreg.scid;
	s2 =	rddreg [dreg:$0x0]  }
0x2: {  	s0 =	stileid.u32;
	s5 =	rddreg [dreg:$0x1];
	s6 =	simm.s32 $0x1  }
0x3: {  	s9 =	simm.s32 $0x1;
	s10 =	simm.s32 $0x3;
	s1 =	sshll.u32 s1, $0x6  }
0x4: {  	s13 =	simm.s32 $0x0;
	s3 =	sshll.u32 s0, $0x7;
	s4 =	sand.u32 $0x40, s1  }
0x5: {  	s12 =	simm.s32 $0x0;
	s1 =	rddreg [dreg:$0x2];
	s3 =	sor.u32 s3, s4  }
0x6: {  	_ =	strace $0x80000047;
	s4 =	sadd.s32 $0x4600, s5;
	s8 =	ssub.s32 $0x900, s3  }
.Ltmp0:
0x7: {  	s5 =	sadd.s32 $0x4800, s5;
	s7 =	sand.u32 $0x7C0, s8;
	(pc) =	sbr.rel .LBB2_1-.Ltmp0, $4  }
0x8: {  	[sflag:s6] =	ssyncpa.u1 $0x0;
	s11 =	smov.u32 s3;
	p0 =	sne.s32 s7, $0x0  }
0x9: {  	s8 =	sshrl.u32 s8, $0xB;
	s7 =	simm.s32 $0x2;
	s9 =	simm.s32 @!p0 $0x0  }
0xa: {  	[sflag:s7] =	ssyncpa.u1 $0x0;
	p0 =	por $0x0, $0x0;
	s8 =	sadd.s32 s9, s8  }
0xb: {  	vm0 =	vmmov $0xffff;
	[sflag:s10] =	ssyncpa.u1 $0x0;
	s10 =	simm.s32 $0x0;
	s9 =	sadd.s32 $0x1, s8  }
.LBB2_4:
0xc: {  	v2 =	vnsel vm1, $0x0, v2  }
0xd: {  	vm1 =	vgt.s32 v0, $0x0;
	v2 =	vmin.u32 v2, $0x8FF  }
0xe: {  	v0 =	vnsel vm1, $0x0, v0  }
0xf: {  	v0 =	vmin.u32 v0, $0x8FF  }
0x10: {  	[tilespmem:s15], [sflag:$0x1] =	stream.indirect_vreg.gather [hbm4b:s2+s10], $0x1, v1, vm0, $0x4038;
	[tilespmem:$0x100] =	vst v63  }
0x11: {  	(ifvalue) =	ssetifvalue $0x7FFFFFFF  }
0x12: {  	[tilespmem:s16], [sflag:$0x1] =	stream.indirect_vreg.gather [hbm4b:s2+s10], $0x1, v2, vm0, $0x4038;
	[tilespmem:$0x100] =	vst v63  }
0x13: {  	s29 =	sadd.s32 $0x10, s16;
	(ifvalue) =	ssetifvalue $0x7FFFFFFF  }
0x14: {  	[tilespmem:s29], [sflag:$0x1] =	stream.indirect_vreg.gather [hbm4b:s2+s10], $0x1, v0, vm0, $0x4038;
	[tilespmem:$0x100] =	vst v63  }
0x15: {  	_ =	swait.ge [sflag:s6], $0x40  }
0x16: {  	s30 =	sshrl.u32 s13, $0x3;
	[sflag:s6] =	ssyncset.done $0x0  }
0x17: {  	s31 =	sand.u32 $0x7, s13;
	s15 =	sadd.s32 s5, s30;
	[sflag:s6] =	ssyncadd.s32 $0xFFFFFFC0  }
0x18: {  	[hbm4b:s15+s31] =	stream.linear.scatter [tilespmem:s14], [sflag:$0x3], $0x40, $0x38;
	[tilespmem:$0x100] =	vst v63  }
.LBB2_5:
0x19: {  	s15 =	sadd.s32 $0x800, s11  }
0x1a: {  	p2 =	sgt.s32 s15, $0x8FF  }
0x1b: {  	s15 =	smov.u32 @p2 s3;
	p2 =	sne.s32 s12, s9  }
.Ltmp1:
0x1c: {  	p1 =	slt.u32 s12, $0x2;
	(pc) =	sbr.rel @!p2 .LBB2_6-.Ltmp1, $4  }
0x1d: {  	s14 =	simm.s32 @!p1 $0x3  }
0x1e: {  	s16 =	sadd.s32 $0x1, s12;
	_ =	swait.ge @!p1 [sflag:s14], $0x40  }
0x1f: {  	s13 =	smov.u32 s11;
	p0 =	por !p0, !p0;
	[sflag:s14] =	ssyncset.done @!p1 $0x0  }
0x20: {  	s12 =	smov.u32 s16;
	s11 =	smov.u32 s15;
	[sflag:s14] =	ssyncadd.s32 @!p1 $0xFFFFFFC0  }
.LBB2_1:
0x21: {  	p1 =	sge.u32 s12, s8  }
0x22: {  	s14 =	sxor.u32 @!p1 $0xFFFFFFFF, s12  }
0x23: {  	s31 =	sadd.s32 $0xFFFFFFFF, s12;
	s15 =	sshrl.u32 @!p1 s11, $0x3;
	s14 =	sshll.u32 @!p1 s14, $0x6  }
0x24: {  	s16 =	sand.u32 @!p1 $0x7, s11;
	s15 =	sadd.s32 @!p1 s4, s15;
	s14 =	sand.u32 @!p1 $0x40, s14  }
0x25: {  	[tilespmem:s14], [sflag:$0x2] =	stream.linear.gather @!p1 [hbm4b:s15+s16], $0x40, $0x38;
	[tilespmem:$0x100] =	vst v63  }
0x26: {  	p1 =	sge.u32 s31, s8  }
.Ltmp2:
0x27: {  	_ = 	snop;
	(pc) =	sbr.rel @p1 .LBB2_5-.Ltmp2, $1  }
0x28: {  	_ =	sdelay $0x3  }
0x29: {  	s14 =	simm.s32 $0x1  }
0x2a: {  	_ =	swait.ge [sflag:s7], $0x40;
	s14 =	simm.s32 @!p0 $0x0  }
0x2b: {  	[sflag:s7] =	ssyncset.done $0x0;
	s14 =	sshll.u32 s14, $0x6  }
0x2c: {  	[sflag:s7] =	ssyncadd.s32 $0xFFFFFFC0;
	(ifvalue) =	ssetifvalue $0x7FFFFFFF;
	v0 =	vld.msk [tilespmem:s14+$0x0 ss:$0x1], $0xffff;
	_ =	sdelay $0x4  }
0x2d: {  	s15 =	sadd.s32 $0x10, s14;
	vm1 =	vgt.s32 v0, $0x0  }
0x2e: {  	v2 =	vld.msk [tilespmem:s15+$0x0 ss:$0x1], $0xffff;
	v1 =	vnsel vm1, $0x0, v0  }
0x2f: {  	v1 =	vmin.u32 v1, $0x8FF;
	_ =	sdelay $0x1  }
0x30: {  	s16 =	sshll.u32 s12, $0x6;
	s18 =	simm.s32 $0x20  }
0x31: {  	s16 =	sand.u32 $0x40, s16;
	s17 =	sadd.s32 $0x10, s15;
	s15 =	sor.u32 $0x80, s14  }
0x32: {  	s14 =	sor.u32 $0x80, s16;
	s16 =	sadd.s32 $0x10, s15;
	v0 =	vld.msk [tilespmem:s17+$0x0 ss:$0x1], $0xffff;
	vm1 =	vgt.s32 v2, $0x0;
	(ifvalue) =	ssetifvalue $0x7FFFFFFF  }
.LBB2_3:
0x33: {  	[tilespmem:s15], [sflag:$0x1] =	stream.indirect_vreg.gather [hbm4b:s2+s10], $0x1, v1, vm0, $0x4038;
	[tilespmem:$0x100] =	vst v63  }
0x34: {  	s18 =	sadd.s32 $0x10, s18  }
0x35: {  	v2 =	vnsel vm1, $0x0, v2;
	p1 =	slt.u32 s18, $0x30  }
.Ltmp3:
0x36: {  	s15 =	smov.u32 s16;
	v1 =	vmin.u32 v2, $0x8FF;
	(pc) =	sbr.rel @p1 .LBB2_3-.Ltmp3, $3  }
0x37: {  	_ =	sdelay $0x1  }
0x38: {  	s17 =	sadd.s32 $0x10, s17  }
0x39: {  	vm1 =	vgt.s32 v0, $0x0;
	s16 =	sadd.s32 $0x10, s16;
	v2 =	vmov v0;
	(ifvalue) =	ssetifvalue $0x7FFFFFFF;
	v0 =	vld.msk [tilespmem:s17+$0x0 ss:$0x1], $0xffff  }
.Ltmp4:
0x3a: {  	_ = 	snop;
	(pc) =	sbr.rel .LBB2_4-.Ltmp4, $1  }
0x3b: {  	_ =	sdelay $0x3  }
.LBB2_6:
0x3c: {  	_ =	sfence.sel $0x180000  }
0x3d: {  	s2 =	simm.s32 $0x2;
	[bflag:$0x0] =	sbarrier.arrive $0xFFFF  }
0x3e: {  	s30 =	simm.s32 $0x3;
	[sflag:s2] =	ssyncpa.u1 $0x1  }
0x3f: {  	s31 =	simm.s32 $0x1;
	[sflag:s30] =	ssyncpa.u1 $0x1  }
0x40: {  	[sflag:s31] =	ssyncpa.u1 $0x1  }
0x41: {  	p0 =	sne.s32 s0, $0x0;
	_ =	strace $0x90000047  }
0x42: {  	s0 =	sadd.s32 @!p0 $0x100000, s1;
	[bflag:$0x2] =	sbarrier.arrive $0xFFFF  }
0x43: {  	[sflag:s0] =	ssyncadd.tile.s32 @!p0 $0x1;
	_ =	shalt  }
.Lfunc_end2:
_tile_overlayer_lowered:
.L_overlay_start_2:
0x44: {  	(tag) =	ssettag $0x2  }
0x45: {  	s0 =	rddreg [dreg:$0x0];
	s2 =	stileid.u32  }
0x46: {  	s1 =	rddreg [dreg:$0x1];
	p0 =	sne.s32 s2, $0x0  }
0x47: {  	s3 =	rddreg [dreg:$0x2];
	[bflag:$0x3] =	sbarrier.arrive $0xFFFF;
	s2 =	simm.s32 @!p0 $0x1C01  }
0x48: {  	[timem:s3], [sflag:s2] =	dma.local @!p0 [hbm:s0], s1  }
0x49: {  	s0 =	simm.s32 @!p0 $0x1  }
0x4a: {  	_ =	swait.ge @!p0 [sflag:s0], s1  }
0x4b: {  	s1 =	ssub.s32 @!p0 $0x0, s1;
	[sflag:s0] =	ssyncset.done @!p0 $0x0  }
0x4c: {  	[sflag:s0] =	ssyncadd.s32 @!p0 s1  }
0x4d: {  	[bflag:$0x3] =	sbarrier.arrive $0xFFFF  }
0x4e: {  	_ =	shalt  }

// kernel: gather_offload_async_start.2
scs
__scs_entry_jumppad:
0x0: {  	(pc) =	sbr.rel $0x88, $3  }
0x1: {  	(tag) =	ssettag $0x0;
	lr =	simm.s32 $0x1  }
0x2: {  	[smem:$0x3F92] =	sst lr;
	_ =	strace $0xD0000000  }
0x3: {  	_ = 	snop  }
0x4: {  	_ = 	snop  }
0x5: {  	_ = 	snop  }
0x6: {  	_ = 	snop  }
0x7: {  	_ = 	snop  }
__scs_overlays_trampoline_lowered:
0x8: {  	[smem:$0x3FA1] =	sst s0  }
0x9: {  	[smem:$0x3FA2] =	sst s1  }
0xa: {  	[smem:$0x3FA3] =	sst s2  }
0xb: {  	[smem:$0x3FA4] =	sst s3  }
0xc: {  	[smem:$0x3FA5] =	sst s4  }
0xd: {  	[smem:$0x3FA6] =	sst s5  }
0xe: {  	[smem:$0x3FA7] =	sst s6  }
0xf: {  	[smem:$0x3FA8] =	sst s7  }
0x10: {  	[smem:$0x3FA9] =	sst s8  }
0x11: {  	[smem:$0x3FAA] =	sst s9;
	s0 =	simm.s32 @!p0 $0x0  }
0x12: {  	s1 =	sld [smem:$0x3F90];
	s0 =	simm.s32 @p0 $0x1  }
0x13: {  	[smem:$0x3FAB] =	sst s0;
	s0 =	simm.s32 @!p1 $0x0  }
0x14: {  	s2 =	sld [smem:$0x3F8F];
	s0 =	simm.s32 @p1 $0x1  }
0x15: {  	[smem:$0x3FAC] =	sst s0;
	s0 =	simm.s32 @!p2 $0x0  }
0x16: {  	s3 =	sld [smem:$0x3FDB];
	s0 =	simm.s32 @p2 $0x1  }
0x17: {  	s4 =	simm.s32 $0x1BF5;
	[smem:$0x3FAE] =	sst s0  }
0x18: {  	s0 =	sld [smem:$0x3F91];
	_ =	swait.ge [sflag:s4], $0x0  }
0x19: {  	s7 =	sld [smem:$0x3F92]  }
0x1a: {  	s8 =	sadd.s32 $0xFFFFE003, lr  }
0x1b: {  	s9 =	sadd.s32 $0xFFFFFEF7, lr;
	s5 =	simm.s32 $0xFFFFFFFF;
	p2 =	slt.u32 s8, $0xFFFFF086  }
0x1c: {  	p1 =	slt.u32 s9, $0xF7A;
	s5 =	simm.s32 @!p2 $0x0  }
0x1d: {  	s5 =	simm.s32 @p1 $0x1;
	p0 =	seq.s32 s7, s2  }
0x1e: {  	s7 =	smul.u32 @!p0 $0xF7A, s2;
	p2 =	seq.s32 @!p0 s5, $0x0  }
0x1f: {  	s9 =	smul.u32 $0xF7A, s1;
	s8 =	simm.s32 @!p0 $0x1BF5;
	p2 =	por !p2, p0  }
0x20: {  	[sflag:s8] =	ssyncset.s32 @!p0 $0xFFFFF086;
	s6 =	sadd.s32 @!p0 s3, s7;
	s7 =	simm.s32 @!p0 $0x108  }
0x21: {  	s3 =	sadd.s32 s3, s9;
	s6 =	sadd.s32 @!p0 $0x88, s6;
	s7 =	simm.s32 @p2 $0x1082  }
0x22: {  	[simem:s7], [sflag:s8] =	dma.local @!p0 [hbm:s6], $0xF7A  }
0x23: {  	s9 =	sor.u32 $0xD0000000, s2;
	s6 =	simm.s32 $0x108;
	_ =	swait.ge @!p0 [sflag:s8], $0x0  }
0x24: {  	s3 =	sadd.s32 $0x88, s3;
	s6 =	simm.s32 @!p1 $0x1082;
	[sflag:s4] =	ssyncset.s32 $0xFFFFF086  }
0x25: {  	[simem:s6], [sflag:s4] =	dma.local [hbm:s3], $0xF7A  }
0x26: {  	[smem:$0x3F92] =	sst s1;
	(tag) =	ssettag s2;
	_ =	strace s9  }
0x27: {  	s1 =	sld [smem:$0x3FA2]  }
0x28: {  	s2 =	sld [smem:$0x3FA3]  }
0x29: {  	s4 =	sld [smem:$0x3FA5]  }
0x2a: {  	p0 =	seq.s32 s5, $0x0;
	s5 =	sld [smem:$0x3FA6]  }
0x2b: {  	s6 =	sld [smem:$0x3FA7]  }
0x2c: {  	s7 =	sld [smem:$0x3FA8]  }
0x2d: {  	s3 =	simm.s32 $0x108;
	s8 =	sld [smem:$0x3FA9]  }
0x2e: {  	s3 =	simm.s32 @!p0 $0x1082;
	s9 =	sld [smem:$0x3FAA]  }
0x2f: {  	lr =	sadd.s32 s0, s3;
	s0 =	sld [smem:$0x3FA1]  }
0x30: {  	s3 =	sld [smem:$0x3FA4]  }
0x31: {  	[smem:$0x3FAD] =	sst s10  }
0x32: {  	s10 =	sld [smem:$0x3FAB];
	_ =	sdelay $0x3  }
0x33: {  	p0 =	seq.s32 s10, $0x1;
	s10 =	sld [smem:$0x3FAD];
	_ =	sdelay $0x3  }
0x34: {  	[smem:$0x3FAD] =	sst s10  }
0x35: {  	s10 =	sld [smem:$0x3FAC];
	_ =	sdelay $0x3  }
0x36: {  	p1 =	seq.s32 s10, $0x1;
	s10 =	sld [smem:$0x3FAD];
	_ =	sdelay $0x3  }
0x37: {  	[smem:$0x3FAD] =	sst s10  }
0x38: {  	s10 =	sld [smem:$0x3FAE]  }
0x39: {  	_ = 	snop;
	(pc) =	sbr.ind lr, $3  }
0x3a: {  	_ = 	snop  }
0x3b: {  	_ = 	snop  }
0x3c: {  	p2 =	seq.s32 s10, $0x1;
	s10 =	sld [smem:$0x3FAD]  }
0x3d: {  	_ =	shalt  }
0x3e: {  	_ =	shalt  }
0x3f: {  	_ =	shalt  }
0x40: {  	_ =	shalt  }
0x41: {  	_ =	shalt  }
0x42: {  	_ =	shalt  }
0x43: {  	_ =	shalt  }
0x44: {  	_ =	shalt  }
0x45: {  	_ =	shalt  }
0x46: {  	_ =	shalt  }
0x47: {  	_ =	shalt  }
0x48: {  	_ =	shalt  }
0x49: {  	_ =	shalt  }
0x4a: {  	_ =	shalt  }
0x4b: {  	_ =	shalt  }
0x4c: {  	_ =	shalt  }
0x4d: {  	_ =	shalt  }
0x4e: {  	_ =	shalt  }
0x4f: {  	_ =	shalt  }
0x50: {  	_ =	shalt  }
0x51: {  	_ =	shalt  }
0x52: {  	_ =	shalt  }
0x53: {  	_ =	shalt  }
0x54: {  	_ =	shalt  }
0x55: {  	_ =	shalt  }
0x56: {  	_ =	shalt  }
0x57: {  	_ =	shalt  }
0x58: {  	_ =	shalt  }
0x59: {  	_ =	shalt  }
0x5a: {  	_ =	shalt  }
0x5b: {  	_ =	shalt  }
0x5c: {  	_ =	shalt  }
0x5d: {  	_ =	shalt  }
0x5e: {  	_ =	shalt  }
0x5f: {  	_ =	shalt  }
0x60: {  	_ =	shalt  }
0x61: {  	_ =	shalt  }
0x62: {  	_ =	shalt  }
0x63: {  	_ =	shalt  }
0x64: {  	_ =	shalt  }
0x65: {  	_ =	shalt  }
0x66: {  	_ =	shalt  }
0x67: {  	_ =	shalt  }
0x68: {  	_ =	shalt  }
0x69: {  	_ =	shalt  }
0x6a: {  	_ =	shalt  }
0x6b: {  	_ =	shalt  }
0x6c: {  	_ =	shalt  }
0x6d: {  	_ =	shalt  }
0x6e: {  	_ =	shalt  }
0x6f: {  	_ =	shalt  }
0x70: {  	_ =	shalt  }
0x71: {  	_ =	shalt  }
0x72: {  	_ =	shalt  }
0x73: {  	_ =	shalt  }
0x74: {  	_ =	shalt  }
0x75: {  	_ =	shalt  }
0x76: {  	_ =	shalt  }
0x77: {  	_ =	shalt  }
0x78: {  	_ =	shalt  }
0x79: {  	_ =	shalt  }
0x7a: {  	_ =	shalt  }
0x7b: {  	_ =	shalt  }
0x7c: {  	_ =	shalt  }
0x7d: {  	_ =	shalt  }
0x7e: {  	_ =	shalt  }
0x7f: {  	_ =	shalt  }
0x80: {  	_ =	shalt  }
0x81: {  	_ =	shalt  }
0x82: {  	_ =	shalt  }
0x83: {  	_ =	shalt  }
0x84: {  	_ =	shalt  }
0x85: {  	_ =	shalt  }
0x86: {  	_ =	shalt  }
0x87: {  	_ =	shalt  }
.Lfunc_end0:
.L_simem_size_0:
called_computation.2_lowered:
.L_overlay_start_0:
0x88: {  	s2 =	sld [smem:$0x3FD9]  }
0x89: {  	s3 =	sld [smem:$0x3FFE];
	_ =	sdelay $0x1  }
0x8a: {  	s1 =	srdreg.scid  }
0x8b: {  	s0 =	sand.u32 $0x1, s1  }
0x8c: {  	s16 =	sshll.u32 s0, $0xA;
	s2 =	sadd.s32 s3, s2  }
0x8d: {  	s2 =	sadd.s32 s2, s16  }
0x8e: {  	[smem:$0x3FB9] =	sst s2  }
0x8f: {  	_ = 	snop  }
0x90: {  	(tm) =	ssettm $0x1  }
0x91: {  	s17 =	sld [smem:$0x3FFB];
	_ =	sdelay $0x3  }
0x92: {  	_ =	strace s17  }
0x93: {  	s2 =	sld [smem:$0x3FFC];
	_ =	sdelay $0x3  }
0x94: {  	_ =	strace s2  }
0x95: {  	s2 =	sld [smem:$0x3FFD];
	_ =	sdelay $0x3  }
0x96: {  	_ =	strace s2  }
0x97: {  	_ =	strace $0x8FFFFFFF  }
0x98: {  	s18 =	sld [smem:$0x3FDB];
	_ =	sdelay $0x1  }
0x99: {  	s19 =	simm.s32 $_scs_section_size  }
0x9a: {  	s4 =	simm.s32 $_size__tile_overlayer_lowered;
	s5 =	simm.s32 $_tile_overlayer_lowered  }
0x9b: {  	s22 =	simm.s32 $0x1BFF;
	s21 =	sshll.u32 s5, $0x1;
	s2 =	sadd.s32 s19, s18  }
0x9c: {  	s6 =	simm.s32 $0x0;
	s20 =	sshll.u32 s4, $0x1;
	s4 =	sadd.s32 s21, s2  }
0x9d: {  	[timem:s6], [sflag:s22] =	dma.local [hbm:s4], s20  }
0x9e: {  	_ =	swait.ge [sflag:s22], s20  }
0x9f: {  	s3 =	ssub.s32 $0x0, s20;
	[sflag:s22] =	ssyncset.done $0x0  }
0xa0: {  	[sflag:s22] =	ssyncadd.s32 s3;
	_ =	sdelay $0x1  }
0xa1: {  	s23 =	simm.s32 $0x1B8B  }
0xa2: {  	_ =	swait.ge [sflag:s23], $0x1  }
0xa3: {  	[sflag:s23] =	ssyncset.done $0x0  }
0xa4: {  	s25 =	simm.s32 $0x1B8E;
	s24 =	sld [smem:$0x3FFE];
	[sflag:s23] =	ssyncadd.s32 $0xFFFFFFFF  }
0xa5: {  	s26 =	simm.s32 $execute0_lowered;
	[smem:$0x3FD2] =	sst s25  }
0xa6: {  	s4 =	sshll.u32 s26, $0x1;
	_ =	strace $0x8000004C;
	[dreg:$0x1] =	wrdreg $0xFFFFFFFF  }
0xa7: {  	s28 =	simm.s32 $_size_execute0_lowered;
	s2 =	sadd.s32 s2, s4;
	[dreg:$0x0] =	wrdreg $0x0  }
0xa8: {  	s4 =	sshll.u32 s28, $0x1;
	[dreg:$0x2] =	wrdreg s2  }
0xa9: {  	[dreg:$0x3] =	wrdreg s4  }
0xaa: {  	[dreg:$0x4] =	wrdreg $0xC0  }
0xab: {  	_ =	task [dreg:s6], $0x5FFFF  }
0xac: {  	[dreg:$0x1] =	wrdreg $0xFFFFFFFF  }
0xad: {  	[dreg:$0x0] =	wrdreg $0x60  }
0xae: {  	[dreg:$0x2] =	wrdreg s24  }
0xaf: {  	[dreg:$0x3] =	wrdreg $0x9  }
0xb0: {  	_ =	task.clear_ibuf [dreg:s6], $0x4FFFF;
	_ =	strace $0x9000004C  }
0xb1: {  	s29 =	simm.s32 $0x9;
	_ =	strace $0x8000004E  }
0xb2: {  	_ =	swait.ge [sflag:s29], $0x1  }
0xb3: {  	[sflag:s29] =	ssyncadd.s32 $0xFFFFFFFF  }
0xb4: {  	_ =	strace $0x9000004E  }
0xb5: {  	_ =	sfence  }
0xb6: {  	s30 =	sld [smem:$0x0];
	_ =	sdelay $0x2  }
0xb7: {  	s31 =	sshll.u32 s1, $0xD;
	s1 =	sshrl.u32 s1, $0x2  }
0xb8: {  	s3 =	sand.u32 $0x4000, s31;
	s1 =	sadd.s32 s1, s30  }
0xb9: {  	s0 =	sor.u32 s3, s0;
	s1 =	sshll.u32 s1, $0x11  }
0xba: {  	s0 =	sor.u32 s1, s0  }
0xbb: {  	s0 =	sadd.s32 $0x8F2B, s0  }
0xbc: {  	[sflag:s0] =	ssyncadd.remote.s32 $0x1  }
0xbd: {  	_ =	sfence.sel $0xFFFF  }
0xbe: {  	[dreg:$0x0] =	wrdreg $0xFFFFFFFF;
	(pc) =	sbr.abs _section_cstart, $3  }
0xbf: {  	[dreg:$0x1] =	wrdreg $0xFFFFFFFF  }
0xc0: {  	_ =	task.clear_ibuf [dreg:s6], $0x2FFFF;
	_ =	strace $0x9FFFFFFF  }
0xc1: {  	(tm) =	ssettm $0x7FFFFFFF  }
tec
execute0_lowered:
.L_overlay_start_1:
0x0: {  	(tag) =	ssettag $0x1  }
0x1: {  	s7 =	rddreg [dreg:$0x0]  }
0x2: {  	s1 =	srdreg.scid;
	s0 =	rddreg [dreg:$0x1]  }
0x3: {  	_ =	strace $0x8000004D;
	s3 =	simm.s32 $0x1;
	s5 =	simm.s32 $0x2  }
0x4: {  	s9 =	simm.s32 $0x3;
	s11 =	simm.s32 $0x0;
	s2 =	sshll.u32 s1, $0x4  }
.Ltmp0:
0x5: {  	s1 =	stileid.u32;
	s4 =	sand.u32 $0x10, s2;
	(pc) =	sbr.rel .LBB2_1-.Ltmp0, $4  }
0x6: {  	p0 =	por $0x0, $0x0;
	[sflag:s3] =	ssyncpa.u1 $0x0;
	s4 =	sor.u32 s1, s4  }
0x7: {  	s6 =	sadd.s32 $0x372A00, s7;
	[sflag:s5] =	ssyncpa.u1 $0x0;
	s4 =	smul.u32 $0xC00, s4  }
0x8: {  	s2 =	sadd.s32 $0x128A00, s7;
	s7 =	sadd.s32 $0x375A00, s7;
	[sflag:s9] =	ssyncpa.u1 $0x0  }
0x9: {  	vm0 =	vmmov $0xff;
	vm1 =	vcmask $0x3F20;
	s9 =	simm.s32 $0x0;
	s8 =	sadd.s32 $0xC00, s4;
	s10 =	smov.u32 s4  }
.LBB2_6:
0xa: {  	[hbm:s15] =	stream.linear.scatter [tilespmem:s12], [sflag:$0x3], $0x400, $0x38;
	[tilespmem:$0x18300] =	vst v63  }
.LBB2_7:
0xb: {  	p1 =	slt.u32 s9, $0x2;
	s11 =	sadd.s32 $0x180, s10  }
0xc: {  	s13 =	smov.u32 s4;
	s9 =	sadd.s32 $0x1, s9;
	p2 =	slt.s32 s11, s8  }
0xd: {  	s13 =	smov.u32 @p2 s11;
	p2 =	sne.s32 s9, $0xA  }
.Ltmp1:
0xe: {  	_ = 	snop;
	(pc) =	sbr.rel @!p2 .LBB2_8-.Ltmp1, $4  }
0xf: {  	s12 =	simm.s32 @!p1 $0x3  }
0x10: {  	_ =	swait.ge @!p1 [sflag:s12], $0xC000  }
0x11: {  	p0 =	por !p0, !p0;
	[sflag:s12] =	ssyncset.done @!p1 $0x0  }
0x12: {  	s11 =	smov.u32 s10;
	s10 =	smov.u32 s13;
	[sflag:s12] =	ssyncadd.s32 @!p1 $0xFFFF4000  }
.LBB2_1:
0x13: {  	p1 =	sgt.u32 s9, $0x7  }
0x14: {  	s12 =	sxor.u32 @!p1 $0xFFFFFFFF, s9  }
0x15: {  	s12 =	sand.u32 @!p1 $0x1, s12  }
0x16: {  	s12 =	smul.u32 @!p1 $0x600, s12  }
0x17: {  	s31 =	sadd.s32 $0xFFFFFFFF, s9;
	s13 =	sshrl.u32 @!p1 s10, $0x3  }
0x18: {  	s14 =	sand.u32 @!p1 $0x7, s10;
	s13 =	sadd.s32 @!p1 s6, s13;
	s12 =	sshrl.u32 @!p1 s12, $0x2  }
0x19: {  	[tilespmem:s12], [sflag:$0x2] =	stream.linear.gather @!p1 [hbm4b:s13+s14], $0x180, $0x38;
	[tilespmem:$0x18300] =	vst v63  }
0x1a: {  	p1 =	sgt.u32 s31, $0x7  }
.Ltmp2:
0x1b: {  	_ = 	snop;
	(pc) =	sbr.rel @p1 .LBB2_7-.Ltmp2, $1  }
0x1c: {  	_ =	sdelay $0x3  }
0x1d: {  	s12 =	simm.s32 $0x1  }
0x1e: {  	s12 =	simm.s32 @!p0 $0x0  }
0x1f: {  	s13 =	smul.u32 $0x600, s12  }
0x20: {  	_ =	swait.ge [sflag:s5], $0x180  }
0x21: {  	[sflag:s5] =	ssyncset.done $0x0;
	s14 =	sshrl.u32 s13, $0x2  }
0x22: {  	[sflag:s5] =	ssyncadd.s32 $0xFFFFFE80;
	s13 =	sadd.s32 $0x0, s14  }
0x23: {  	v0 =	vld.msk [tilespmem:s13+$0x0 ss:$0x1], $0xffff;
	_ =	sdelay $0x4  }
0x24: {  	vm2 =	vgt.s32 v0, $0x0  }
0x25: {  	v0 =	vnsel vm2, $0x0, v0  }
0x26: {  	v0 =	vmin.u32 v0, $0x23FFF  }
0x27: {  	v0 =	vshll.u32 v0, $0x4  }
0x28: {  	s12 =	smul.u32 $0x30000, s12;
	_ =	sdelay $0x1  }
0x29: {  	s12 =	sshrl.u32 s12, $0x2  }
0x2a: {  	s12 =	sor.u32 $0x300, s12  }
0x2b: {  	[tilespmem:s12], [sflag:$0x1] =	stream.indirect_vreg.gather [hbm:s2], $0x80, v0, vm0, $0x38;
	[tilespmem:$0x18300] =	vst v63  }
0x2c: {  	s15 =	sadd.s32 $0x10, s14;
	s13 =	sadd.s32 $0x400, s12  }
0x2d: {  	[tilespmem:s13], [sflag:$0x1] =	stream.indirect_vreg.gather [hbm:s2], $0x80, v0, vm1, $0x38;
	[tilespmem:$0x18300] =	vst v63  }
0x2e: {  	s16 =	simm.s32 $0x80;
	v0 =	vld.msk [tilespmem:s15+$0x0 ss:$0x1], $0xffff;
	s15 =	smov.u32 s12  }
.LBB2_3:
0x2f: {  	p1 =	sne.s32 s16, $0x5C0;
	_ =	sdelay $0x4  }
0x30: {  	vm2 =	vgt.s32 v0, $0x0  }
0x31: {  	v0 =	vnsel vm2, $0x0, v0  }
0x32: {  	v0 =	vmin.u32 v0, $0x23FFF  }
0x33: {  	v0 =	vshll.u32 v0, $0x4;
	_ =	sdelay $0x3  }
.Ltmp3:
0x34: {  	s17 =	sshra.s32 s16, $0x2;
	s15 =	sadd.s32 $0x800, s15;
	(pc) =	sbr.rel @p1 .LBB2_3-.Ltmp3, $4  }
0x35: {  	[tilespmem:s15], [sflag:$0x1] =	stream.indirect_vreg.gather [hbm:s2], $0x80, v0, vm0, $0x38;
	[tilespmem:$0x18300] =	vst v63  }
0x36: {  	s17 =	sadd.s32 s17, s14;
	s18 =	sadd.s32 $0x400, s15  }
0x37: {  	[tilespmem:s18], [sflag:$0x1] =	stream.indirect_vreg.gather [hbm:s2], $0x80, v0, vm1, $0x38;
	[tilespmem:$0x18300] =	vst v63  }
0x38: {  	s16 =	sadd.s32 $0x40, s16;
	v0 =	vld.msk [tilespmem:s17+$0x0 ss:$0x1], $0xffff  }
0x39: {  	_ =	sdelay $0x3  }
0x3a: {  	vm2 =	vgt.s32 v0, $0x0  }
0x3b: {  	v0 =	vnsel vm2, $0x0, v0  }
0x3c: {  	v0 =	vmin.u32 v0, $0x23FFF  }
0x3d: {  	v0 =	vshll.u32 v0, $0x4;
	_ =	sdelay $0x3  }
0x3e: {  	s14 =	sadd.s32 $0x800, s15  }
0x3f: {  	[tilespmem:s14], [sflag:$0x1] =	stream.indirect_vreg.gather [hbm:s2], $0x80, v0, vm0, $0x38;
	[tilespmem:$0x18300] =	vst v63  }
0x40: {  	s14 =	sadd.s32 $0x400, s14  }
0x41: {  	[tilespmem:s14], [sflag:$0x1] =	stream.indirect_vreg.gather [hbm:s2], $0x80, v0, vm1, $0x38;
	[tilespmem:$0x18300] =	vst v63  }
0x42: {  	s11 =	sshll.u32 s11, $0x4;
	_ =	swait.ge [sflag:s3], $0xC000  }
0x43: {  	s11 =	sadd.s32 s11, s7;
	[sflag:s3] =	ssyncset.done $0x0  }
0x44: {  	s15 =	sadd.s32 $0x0, s11;
	s14 =	simm.s32 $0x80;
	[sflag:s3] =	ssyncadd.s32 $0xFFFF4000  }
.LBB2_5:
0x45: {  	[hbm:s15] =	stream.linear.scatter [tilespmem:s12], [sflag:$0x3], $0x400, $0x38;
	[tilespmem:$0x18300] =	vst v63  }
0x46: {  	s15 =	smov.u32 s14;
	s12 =	smov.u32 s13;
	p1 =	sne.s32 s14, $0x1780  }
.Ltmp4:
0x47: {  	s14 =	sadd.s32 $0x80, s14;
	(pc) =	sbr.rel @p1 .LBB2_5-.Ltmp4, $2  }
0x48: {  	_ =	sdelay $0x2  }
0x49: {  	s13 =	sadd.s32 $0x400, s13;
	s15 =	sadd.s32 s15, s11  }
.Ltmp5:
0x4a: {  	_ = 	snop;
	(pc) =	sbr.rel .LBB2_6-.Ltmp5, $1  }
0x4b: {  	_ =	sdelay $0x3  }
.LBB2_8:
0x4c: {  	_ =	sfence.sel $0x180000  }
0x4d: {  	s2 =	simm.s32 $0x2;
	[bflag:$0x0] =	sbarrier.arrive $0xFFFF  }
0x4e: {  	s30 =	simm.s32 $0x3;
	[sflag:s2] =	ssyncpa.u1 $0x1  }
0x4f: {  	s31 =	simm.s32 $0x1;
	[sflag:s30] =	ssyncpa.u1 $0x1  }
0x50: {  	[sflag:s31] =	ssyncpa.u1 $0x1  }
0x51: {  	p0 =	sne.s32 s1, $0x0;
	_ =	strace $0x9000004D  }
0x52: {  	s0 =	sadd.s32 @!p0 $0x100000, s0;
	[bflag:$0x2] =	sbarrier.arrive $0xFFFF  }
0x53: {  	[sflag:s0] =	ssyncadd.tile.s32 @!p0 $0x1;
	_ =	shalt  }
.Lfunc_end2:
_tile_overlayer_lowered:
.L_overlay_start_2:
0x54: {  	(tag) =	ssettag $0x2  }
0x55: {  	s0 =	rddreg [dreg:$0x0];
	s2 =	stileid.u32  }
0x56: {  	s1 =	rddreg [dreg:$0x1];
	p0 =	sne.s32 s2, $0x0  }
0x57: {  	s3 =	rddreg [dreg:$0x2];
	[bflag:$0x3] =	sbarrier.arrive $0xFFFF;
	s2 =	simm.s32 @!p0 $0x1C01  }
0x58: {  	[timem:s3], [sflag:s2] =	dma.local @!p0 [hbm:s0], s1  }
0x59: {  	s0 =	simm.s32 @!p0 $0x1  }
0x5a: {  	_ =	swait.ge @!p0 [sflag:s0], s1  }
0x5b: {  	s1 =	ssub.s32 @!p0 $0x0, s1;
	[sflag:s0] =	ssyncset.done @!p0 $0x0  }
0x5c: {  	[sflag:s0] =	ssyncadd.s32 @!p0 s1  }
0x5d: {  	[bflag:$0x3] =	sbarrier.arrive $0xFFFF  }
0x5e: {  	_ =	shalt  }

// kernel: gather_offload_async_start.3
scs
__scs_entry_jumppad:
0x0: {  	(pc) =	sbr.rel $0x88, $3  }
0x1: {  	(tag) =	ssettag $0x0;
	lr =	simm.s32 $0x1  }
0x2: {  	[smem:$0x3F92] =	sst lr;
	_ =	strace $0xD0000000  }
0x3: {  	_ = 	snop  }
0x4: {  	_ = 	snop  }
0x5: {  	_ = 	snop  }
0x6: {  	_ = 	snop  }
0x7: {  	_ = 	snop  }
__scs_overlays_trampoline_lowered:
0x8: {  	[smem:$0x3FA1] =	sst s0  }
0x9: {  	[smem:$0x3FA2] =	sst s1  }
0xa: {  	[smem:$0x3FA3] =	sst s2  }
0xb: {  	[smem:$0x3FA4] =	sst s3  }
0xc: {  	[smem:$0x3FA5] =	sst s4  }
0xd: {  	[smem:$0x3FA6] =	sst s5  }
0xe: {  	[smem:$0x3FA7] =	sst s6  }
0xf: {  	[smem:$0x3FA8] =	sst s7  }
0x10: {  	[smem:$0x3FA9] =	sst s8  }
0x11: {  	[smem:$0x3FAA] =	sst s9;
	s0 =	simm.s32 @!p0 $0x0  }
0x12: {  	s1 =	sld [smem:$0x3F90];
	s0 =	simm.s32 @p0 $0x1  }
0x13: {  	[smem:$0x3FAB] =	sst s0;
	s0 =	simm.s32 @!p1 $0x0  }
0x14: {  	s2 =	sld [smem:$0x3F8F];
	s0 =	simm.s32 @p1 $0x1  }
0x15: {  	[smem:$0x3FAC] =	sst s0;
	s0 =	simm.s32 @!p2 $0x0  }
0x16: {  	s3 =	sld [smem:$0x3FDB];
	s0 =	simm.s32 @p2 $0x1  }
0x17: {  	s4 =	simm.s32 $0x1BF5;
	[smem:$0x3FAE] =	sst s0  }
0x18: {  	s0 =	sld [smem:$0x3F91];
	_ =	swait.ge [sflag:s4], $0x0  }
0x19: {  	s7 =	sld [smem:$0x3F92]  }
0x1a: {  	s8 =	sadd.s32 $0xFFFFE003, lr  }
0x1b: {  	s9 =	sadd.s32 $0xFFFFFEF7, lr;
	s5 =	simm.s32 $0xFFFFFFFF;
	p2 =	slt.u32 s8, $0xFFFFF086  }
0x1c: {  	p1 =	slt.u32 s9, $0xF7A;
	s5 =	simm.s32 @!p2 $0x0  }
0x1d: {  	s5 =	simm.s32 @p1 $0x1;
	p0 =	seq.s32 s7, s2  }
0x1e: {  	s7 =	smul.u32 @!p0 $0xF7A, s2;
	p2 =	seq.s32 @!p0 s5, $0x0  }
0x1f: {  	s9 =	smul.u32 $0xF7A, s1;
	s8 =	simm.s32 @!p0 $0x1BF5;
	p2 =	por !p2, p0  }
0x20: {  	[sflag:s8] =	ssyncset.s32 @!p0 $0xFFFFF086;
	s6 =	sadd.s32 @!p0 s3, s7;
	s7 =	simm.s32 @!p0 $0x108  }
0x21: {  	s3 =	sadd.s32 s3, s9;
	s6 =	sadd.s32 @!p0 $0x88, s6;
	s7 =	simm.s32 @p2 $0x1082  }
0x22: {  	[simem:s7], [sflag:s8] =	dma.local @!p0 [hbm:s6], $0xF7A  }
0x23: {  	s9 =	sor.u32 $0xD0000000, s2;
	s6 =	simm.s32 $0x108;
	_ =	swait.ge @!p0 [sflag:s8], $0x0  }
0x24: {  	s3 =	sadd.s32 $0x88, s3;
	s6 =	simm.s32 @!p1 $0x1082;
	[sflag:s4] =	ssyncset.s32 $0xFFFFF086  }
0x25: {  	[simem:s6], [sflag:s4] =	dma.local [hbm:s3], $0xF7A  }
0x26: {  	[smem:$0x3F92] =	sst s1;
	(tag) =	ssettag s2;
	_ =	strace s9  }
0x27: {  	s1 =	sld [smem:$0x3FA2]  }
0x28: {  	s2 =	sld [smem:$0x3FA3]  }
0x29: {  	s4 =	sld [smem:$0x3FA5]  }
0x2a: {  	p0 =	seq.s32 s5, $0x0;
	s5 =	sld [smem:$0x3FA6]  }
0x2b: {  	s6 =	sld [smem:$0x3FA7]  }
0x2c: {  	s7 =	sld [smem:$0x3FA8]  }
0x2d: {  	s3 =	simm.s32 $0x108;
	s8 =	sld [smem:$0x3FA9]  }
0x2e: {  	s3 =	simm.s32 @!p0 $0x1082;
	s9 =	sld [smem:$0x3FAA]  }
0x2f: {  	lr =	sadd.s32 s0, s3;
	s0 =	sld [smem:$0x3FA1]  }
0x30: {  	s3 =	sld [smem:$0x3FA4]  }
0x31: {  	[smem:$0x3FAD] =	sst s10  }
0x32: {  	s10 =	sld [smem:$0x3FAB];
	_ =	sdelay $0x3  }
0x33: {  	p0 =	seq.s32 s10, $0x1;
	s10 =	sld [smem:$0x3FAD];
	_ =	sdelay $0x3  }
0x34: {  	[smem:$0x3FAD] =	sst s10  }
0x35: {  	s10 =	sld [smem:$0x3FAC];
	_ =	sdelay $0x3  }
0x36: {  	p1 =	seq.s32 s10, $0x1;
	s10 =	sld [smem:$0x3FAD];
	_ =	sdelay $0x3  }
0x37: {  	[smem:$0x3FAD] =	sst s10  }
0x38: {  	s10 =	sld [smem:$0x3FAE]  }
0x39: {  	_ = 	snop;
	(pc) =	sbr.ind lr, $3  }
0x3a: {  	_ = 	snop  }
0x3b: {  	_ = 	snop  }
0x3c: {  	p2 =	seq.s32 s10, $0x1;
	s10 =	sld [smem:$0x3FAD]  }
0x3d: {  	_ =	shalt  }
0x3e: {  	_ =	shalt  }
0x3f: {  	_ =	shalt  }
0x40: {  	_ =	shalt  }
0x41: {  	_ =	shalt  }
0x42: {  	_ =	shalt  }
0x43: {  	_ =	shalt  }
0x44: {  	_ =	shalt  }
0x45: {  	_ =	shalt  }
0x46: {  	_ =	shalt  }
0x47: {  	_ =	shalt  }
0x48: {  	_ =	shalt  }
0x49: {  	_ =	shalt  }
0x4a: {  	_ =	shalt  }
0x4b: {  	_ =	shalt  }
0x4c: {  	_ =	shalt  }
0x4d: {  	_ =	shalt  }
0x4e: {  	_ =	shalt  }
0x4f: {  	_ =	shalt  }
0x50: {  	_ =	shalt  }
0x51: {  	_ =	shalt  }
0x52: {  	_ =	shalt  }
0x53: {  	_ =	shalt  }
0x54: {  	_ =	shalt  }
0x55: {  	_ =	shalt  }
0x56: {  	_ =	shalt  }
0x57: {  	_ =	shalt  }
0x58: {  	_ =	shalt  }
0x59: {  	_ =	shalt  }
0x5a: {  	_ =	shalt  }
0x5b: {  	_ =	shalt  }
0x5c: {  	_ =	shalt  }
0x5d: {  	_ =	shalt  }
0x5e: {  	_ =	shalt  }
0x5f: {  	_ =	shalt  }
0x60: {  	_ =	shalt  }
0x61: {  	_ =	shalt  }
0x62: {  	_ =	shalt  }
0x63: {  	_ =	shalt  }
0x64: {  	_ =	shalt  }
0x65: {  	_ =	shalt  }
0x66: {  	_ =	shalt  }
0x67: {  	_ =	shalt  }
0x68: {  	_ =	shalt  }
0x69: {  	_ =	shalt  }
0x6a: {  	_ =	shalt  }
0x6b: {  	_ =	shalt  }
0x6c: {  	_ =	shalt  }
0x6d: {  	_ =	shalt  }
0x6e: {  	_ =	shalt  }
0x6f: {  	_ =	shalt  }
0x70: {  	_ =	shalt  }
0x71: {  	_ =	shalt  }
0x72: {  	_ =	shalt  }
0x73: {  	_ =	shalt  }
0x74: {  	_ =	shalt  }
0x75: {  	_ =	shalt  }
0x76: {  	_ =	shalt  }
0x77: {  	_ =	shalt  }
0x78: {  	_ =	shalt  }
0x79: {  	_ =	shalt  }
0x7a: {  	_ =	shalt  }
0x7b: {  	_ =	shalt  }
0x7c: {  	_ =	shalt  }
0x7d: {  	_ =	shalt  }
0x7e: {  	_ =	shalt  }
0x7f: {  	_ =	shalt  }
0x80: {  	_ =	shalt  }
0x81: {  	_ =	shalt  }
0x82: {  	_ =	shalt  }
0x83: {  	_ =	shalt  }
0x84: {  	_ =	shalt  }
0x85: {  	_ =	shalt  }
0x86: {  	_ =	shalt  }
0x87: {  	_ =	shalt  }
.Lfunc_end0:
.L_simem_size_0:
called_computation.3_lowered:
.L_overlay_start_0:
0x88: {  	s2 =	sld [smem:$0x3FD9]  }
0x89: {  	s3 =	sld [smem:$0x3FFE];
	_ =	sdelay $0x1  }
0x8a: {  	s1 =	srdreg.scid  }
0x8b: {  	s0 =	sand.u32 $0x1, s1  }
0x8c: {  	s17 =	sshll.u32 s0, $0xA;
	s2 =	sadd.s32 s3, s2  }
0x8d: {  	s2 =	sadd.s32 s2, s17  }
0x8e: {  	[smem:$0x3FB9] =	sst s2  }
0x8f: {  	_ = 	snop  }
0x90: {  	(tm) =	ssettm $0x1  }
0x91: {  	s18 =	sld [smem:$0x3FFB];
	_ =	sdelay $0x3  }
0x92: {  	_ =	strace s18  }
0x93: {  	s2 =	sld [smem:$0x3FFC];
	_ =	sdelay $0x3  }
0x94: {  	_ =	strace s2  }
0x95: {  	s2 =	sld [smem:$0x3FFD];
	_ =	sdelay $0x3  }
0x96: {  	_ =	strace s2  }
0x97: {  	_ =	strace $0x8FFFFFFF  }
0x98: {  	s19 =	sld [smem:$0x3FDB];
	_ =	sdelay $0x1  }
0x99: {  	s20 =	simm.s32 $_scs_section_size  }
0x9a: {  	s4 =	simm.s32 $_size__tile_overlayer_lowered;
	s5 =	simm.s32 $_tile_overlayer_lowered  }
0x9b: {  	s6 =	simm.s32 $0x1BFF;
	s21 =	sshll.u32 s5, $0x1;
	s3 =	sadd.s32 s20, s19  }
0x9c: {  	s22 =	simm.s32 $0x0;
	s4 =	sshll.u32 s4, $0x1;
	s5 =	sadd.s32 s21, s3  }
0x9d: {  	[timem:s22], [sflag:s6] =	dma.local [hbm:s5], s4  }
0x9e: {  	_ =	swait.ge [sflag:s6], s4  }
0x9f: {  	s4 =	ssub.s32 $0x0, s4;
	[sflag:s6] =	ssyncset.done $0x0  }
0xa0: {  	[sflag:s6] =	ssyncadd.s32 s4;
	_ =	sdelay $0x1  }
0xa1: {  	s23 =	simm.s32 $0x1B8B  }
0xa2: {  	_ =	swait.ge [sflag:s23], $0x1  }
0xa3: {  	[sflag:s23] =	ssyncset.done $0x0  }
0xa4: {  	[sflag:s23] =	ssyncadd.s32 $0xFFFFFFFF  }
0xa5: {  	s4 =	sld [smem:$0x0]  }
0xa6: {  	s5 =	sand.u32 $0xFFFFFFFE, s1  }
0xa7: {  	p0 =	sne.s32 s1, s5  }
0xa8: {  	s5 =	sshll.u32 @p0 s5, $0xE  }
0xa9: {  	s5 =	sadd.s32 @p0 $0x11B8D, s5;
	s6 =	sshll.u32 @p0 s4, $0x11  }
0xaa: {  	s5 =	sor.u32 @p0 s6, s5  }
0xab: {  	[sflag:s5] =	ssyncadd.remote.s32 @p0 $0x1;
	_ =	sdelay $0x1  }
0xac: {  	s5 =	simm.s32 @p0 $0x1B8D  }
0xad: {  	_ =	swait.eq @p0 [sflag:s5], $0x1  }
0xae: {  	[sflag:s5] =	ssyncadd.s32 @p0 $0xFFFFFFFF  }
0xaf: {  	s6 =	sshll.u32 @!p0 s1, $0xE  }
0xb0: {  	s6 =	sor.u32 @!p0 $0x4000, s6;
	s5 =	simm.s32 @!p0 $0x1B8D  }
0xb1: {  	s4 =	sshll.u32 @!p0 s4, $0x11;
	s6 =	sadd.s32 @!p0 $0x11B8D, s6;
	_ =	swait.eq @!p0 [sflag:s5], $0x1  }
0xb2: {  	s4 =	sor.u32 @!p0 s4, s6;
	[sflag:s5] =	ssyncadd.s32 @!p0 $0xFFFFFFFF  }
0xb3: {  	s25 =	simm.s32 $0x1B8E;
	s24 =	sld [smem:$0x3FFE];
	[sflag:s4] =	ssyncadd.remote.s32 @!p0 $0x1  }
0xb4: {  	s26 =	simm.s32 $execute0_lowered;
	[smem:$0x3FD2] =	sst s25  }
0xb5: {  	s5 =	sshll.u32 s26, $0x1;
	_ =	strace $0x8000004F;
	[dreg:$0x1] =	wrdreg $0xFFFFFFFF  }
0xb6: {  	s28 =	simm.s32 $_size_execute0_lowered;
	s3 =	sadd.s32 s3, s5;
	[dreg:$0x0] =	wrdreg $0x0  }
0xb7: {  	s5 =	sshll.u32 s28, $0x1;
	[dreg:$0x2] =	wrdreg s3  }
0xb8: {  	[dreg:$0x3] =	wrdreg s5  }
0xb9: {  	[dreg:$0x4] =	wrdreg $0xC0  }
0xba: {  	_ =	task [dreg:s22], $0x5FFFF  }
0xbb: {  	[dreg:$0x1] =	wrdreg $0xFFFFFFFF  }
0xbc: {  	[dreg:$0x0] =	wrdreg $0x60  }
0xbd: {  	[dreg:$0x2] =	wrdreg s24  }
0xbe: {  	[dreg:$0x3] =	wrdreg $0xA  }
0xbf: {  	_ =	task.clear_ibuf [dreg:s22], $0x4FFFF;
	_ =	strace $0x9000004F  }
0xc0: {  	s29 =	simm.s32 $0xA;
	_ =	strace $0x80000051  }
0xc1: {  	_ =	swait.ge [sflag:s29], $0x1  }
0xc2: {  	[sflag:s29] =	ssyncadd.s32 $0xFFFFFFFF  }
0xc3: {  	_ =	strace $0x90000051  }
0xc4: {  	_ =	sfence  }
0xc5: {  	s30 =	sld [smem:$0x0];
	_ =	sdelay $0x2  }
0xc6: {  	s31 =	sshll.u32 s1, $0xD;
	s1 =	sshrl.u32 s1, $0x2  }
0xc7: {  	s4 =	sand.u32 $0x4000, s31;
	s1 =	sadd.s32 s1, s30  }
0xc8: {  	s0 =	sor.u32 s4, s0;
	s1 =	sshll.u32 s1, $0x11  }
0xc9: {  	s0 =	sor.u32 s1, s0  }
0xca: {  	s0 =	sadd.s32 $0x8F2B, s0  }
0xcb: {  	[sflag:s0] =	ssyncadd.remote.s32 $0x1  }
0xcc: {  	_ =	sfence.sel $0xFFFF  }
0xcd: {  	[dreg:$0x0] =	wrdreg $0xFFFFFFFF;
	(pc) =	sbr.abs _section_cstart, $3  }
0xce: {  	[dreg:$0x1] =	wrdreg $0xFFFFFFFF  }
0xcf: {  	_ =	task.clear_ibuf [dreg:s22], $0x2FFFF;
	_ =	strace $0x9FFFFFFF  }
0xd0: {  	(tm) =	ssettm $0x7FFFFFFF  }
0xd1: {  	_ =	shalt  }
tec
execute0_lowered:
.L_overlay_start_1:
0x0: {  	(tag) =	ssettag $0x1  }
0x1: {  	s7 =	rddreg [dreg:$0x0]  }
0x2: {  	s1 =	srdreg.scid;
	s0 =	rddreg [dreg:$0x1]  }
0x3: {  	_ =	strace $0x80000050;
	s3 =	simm.s32 $0x1;
	s5 =	simm.s32 $0x2  }
0x4: {  	s9 =	simm.s32 $0x3;
	s11 =	simm.s32 $0x0;
	s2 =	sshll.u32 s1, $0x4  }
.Ltmp0:
0x5: {  	s1 =	stileid.u32;
	s4 =	sand.u32 $0x10, s2;
	(pc) =	sbr.rel .LBB2_1-.Ltmp0, $4  }
0x6: {  	p0 =	por $0x0, $0x0;
	[sflag:s3] =	ssyncpa.u1 $0x0;
	s4 =	sor.u32 s1, s4  }
0x7: {  	s6 =	sadd.s32 $0x36FA00, s7;
	[sflag:s5] =	ssyncpa.u1 $0x0;
	s4 =	smul.u32 $0xC00, s4  }
0x8: {  	s2 =	sadd.s32 $0x4F5A00, s7;
	s7 =	sadd.s32 $0x615A00, s7;
	[sflag:s9] =	ssyncpa.u1 $0x0  }
0x9: {  	vm0 =	vmmov $0xff;
	vm1 =	vcmask $0x3F20;
	s9 =	simm.s32 $0x0;
	s8 =	sadd.s32 $0xC00, s4;
	s10 =	smov.u32 s4  }
.LBB2_6:
0xa: {  	[hbm:s15] =	stream.linear.scatter [tilespmem:s12], [sflag:$0x3], $0x400, $0x38;
	[tilespmem:$0x18300] =	vst v63  }
.LBB2_7:
0xb: {  	p1 =	slt.u32 s9, $0x2;
	s11 =	sadd.s32 $0x180, s10  }
0xc: {  	s13 =	smov.u32 s4;
	s9 =	sadd.s32 $0x1, s9;
	p2 =	slt.s32 s11, s8  }
0xd: {  	s13 =	smov.u32 @p2 s11;
	p2 =	sne.s32 s9, $0xA  }
.Ltmp1:
0xe: {  	_ = 	snop;
	(pc) =	sbr.rel @!p2 .LBB2_8-.Ltmp1, $4  }
0xf: {  	s12 =	simm.s32 @!p1 $0x3  }
0x10: {  	_ =	swait.ge @!p1 [sflag:s12], $0xC000  }
0x11: {  	p0 =	por !p0, !p0;
	[sflag:s12] =	ssyncset.done @!p1 $0x0  }
0x12: {  	s11 =	smov.u32 s10;
	s10 =	smov.u32 s13;
	[sflag:s12] =	ssyncadd.s32 @!p1 $0xFFFF4000  }
.LBB2_1:
0x13: {  	p1 =	sgt.u32 s9, $0x7  }
0x14: {  	s12 =	sxor.u32 @!p1 $0xFFFFFFFF, s9  }
0x15: {  	s12 =	sand.u32 @!p1 $0x1, s12  }
0x16: {  	s12 =	smul.u32 @!p1 $0x600, s12  }
0x17: {  	s31 =	sadd.s32 $0xFFFFFFFF, s9;
	s13 =	sshrl.u32 @!p1 s10, $0x3  }
0x18: {  	s14 =	sand.u32 @!p1 $0x7, s10;
	s13 =	sadd.s32 @!p1 s6, s13;
	s12 =	sshrl.u32 @!p1 s12, $0x2  }
0x19: {  	[tilespmem:s12], [sflag:$0x2] =	stream.linear.gather @!p1 [hbm4b:s13+s14], $0x180, $0x38;
	[tilespmem:$0x18300] =	vst v63  }
0x1a: {  	p1 =	sgt.u32 s31, $0x7  }
.Ltmp2:
0x1b: {  	_ = 	snop;
	(pc) =	sbr.rel @p1 .LBB2_7-.Ltmp2, $1  }
0x1c: {  	_ =	sdelay $0x3  }
0x1d: {  	s12 =	simm.s32 $0x1  }
0x1e: {  	s12 =	simm.s32 @!p0 $0x0  }
0x1f: {  	s13 =	smul.u32 $0x600, s12  }
0x20: {  	_ =	swait.ge [sflag:s5], $0x180  }
0x21: {  	[sflag:s5] =	ssyncset.done $0x0;
	s14 =	sshrl.u32 s13, $0x2  }
0x22: {  	[sflag:s5] =	ssyncadd.s32 $0xFFFFFE80;
	s13 =	sadd.s32 $0x0, s14  }
0x23: {  	v0 =	vld.msk [tilespmem:s13+$0x0 ss:$0x1], $0xffff;
	_ =	sdelay $0x4  }
0x24: {  	vm2 =	vgt.s32 v0, $0x0  }
0x25: {  	v0 =	vnsel vm2, $0x0, v0  }
0x26: {  	v0 =	vmin.u32 v0, $0x11FFF  }
0x27: {  	v0 =	vshll.u32 v0, $0x4  }
0x28: {  	s12 =	smul.u32 $0x30000, s12;
	_ =	sdelay $0x1  }
0x29: {  	s12 =	sshrl.u32 s12, $0x2  }
0x2a: {  	s12 =	sor.u32 $0x300, s12  }
0x2b: {  	[tilespmem:s12], [sflag:$0x1] =	stream.indirect_vreg.gather [hbm:s2], $0x80, v0, vm0, $0x38;
	[tilespmem:$0x18300] =	vst v63  }
0x2c: {  	s15 =	sadd.s32 $0x10, s14;
	s13 =	sadd.s32 $0x400, s12  }
0x2d: {  	[tilespmem:s13], [sflag:$0x1] =	stream.indirect_vreg.gather [hbm:s2], $0x80, v0, vm1, $0x38;
	[tilespmem:$0x18300] =	vst v63  }
0x2e: {  	s16 =	simm.s32 $0x80;
	v0 =	vld.msk [tilespmem:s15+$0x0 ss:$0x1], $0xffff;
	s15 =	smov.u32 s12  }
.LBB2_3:
0x2f: {  	p1 =	sne.s32 s16, $0x5C0;
	_ =	sdelay $0x4  }
0x30: {  	vm2 =	vgt.s32 v0, $0x0  }
0x31: {  	v0 =	vnsel vm2, $0x0, v0  }
0x32: {  	v0 =	vmin.u32 v0, $0x11FFF  }
0x33: {  	v0 =	vshll.u32 v0, $0x4;
	_ =	sdelay $0x3  }
.Ltmp3:
0x34: {  	s17 =	sshra.s32 s16, $0x2;
	s15 =	sadd.s32 $0x800, s15;
	(pc) =	sbr.rel @p1 .LBB2_3-.Ltmp3, $4  }
0x35: {  	[tilespmem:s15], [sflag:$0x1] =	stream.indirect_vreg.gather [hbm:s2], $0x80, v0, vm0, $0x38;
	[tilespmem:$0x18300] =	vst v63  }
0x36: {  	s17 =	sadd.s32 s17, s14;
	s18 =	sadd.s32 $0x400, s15  }
0x37: {  	[tilespmem:s18], [sflag:$0x1] =	stream.indirect_vreg.gather [hbm:s2], $0x80, v0, vm1, $0x38;
	[tilespmem:$0x18300] =	vst v63  }
0x38: {  	s16 =	sadd.s32 $0x40, s16;
	v0 =	vld.msk [tilespmem:s17+$0x0 ss:$0x1], $0xffff  }
0x39: {  	_ =	sdelay $0x3  }
0x3a: {  	vm2 =	vgt.s32 v0, $0x0  }
0x3b: {  	v0 =	vnsel vm2, $0x0, v0  }
0x3c: {  	v0 =	vmin.u32 v0, $0x11FFF  }
0x3d: {  	v0 =	vshll.u32 v0, $0x4;
	_ =	sdelay $0x3  }
0x3e: {  	s14 =	sadd.s32 $0x800, s15  }
0x3f: {  	[tilespmem:s14], [sflag:$0x1] =	stream.indirect_vreg.gather [hbm:s2], $0x80, v0, vm0, $0x38;
	[tilespmem:$0x18300] =	vst v63  }
0x40: {  	s14 =	sadd.s32 $0x400, s14  }
0x41: {  	[tilespmem:s14], [sflag:$0x1] =	stream.indirect_vreg.gather [hbm:s2], $0x80, v0, vm1, $0x38;
	[tilespmem:$0x18300] =	vst v63  }
0x42: {  	s11 =	sshll.u32 s11, $0x4;
	_ =	swait.ge [sflag:s3], $0xC000  }
0x43: {  	s11 =	sadd.s32 s11, s7;
	[sflag:s3] =	ssyncset.done $0x0  }
0x44: {  	s15 =	sadd.s32 $0x0, s11;
	s14 =	simm.s32 $0x80;
	[sflag:s3] =	ssyncadd.s32 $0xFFFF4000  }
.LBB2_5:
0x45: {  	[hbm:s15] =	stream.linear.scatter [tilespmem:s12], [sflag:$0x3], $0x400, $0x38;
	[tilespmem:$0x18300] =	vst v63  }
0x46: {  	s15 =	smov.u32 s14;
	s12 =	smov.u32 s13;
	p1 =	sne.s32 s14, $0x1780  }
.Ltmp4:
0x47: {  	s14 =	sadd.s32 $0x80, s14;
	(pc) =	sbr.rel @p1 .LBB2_5-.Ltmp4, $2  }
0x48: {  	_ =	sdelay $0x2  }
0x49: {  	s13 =	sadd.s32 $0x400, s13;
	s15 =	sadd.s32 s15, s11  }
.Ltmp5:
0x4a: {  	_ = 	snop;
	(pc) =	sbr.rel .LBB2_6-.Ltmp5, $1  }
0x4b: {  	_ =	sdelay $0x3  }
.LBB2_8:
0x4c: {  	_ =	sfence.sel $0x180000  }
0x4d: {  	s2 =	simm.s32 $0x2;
	[bflag:$0x0] =	sbarrier.arrive $0xFFFF  }
0x4e: {  	s30 =	simm.s32 $0x3;
	[sflag:s2] =	ssyncpa.u1 $0x1  }
0x4f: {  	s31 =	simm.s32 $0x1;
	[sflag:s30] =	ssyncpa.u1 $0x1  }
0x50: {  	[sflag:s31] =	ssyncpa.u1 $0x1  }
0x51: {  	p0 =	sne.s32 s1, $0x0;
	_ =	strace $0x90000050  }
0x52: {  	s0 =	sadd.s32 @!p0 $0x100000, s0;
	[bflag:$0x2] =	sbarrier.arrive $0xFFFF  }
0x53: {  	[sflag:s0] =	ssyncadd.tile.s32 @!p0 $0x1;
	_ =	shalt  }
.Lfunc_end2:
_tile_overlayer_lowered:
.L_overlay_start_2:
0x54: {  	(tag) =	ssettag $0x2  }
0x55: {  	s0 =	rddreg [dreg:$0x0];
	s2 =	stileid.u32  }
0x56: {  	s1 =	rddreg [dreg:$0x1];
	p0 =	sne.s32 s2, $0x0  }
0x57: {  	s3 =	rddreg [dreg:$0x2];
	[bflag:$0x3] =	sbarrier.arrive $0xFFFF;
	s2 =	simm.s32 @!p0 $0x1C01  }
0x58: {  	[timem:s3], [sflag:s2] =	dma.local @!p0 [hbm:s0], s1  }
0x59: {  	s0 =	simm.s32 @!p0 $0x1  }
0x5a: {  	_ =	swait.ge @!p0 [sflag:s0], s1  }
0x5b: {  	s1 =	ssub.s32 @!p0 $0x0, s1;
	[sflag:s0] =	ssyncset.done @!p0 $0x0  }
0x5c: {  	[sflag:s0] =	ssyncadd.s32 @!p0 s1  }
0x5d: {  	[bflag:$0x3] =	sbarrier.arrive $0xFFFF  }
0x5e: {  	_ =	shalt  }

// kernel: gather_offload_async_start.4
scs
__scs_entry_jumppad:
0x0: {  	(pc) =	sbr.rel $0x88, $3  }
0x1: {  	(tag) =	ssettag $0x0;
	lr =	simm.s32 $0x1  }
0x2: {  	[smem:$0x3F92] =	sst lr;
	_ =	strace $0xD0000000  }
0x3: {  	_ = 	snop  }
0x4: {  	_ = 	snop  }
0x5: {  	_ = 	snop  }
0x6: {  	_ = 	snop  }
0x7: {  	_ = 	snop  }
__scs_overlays_trampoline_lowered:
0x8: {  	[smem:$0x3FA1] =	sst s0  }
0x9: {  	[smem:$0x3FA2] =	sst s1  }
0xa: {  	[smem:$0x3FA3] =	sst s2  }
0xb: {  	[smem:$0x3FA4] =	sst s3  }
0xc: {  	[smem:$0x3FA5] =	sst s4  }
0xd: {  	[smem:$0x3FA6] =	sst s5  }
0xe: {  	[smem:$0x3FA7] =	sst s6  }
0xf: {  	[smem:$0x3FA8] =	sst s7  }
0x10: {  	[smem:$0x3FA9] =	sst s8  }
0x11: {  	[smem:$0x3FAA] =	sst s9;
	s0 =	simm.s32 @!p0 $0x0  }
0x12: {  	s1 =	sld [smem:$0x3F90];
	s0 =	simm.s32 @p0 $0x1  }
0x13: {  	[smem:$0x3FAB] =	sst s0;
	s0 =	simm.s32 @!p1 $0x0  }
0x14: {  	s2 =	sld [smem:$0x3F8F];
	s0 =	simm.s32 @p1 $0x1  }
0x15: {  	[smem:$0x3FAC] =	sst s0;
	s0 =	simm.s32 @!p2 $0x0  }
0x16: {  	s3 =	sld [smem:$0x3FDB];
	s0 =	simm.s32 @p2 $0x1  }
0x17: {  	s4 =	simm.s32 $0x1BF5;
	[smem:$0x3FAE] =	sst s0  }
0x18: {  	s0 =	sld [smem:$0x3F91];
	_ =	swait.ge [sflag:s4], $0x0  }
0x19: {  	s7 =	sld [smem:$0x3F92]  }
0x1a: {  	s8 =	sadd.s32 $0xFFFFE003, lr  }
0x1b: {  	s9 =	sadd.s32 $0xFFFFFEF7, lr;
	s5 =	simm.s32 $0xFFFFFFFF;
	p2 =	slt.u32 s8, $0xFFFFF086  }
0x1c: {  	p1 =	slt.u32 s9, $0xF7A;
	s5 =	simm.s32 @!p2 $0x0  }
0x1d: {  	s5 =	simm.s32 @p1 $0x1;
	p0 =	seq.s32 s7, s2  }
0x1e: {  	s7 =	smul.u32 @!p0 $0xF7A, s2;
	p2 =	seq.s32 @!p0 s5, $0x0  }
0x1f: {  	s9 =	smul.u32 $0xF7A, s1;
	s8 =	simm.s32 @!p0 $0x1BF5;
	p2 =	por !p2, p0  }
0x20: {  	[sflag:s8] =	ssyncset.s32 @!p0 $0xFFFFF086;
	s6 =	sadd.s32 @!p0 s3, s7;
	s7 =	simm.s32 @!p0 $0x108  }
0x21: {  	s3 =	sadd.s32 s3, s9;
	s6 =	sadd.s32 @!p0 $0x88, s6;
	s7 =	simm.s32 @p2 $0x1082  }
0x22: {  	[simem:s7], [sflag:s8] =	dma.local @!p0 [hbm:s6], $0xF7A  }
0x23: {  	s9 =	sor.u32 $0xD0000000, s2;
	s6 =	simm.s32 $0x108;
	_ =	swait.ge @!p0 [sflag:s8], $0x0  }
0x24: {  	s3 =	sadd.s32 $0x88, s3;
	s6 =	simm.s32 @!p1 $0x1082;
	[sflag:s4] =	ssyncset.s32 $0xFFFFF086  }
0x25: {  	[simem:s6], [sflag:s4] =	dma.local [hbm:s3], $0xF7A  }
0x26: {  	[smem:$0x3F92] =	sst s1;
	(tag) =	ssettag s2;
	_ =	strace s9  }
0x27: {  	s1 =	sld [smem:$0x3FA2]  }
0x28: {  	s2 =	sld [smem:$0x3FA3]  }
0x29: {  	s4 =	sld [smem:$0x3FA5]  }
0x2a: {  	p0 =	seq.s32 s5, $0x0;
	s5 =	sld [smem:$0x3FA6]  }
0x2b: {  	s6 =	sld [smem:$0x3FA7]  }
0x2c: {  	s7 =	sld [smem:$0x3FA8]  }
0x2d: {  	s3 =	simm.s32 $0x108;
	s8 =	sld [smem:$0x3FA9]  }
0x2e: {  	s3 =	simm.s32 @!p0 $0x1082;
	s9 =	sld [smem:$0x3FAA]  }
0x2f: {  	lr =	sadd.s32 s0, s3;
	s0 =	sld [smem:$0x3FA1]  }
0x30: {  	s3 =	sld [smem:$0x3FA4]  }
0x31: {  	[smem:$0x3FAD] =	sst s10  }
0x32: {  	s10 =	sld [smem:$0x3FAB];
	_ =	sdelay $0x3  }
0x33: {  	p0 =	seq.s32 s10, $0x1;
	s10 =	sld [smem:$0x3FAD];
	_ =	sdelay $0x3  }
0x34: {  	[smem:$0x3FAD] =	sst s10  }
0x35: {  	s10 =	sld [smem:$0x3FAC];
	_ =	sdelay $0x3  }
0x36: {  	p1 =	seq.s32 s10, $0x1;
	s10 =	sld [smem:$0x3FAD];
	_ =	sdelay $0x3  }
0x37: {  	[smem:$0x3FAD] =	sst s10  }
0x38: {  	s10 =	sld [smem:$0x3FAE]  }
0x39: {  	_ = 	snop;
	(pc) =	sbr.ind lr, $3  }
0x3a: {  	_ = 	snop  }
0x3b: {  	_ = 	snop  }
0x3c: {  	p2 =	seq.s32 s10, $0x1;
	s10 =	sld [smem:$0x3FAD]  }
0x3d: {  	_ =	shalt  }
0x3e: {  	_ =	shalt  }
0x3f: {  	_ =	shalt  }
0x40: {  	_ =	shalt  }
0x41: {  	_ =	shalt  }
0x42: {  	_ =	shalt  }
0x43: {  	_ =	shalt  }
0x44: {  	_ =	shalt  }
0x45: {  	_ =	shalt  }
0x46: {  	_ =	shalt  }
0x47: {  	_ =	shalt  }
0x48: {  	_ =	shalt  }
0x49: {  	_ =	shalt  }
0x4a: {  	_ =	shalt  }
0x4b: {  	_ =	shalt  }
0x4c: {  	_ =	shalt  }
0x4d: {  	_ =	shalt  }
0x4e: {  	_ =	shalt  }
0x4f: {  	_ =	shalt  }
0x50: {  	_ =	shalt  }
0x51: {  	_ =	shalt  }
0x52: {  	_ =	shalt  }
0x53: {  	_ =	shalt  }
0x54: {  	_ =	shalt  }
0x55: {  	_ =	shalt  }
0x56: {  	_ =	shalt  }
0x57: {  	_ =	shalt  }
0x58: {  	_ =	shalt  }
0x59: {  	_ =	shalt  }
0x5a: {  	_ =	shalt  }
0x5b: {  	_ =	shalt  }
0x5c: {  	_ =	shalt  }
0x5d: {  	_ =	shalt  }
0x5e: {  	_ =	shalt  }
0x5f: {  	_ =	shalt  }
0x60: {  	_ =	shalt  }
0x61: {  	_ =	shalt  }
0x62: {  	_ =	shalt  }
0x63: {  	_ =	shalt  }
0x64: {  	_ =	shalt  }
0x65: {  	_ =	shalt  }
0x66: {  	_ =	shalt  }
0x67: {  	_ =	shalt  }
0x68: {  	_ =	shalt  }
0x69: {  	_ =	shalt  }
0x6a: {  	_ =	shalt  }
0x6b: {  	_ =	shalt  }
0x6c: {  	_ =	shalt  }
0x6d: {  	_ =	shalt  }
0x6e: {  	_ =	shalt  }
0x6f: {  	_ =	shalt  }
0x70: {  	_ =	shalt  }
0x71: {  	_ =	shalt  }
0x72: {  	_ =	shalt  }
0x73: {  	_ =	shalt  }
0x74: {  	_ =	shalt  }
0x75: {  	_ =	shalt  }
0x76: {  	_ =	shalt  }
0x77: {  	_ =	shalt  }
0x78: {  	_ =	shalt  }
0x79: {  	_ =	shalt  }
0x7a: {  	_ =	shalt  }
0x7b: {  	_ =	shalt  }
0x7c: {  	_ =	shalt  }
0x7d: {  	_ =	shalt  }
0x7e: {  	_ =	shalt  }
0x7f: {  	_ =	shalt  }
0x80: {  	_ =	shalt  }
0x81: {  	_ =	shalt  }
0x82: {  	_ =	shalt  }
0x83: {  	_ =	shalt  }
0x84: {  	_ =	shalt  }
0x85: {  	_ =	shalt  }
0x86: {  	_ =	shalt  }
0x87: {  	_ =	shalt  }
.Lfunc_end0:
.L_simem_size_0:
called_computation.4_lowered:
.L_overlay_start_0:
0x88: {  	s2 =	sld [smem:$0x3FD9]  }
0x89: {  	s3 =	sld [smem:$0x3FFE];
	_ =	sdelay $0x1  }
0x8a: {  	s1 =	srdreg.scid  }
0x8b: {  	s0 =	sand.u32 $0x1, s1  }
0x8c: {  	s17 =	sshll.u32 s0, $0xA;
	s2 =	sadd.s32 s3, s2  }
0x8d: {  	s2 =	sadd.s32 s2, s17  }
0x8e: {  	[smem:$0x3FB9] =	sst s2  }
0x8f: {  	_ = 	snop  }
0x90: {  	(tm) =	ssettm $0x1  }
0x91: {  	s18 =	sld [smem:$0x3FFB];
	_ =	sdelay $0x3  }
0x92: {  	_ =	strace s18  }
0x93: {  	s2 =	sld [smem:$0x3FFC];
	_ =	sdelay $0x3  }
0x94: {  	_ =	strace s2  }
0x95: {  	s2 =	sld [smem:$0x3FFD];
	_ =	sdelay $0x3  }
0x96: {  	_ =	strace s2  }
0x97: {  	_ =	strace $0x8FFFFFFF  }
0x98: {  	s19 =	sld [smem:$0x3FDB];
	_ =	sdelay $0x1  }
0x99: {  	s20 =	simm.s32 $_scs_section_size  }
0x9a: {  	s4 =	simm.s32 $_size__tile_overlayer_lowered;
	s5 =	simm.s32 $_tile_overlayer_lowered  }
0x9b: {  	s6 =	simm.s32 $0x1BFF;
	s21 =	sshll.u32 s5, $0x1;
	s3 =	sadd.s32 s20, s19  }
0x9c: {  	s22 =	simm.s32 $0x0;
	s4 =	sshll.u32 s4, $0x1;
	s5 =	sadd.s32 s21, s3  }
0x9d: {  	[timem:s22], [sflag:s6] =	dma.local [hbm:s5], s4  }
0x9e: {  	_ =	swait.ge [sflag:s6], s4  }
0x9f: {  	s4 =	ssub.s32 $0x0, s4;
	[sflag:s6] =	ssyncset.done $0x0  }
0xa0: {  	[sflag:s6] =	ssyncadd.s32 s4;
	_ =	sdelay $0x1  }
0xa1: {  	s23 =	simm.s32 $0x1B8B  }
0xa2: {  	_ =	swait.ge [sflag:s23], $0x1  }
0xa3: {  	[sflag:s23] =	ssyncset.done $0x0  }
0xa4: {  	[sflag:s23] =	ssyncadd.s32 $0xFFFFFFFF  }
0xa5: {  	s4 =	sld [smem:$0x0]  }
0xa6: {  	s5 =	sand.u32 $0xFFFFFFFE, s1  }
0xa7: {  	p0 =	sne.s32 s1, s5  }
0xa8: {  	s5 =	sshll.u32 @p0 s5, $0xE  }
0xa9: {  	s5 =	sadd.s32 @p0 $0x11B8D, s5;
	s6 =	sshll.u32 @p0 s4, $0x11  }
0xaa: {  	s5 =	sor.u32 @p0 s6, s5  }
0xab: {  	[sflag:s5] =	ssyncadd.remote.s32 @p0 $0x1;
	_ =	sdelay $0x1  }
0xac: {  	s5 =	simm.s32 @p0 $0x1B8D  }
0xad: {  	_ =	swait.eq @p0 [sflag:s5], $0x1  }
0xae: {  	[sflag:s5] =	ssyncadd.s32 @p0 $0xFFFFFFFF  }
0xaf: {  	s6 =	sshll.u32 @!p0 s1, $0xE  }
0xb0: {  	s6 =	sor.u32 @!p0 $0x4000, s6;
	s5 =	simm.s32 @!p0 $0x1B8D  }
0xb1: {  	s4 =	sshll.u32 @!p0 s4, $0x11;
	s6 =	sadd.s32 @!p0 $0x11B8D, s6;
	_ =	swait.eq @!p0 [sflag:s5], $0x1  }
0xb2: {  	s4 =	sor.u32 @!p0 s4, s6;
	[sflag:s5] =	ssyncadd.s32 @!p0 $0xFFFFFFFF  }
0xb3: {  	s25 =	simm.s32 $0x1B8E;
	s24 =	sld [smem:$0x3FFE];
	[sflag:s4] =	ssyncadd.remote.s32 @!p0 $0x1  }
0xb4: {  	s26 =	simm.s32 $execute0_lowered;
	[smem:$0x3FD2] =	sst s25  }
0xb5: {  	s5 =	sshll.u32 s26, $0x1;
	_ =	strace $0x80000058;
	[dreg:$0x1] =	wrdreg $0xFFFFFFFF  }
0xb6: {  	s28 =	simm.s32 $_size_execute0_lowered;
	s3 =	sadd.s32 s3, s5;
	[dreg:$0x0] =	wrdreg $0x0  }
0xb7: {  	s5 =	sshll.u32 s28, $0x1;
	[dreg:$0x2] =	wrdreg s3  }
0xb8: {  	[dreg:$0x3] =	wrdreg s5  }
0xb9: {  	[dreg:$0x4] =	wrdreg $0xC0  }
0xba: {  	_ =	task [dreg:s22], $0x5FFFF  }
0xbb: {  	[dreg:$0x1] =	wrdreg $0xFFFFFFFF  }
0xbc: {  	[dreg:$0x0] =	wrdreg $0x60  }
0xbd: {  	[dreg:$0x2] =	wrdreg s24  }
0xbe: {  	[dreg:$0x3] =	wrdreg $0x9  }
0xbf: {  	_ =	task.clear_ibuf [dreg:s22], $0x4FFFF;
	_ =	strace $0x90000058  }
0xc0: {  	s29 =	simm.s32 $0x9;
	_ =	strace $0x8000005A  }
0xc1: {  	_ =	swait.ge [sflag:s29], $0x1  }
0xc2: {  	[sflag:s29] =	ssyncadd.s32 $0xFFFFFFFF  }
0xc3: {  	_ =	strace $0x9000005A  }
0xc4: {  	_ =	sfence  }
0xc5: {  	s30 =	sld [smem:$0x0];
	_ =	sdelay $0x2  }
0xc6: {  	s31 =	sshll.u32 s1, $0xD;
	s1 =	sshrl.u32 s1, $0x2  }
0xc7: {  	s4 =	sand.u32 $0x4000, s31;
	s1 =	sadd.s32 s1, s30  }
0xc8: {  	s0 =	sor.u32 s4, s0;
	s1 =	sshll.u32 s1, $0x11  }
0xc9: {  	s0 =	sor.u32 s1, s0  }
0xca: {  	s0 =	sadd.s32 $0x8F2B, s0  }
0xcb: {  	[sflag:s0] =	ssyncadd.remote.s32 $0x1  }
0xcc: {  	_ =	sfence.sel $0xFFFF  }
0xcd: {  	[dreg:$0x0] =	wrdreg $0xFFFFFFFF;
	(pc) =	sbr.abs _section_cstart, $3  }
0xce: {  	[dreg:$0x1] =	wrdreg $0xFFFFFFFF  }
0xcf: {  	_ =	task.clear_ibuf [dreg:s22], $0x2FFFF;
	_ =	strace $0x9FFFFFFF  }
0xd0: {  	(tm) =	ssettm $0x7FFFFFFF  }
0xd1: {  	_ =	shalt  }
tec
execute0_lowered:
.L_overlay_start_1:
0x0: {  	(tag) =	ssettag $0x1  }
0x1: {  	s7 =	rddreg [dreg:$0x0]  }
0x2: {  	s1 =	srdreg.scid;
	s0 =	rddreg [dreg:$0x1]  }
0x3: {  	_ =	strace $0x80000059;
	s3 =	simm.s32 $0x1;
	s5 =	simm.s32 $0x2  }
0x4: {  	s9 =	simm.s32 $0x3;
	s11 =	simm.s32 $0x0;
	s2 =	sshll.u32 s1, $0x4  }
.Ltmp0:
0x5: {  	s1 =	stileid.u32;
	s4 =	sand.u32 $0x10, s2;
	(pc) =	sbr.rel .LBB2_1-.Ltmp0, $4  }
0x6: {  	p0 =	por $0x0, $0x0;
	[sflag:s3] =	ssyncpa.u1 $0x0;
	s4 =	sor.u32 s1, s4  }
0x7: {  	s6 =	sadd.s32 $0xBA00, s7;
	[sflag:s5] =	ssyncpa.u1 $0x0;
	s4 =	smul.u32 $0xC00, s4  }
0x8: {  	s2 =	sadd.s32 $0x36BC00, s7;
	s7 =	sadd.s32 $0x11A00, s7;
	[sflag:s9] =	ssyncpa.u1 $0x0  }
0x9: {  	vm0 =	vmmov $0xff;
	vm1 =	vcmask $0x3F20;
	s9 =	simm.s32 $0x0;
	s8 =	sadd.s32 $0xC00, s4;
	s10 =	smov.u32 s4  }
.LBB2_6:
0xa: {  	[hbm:s15] =	stream.linear.scatter [tilespmem:s12], [sflag:$0x3], $0x400, $0x38;
	[tilespmem:$0x18300] =	vst v63  }
.LBB2_7:
0xb: {  	p1 =	slt.u32 s9, $0x2;
	s11 =	sadd.s32 $0x180, s10  }
0xc: {  	s13 =	smov.u32 s4;
	s9 =	sadd.s32 $0x1, s9;
	p2 =	slt.s32 s11, s8  }
0xd: {  	s13 =	smov.u32 @p2 s11;
	p2 =	sne.s32 s9, $0xA  }
.Ltmp1:
0xe: {  	_ = 	snop;
	(pc) =	sbr.rel @!p2 .LBB2_8-.Ltmp1, $4  }
0xf: {  	s12 =	simm.s32 @!p1 $0x3  }
0x10: {  	_ =	swait.ge @!p1 [sflag:s12], $0xC000  }
0x11: {  	p0 =	por !p0, !p0;
	[sflag:s12] =	ssyncset.done @!p1 $0x0  }
0x12: {  	s11 =	smov.u32 s10;
	s10 =	smov.u32 s13;
	[sflag:s12] =	ssyncadd.s32 @!p1 $0xFFFF4000  }
.LBB2_1:
0x13: {  	p1 =	sgt.u32 s9, $0x7  }
0x14: {  	s12 =	sxor.u32 @!p1 $0xFFFFFFFF, s9  }
0x15: {  	s12 =	sand.u32 @!p1 $0x1, s12  }
0x16: {  	s12 =	smul.u32 @!p1 $0x600, s12  }
0x17: {  	s31 =	sadd.s32 $0xFFFFFFFF, s9;
	s13 =	sshrl.u32 @!p1 s10, $0x3  }
0x18: {  	s14 =	sand.u32 @!p1 $0x7, s10;
	s13 =	sadd.s32 @!p1 s6, s13;
	s12 =	sshrl.u32 @!p1 s12, $0x2  }
0x19: {  	[tilespmem:s12], [sflag:$0x2] =	stream.linear.gather @!p1 [hbm4b:s13+s14], $0x180, $0x38;
	[tilespmem:$0x18300] =	vst v63  }
0x1a: {  	p1 =	sgt.u32 s31, $0x7  }
.Ltmp2:
0x1b: {  	_ = 	snop;
	(pc) =	sbr.rel @p1 .LBB2_7-.Ltmp2, $1  }
0x1c: {  	_ =	sdelay $0x3  }
0x1d: {  	s12 =	simm.s32 $0x1  }
0x1e: {  	s12 =	simm.s32 @!p0 $0x0  }
0x1f: {  	s13 =	smul.u32 $0x600, s12  }
0x20: {  	_ =	swait.ge [sflag:s5], $0x180  }
0x21: {  	[sflag:s5] =	ssyncset.done $0x0;
	s14 =	sshrl.u32 s13, $0x2  }
0x22: {  	[sflag:s5] =	ssyncadd.s32 $0xFFFFFE80;
	s13 =	sadd.s32 $0x0, s14  }
0x23: {  	v0 =	vld.msk [tilespmem:s13+$0x0 ss:$0x1], $0xffff;
	_ =	sdelay $0x4  }
0x24: {  	vm2 =	vgt.s32 v0, $0x0  }
0x25: {  	v0 =	vnsel vm2, $0x0, v0  }
0x26: {  	v0 =	vmin.u32 v0, $0x17FFF  }
0x27: {  	v0 =	vshll.u32 v0, $0x4  }
0x28: {  	s12 =	smul.u32 $0x30000, s12;
	_ =	sdelay $0x1  }
0x29: {  	s12 =	sshrl.u32 s12, $0x2  }
0x2a: {  	s12 =	sor.u32 $0x300, s12  }
0x2b: {  	[tilespmem:s12], [sflag:$0x1] =	stream.indirect_vreg.gather [hbm:s2], $0x80, v0, vm0, $0x38;
	[tilespmem:$0x18300] =	vst v63  }
0x2c: {  	s15 =	sadd.s32 $0x10, s14;
	s13 =	sadd.s32 $0x400, s12  }
0x2d: {  	[tilespmem:s13], [sflag:$0x1] =	stream.indirect_vreg.gather [hbm:s2], $0x80, v0, vm1, $0x38;
	[tilespmem:$0x18300] =	vst v63  }
0x2e: {  	s16 =	simm.s32 $0x80;
	v0 =	vld.msk [tilespmem:s15+$0x0 ss:$0x1], $0xffff;
	s15 =	smov.u32 s12  }
.LBB2_3:
0x2f: {  	p1 =	sne.s32 s16, $0x5C0;
	_ =	sdelay $0x4  }
0x30: {  	vm2 =	vgt.s32 v0, $0x0  }
0x31: {  	v0 =	vnsel vm2, $0x0, v0  }
0x32: {  	v0 =	vmin.u32 v0, $0x17FFF  }
0x33: {  	v0 =	vshll.u32 v0, $0x4;
	_ =	sdelay $0x3  }
.Ltmp3:
0x34: {  	s17 =	sshra.s32 s16, $0x2;
	s15 =	sadd.s32 $0x800, s15;
	(pc) =	sbr.rel @p1 .LBB2_3-.Ltmp3, $4  }
0x35: {  	[tilespmem:s15], [sflag:$0x1] =	stream.indirect_vreg.gather [hbm:s2], $0x80, v0, vm0, $0x38;
	[tilespmem:$0x18300] =	vst v63  }
0x36: {  	s17 =	sadd.s32 s17, s14;
	s18 =	sadd.s32 $0x400, s15  }
0x37: {  	[tilespmem:s18], [sflag:$0x1] =	stream.indirect_vreg.gather [hbm:s2], $0x80, v0, vm1, $0x38;
	[tilespmem:$0x18300] =	vst v63  }
0x38: {  	s16 =	sadd.s32 $0x40, s16;
	v0 =	vld.msk [tilespmem:s17+$0x0 ss:$0x1], $0xffff  }
0x39: {  	_ =	sdelay $0x3  }
0x3a: {  	vm2 =	vgt.s32 v0, $0x0  }
0x3b: {  	v0 =	vnsel vm2, $0x0, v0  }
0x3c: {  	v0 =	vmin.u32 v0, $0x17FFF  }
0x3d: {  	v0 =	vshll.u32 v0, $0x4;
	_ =	sdelay $0x3  }
0x3e: {  	s14 =	sadd.s32 $0x800, s15  }
0x3f: {  	[tilespmem:s14], [sflag:$0x1] =	stream.indirect_vreg.gather [hbm:s2], $0x80, v0, vm0, $0x38;
	[tilespmem:$0x18300] =	vst v63  }
0x40: {  	s14 =	sadd.s32 $0x400, s14  }
0x41: {  	[tilespmem:s14], [sflag:$0x1] =	stream.indirect_vreg.gather [hbm:s2], $0x80, v0, vm1, $0x38;
	[tilespmem:$0x18300] =	vst v63  }
0x42: {  	s11 =	sshll.u32 s11, $0x4;
	_ =	swait.ge [sflag:s3], $0xC000  }
0x43: {  	s11 =	sadd.s32 s11, s7;
	[sflag:s3] =	ssyncset.done $0x0  }
0x44: {  	s15 =	sadd.s32 $0x0, s11;
	s14 =	simm.s32 $0x80;
	[sflag:s3] =	ssyncadd.s32 $0xFFFF4000  }
.LBB2_5:
0x45: {  	[hbm:s15] =	stream.linear.scatter [tilespmem:s12], [sflag:$0x3], $0x400, $0x38;
	[tilespmem:$0x18300] =	vst v63  }
0x46: {  	s15 =	smov.u32 s14;
	s12 =	smov.u32 s13;
	p1 =	sne.s32 s14, $0x1780  }
.Ltmp4:
0x47: {  	s14 =	sadd.s32 $0x80, s14;
	(pc) =	sbr.rel @p1 .LBB2_5-.Ltmp4, $2  }
0x48: {  	_ =	sdelay $0x2  }
0x49: {  	s13 =	sadd.s32 $0x400, s13;
	s15 =	sadd.s32 s15, s11  }
.Ltmp5:
0x4a: {  	_ = 	snop;
	(pc) =	sbr.rel .LBB2_6-.Ltmp5, $1  }
0x4b: {  	_ =	sdelay $0x3  }
.LBB2_8:
0x4c: {  	_ =	sfence.sel $0x180000  }
0x4d: {  	s2 =	simm.s32 $0x2;
	[bflag:$0x0] =	sbarrier.arrive $0xFFFF  }
0x4e: {  	s30 =	simm.s32 $0x3;
	[sflag:s2] =	ssyncpa.u1 $0x1  }
0x4f: {  	s31 =	simm.s32 $0x1;
	[sflag:s30] =	ssyncpa.u1 $0x1  }
0x50: {  	[sflag:s31] =	ssyncpa.u1 $0x1  }
0x51: {  	p0 =	sne.s32 s1, $0x0;
	_ =	strace $0x90000059  }
0x52: {  	s0 =	sadd.s32 @!p0 $0x100000, s0;
	[bflag:$0x2] =	sbarrier.arrive $0xFFFF  }
0x53: {  	[sflag:s0] =	ssyncadd.tile.s32 @!p0 $0x1;
	_ =	shalt  }
.Lfunc_end2:
_tile_overlayer_lowered:
.L_overlay_start_2:
0x54: {  	(tag) =	ssettag $0x2  }
0x55: {  	s0 =	rddreg [dreg:$0x0];
	s2 =	stileid.u32  }
0x56: {  	s1 =	rddreg [dreg:$0x1];
	p0 =	sne.s32 s2, $0x0  }
0x57: {  	s3 =	rddreg [dreg:$0x2];
	[bflag:$0x3] =	sbarrier.arrive $0xFFFF;
	s2 =	simm.s32 @!p0 $0x1C01  }
0x58: {  	[timem:s3], [sflag:s2] =	dma.local @!p0 [hbm:s0], s1  }
0x59: {  	s0 =	simm.s32 @!p0 $0x1  }
0x5a: {  	_ =	swait.ge @!p0 [sflag:s0], s1  }
0x5b: {  	s1 =	ssub.s32 @!p0 $0x0, s1;
	[sflag:s0] =	ssyncset.done @!p0 $0x0  }
0x5c: {  	[sflag:s0] =	ssyncadd.s32 @!p0 s1  }
0x5d: {  	[bflag:$0x3] =	sbarrier.arrive $0xFFFF  }
0x5e: {  	_ =	shalt  }

// kernel: gather_offload_async_start.5
scs
__scs_entry_jumppad:
0x0: {  	(pc) =	sbr.rel $0x88, $3  }
0x1: {  	(tag) =	ssettag $0x0;
	lr =	simm.s32 $0x1  }
0x2: {  	[smem:$0x3F92] =	sst lr;
	_ =	strace $0xD0000000  }
0x3: {  	_ = 	snop  }
0x4: {  	_ = 	snop  }
0x5: {  	_ = 	snop  }
0x6: {  	_ = 	snop  }
0x7: {  	_ = 	snop  }
__scs_overlays_trampoline_lowered:
0x8: {  	[smem:$0x3FA1] =	sst s0  }
0x9: {  	[smem:$0x3FA2] =	sst s1  }
0xa: {  	[smem:$0x3FA3] =	sst s2  }
0xb: {  	[smem:$0x3FA4] =	sst s3  }
0xc: {  	[smem:$0x3FA5] =	sst s4  }
0xd: {  	[smem:$0x3FA6] =	sst s5  }
0xe: {  	[smem:$0x3FA7] =	sst s6  }
0xf: {  	[smem:$0x3FA8] =	sst s7  }
0x10: {  	[smem:$0x3FA9] =	sst s8  }
0x11: {  	[smem:$0x3FAA] =	sst s9;
	s0 =	simm.s32 @!p0 $0x0  }
0x12: {  	s1 =	sld [smem:$0x3F90];
	s0 =	simm.s32 @p0 $0x1  }
0x13: {  	[smem:$0x3FAB] =	sst s0;
	s0 =	simm.s32 @!p1 $0x0  }
0x14: {  	s2 =	sld [smem:$0x3F8F];
	s0 =	simm.s32 @p1 $0x1  }
0x15: {  	[smem:$0x3FAC] =	sst s0;
	s0 =	simm.s32 @!p2 $0x0  }
0x16: {  	s3 =	sld [smem:$0x3FDB];
	s0 =	simm.s32 @p2 $0x1  }
0x17: {  	s4 =	simm.s32 $0x1BF5;
	[smem:$0x3FAE] =	sst s0  }
0x18: {  	s0 =	sld [smem:$0x3F91];
	_ =	swait.ge [sflag:s4], $0x0  }
0x19: {  	s7 =	sld [smem:$0x3F92]  }
0x1a: {  	s8 =	sadd.s32 $0xFFFFE003, lr  }
0x1b: {  	s9 =	sadd.s32 $0xFFFFFEF7, lr;
	s5 =	simm.s32 $0xFFFFFFFF;
	p2 =	slt.u32 s8, $0xFFFFF086  }
0x1c: {  	p1 =	slt.u32 s9, $0xF7A;
	s5 =	simm.s32 @!p2 $0x0  }
0x1d: {  	s5 =	simm.s32 @p1 $0x1;
	p0 =	seq.s32 s7, s2  }
0x1e: {  	s7 =	smul.u32 @!p0 $0xF7A, s2;
	p2 =	seq.s32 @!p0 s5, $0x0  }
0x1f: {  	s9 =	smul.u32 $0xF7A, s1;
	s8 =	simm.s32 @!p0 $0x1BF5;
	p2 =	por !p2, p0  }
0x20: {  	[sflag:s8] =	ssyncset.s32 @!p0 $0xFFFFF086;
	s6 =	sadd.s32 @!p0 s3, s7;
	s7 =	simm.s32 @!p0 $0x108  }
0x21: {  	s3 =	sadd.s32 s3, s9;
	s6 =	sadd.s32 @!p0 $0x88, s6;
	s7 =	simm.s32 @p2 $0x1082  }
0x22: {  	[simem:s7], [sflag:s8] =	dma.local @!p0 [hbm:s6], $0xF7A  }
0x23: {  	s9 =	sor.u32 $0xD0000000, s2;
	s6 =	simm.s32 $0x108;
	_ =	swait.ge @!p0 [sflag:s8], $0x0  }
0x24: {  	s3 =	sadd.s32 $0x88, s3;
	s6 =	simm.s32 @!p1 $0x1082;
	[sflag:s4] =	ssyncset.s32 $0xFFFFF086  }
0x25: {  	[simem:s6], [sflag:s4] =	dma.local [hbm:s3], $0xF7A  }
0x26: {  	[smem:$0x3F92] =	sst s1;
	(tag) =	ssettag s2;
	_ =	strace s9  }
0x27: {  	s1 =	sld [smem:$0x3FA2]  }
0x28: {  	s2 =	sld [smem:$0x3FA3]  }
0x29: {  	s4 =	sld [smem:$0x3FA5]  }
0x2a: {  	p0 =	seq.s32 s5, $0x0;
	s5 =	sld [smem:$0x3FA6]  }
0x2b: {  	s6 =	sld [smem:$0x3FA7]  }
0x2c: {  	s7 =	sld [smem:$0x3FA8]  }
0x2d: {  	s3 =	simm.s32 $0x108;
	s8 =	sld [smem:$0x3FA9]  }
0x2e: {  	s3 =	simm.s32 @!p0 $0x1082;
	s9 =	sld [smem:$0x3FAA]  }
0x2f: {  	lr =	sadd.s32 s0, s3;
	s0 =	sld [smem:$0x3FA1]  }
0x30: {  	s3 =	sld [smem:$0x3FA4]  }
0x31: {  	[smem:$0x3FAD] =	sst s10  }
0x32: {  	s10 =	sld [smem:$0x3FAB];
	_ =	sdelay $0x3  }
0x33: {  	p0 =	seq.s32 s10, $0x1;
	s10 =	sld [smem:$0x3FAD];
	_ =	sdelay $0x3  }
0x34: {  	[smem:$0x3FAD] =	sst s10  }
0x35: {  	s10 =	sld [smem:$0x3FAC];
	_ =	sdelay $0x3  }
0x36: {  	p1 =	seq.s32 s10, $0x1;
	s10 =	sld [smem:$0x3FAD];
	_ =	sdelay $0x3  }
0x37: {  	[smem:$0x3FAD] =	sst s10  }
0x38: {  	s10 =	sld [smem:$0x3FAE]  }
0x39: {  	_ = 	snop;
	(pc) =	sbr.ind lr, $3  }
0x3a: {  	_ = 	snop  }
0x3b: {  	_ = 	snop  }
0x3c: {  	p2 =	seq.s32 s10, $0x1;
	s10 =	sld [smem:$0x3FAD]  }
0x3d: {  	_ =	shalt  }
0x3e: {  	_ =	shalt  }
0x3f: {  	_ =	shalt  }
0x40: {  	_ =	shalt  }
0x41: {  	_ =	shalt  }
0x42: {  	_ =	shalt  }
0x43: {  	_ =	shalt  }
0x44: {  	_ =	shalt  }
0x45: {  	_ =	shalt  }
0x46: {  	_ =	shalt  }
0x47: {  	_ =	shalt  }
0x48: {  	_ =	shalt  }
0x49: {  	_ =	shalt  }
0x4a: {  	_ =	shalt  }
0x4b: {  	_ =	shalt  }
0x4c: {  	_ =	shalt  }
0x4d: {  	_ =	shalt  }
0x4e: {  	_ =	shalt  }
0x4f: {  	_ =	shalt  }
0x50: {  	_ =	shalt  }
0x51: {  	_ =	shalt  }
0x52: {  	_ =	shalt  }
0x53: {  	_ =	shalt  }
0x54: {  	_ =	shalt  }
0x55: {  	_ =	shalt  }
0x56: {  	_ =	shalt  }
0x57: {  	_ =	shalt  }
0x58: {  	_ =	shalt  }
0x59: {  	_ =	shalt  }
0x5a: {  	_ =	shalt  }
0x5b: {  	_ =	shalt  }
0x5c: {  	_ =	shalt  }
0x5d: {  	_ =	shalt  }
0x5e: {  	_ =	shalt  }
0x5f: {  	_ =	shalt  }
0x60: {  	_ =	shalt  }
0x61: {  	_ =	shalt  }
0x62: {  	_ =	shalt  }
0x63: {  	_ =	shalt  }
0x64: {  	_ =	shalt  }
0x65: {  	_ =	shalt  }
0x66: {  	_ =	shalt  }
0x67: {  	_ =	shalt  }
0x68: {  	_ =	shalt  }
0x69: {  	_ =	shalt  }
0x6a: {  	_ =	shalt  }
0x6b: {  	_ =	shalt  }
0x6c: {  	_ =	shalt  }
0x6d: {  	_ =	shalt  }
0x6e: {  	_ =	shalt  }
0x6f: {  	_ =	shalt  }
0x70: {  	_ =	shalt  }
0x71: {  	_ =	shalt  }
0x72: {  	_ =	shalt  }
0x73: {  	_ =	shalt  }
0x74: {  	_ =	shalt  }
0x75: {  	_ =	shalt  }
0x76: {  	_ =	shalt  }
0x77: {  	_ =	shalt  }
0x78: {  	_ =	shalt  }
0x79: {  	_ =	shalt  }
0x7a: {  	_ =	shalt  }
0x7b: {  	_ =	shalt  }
0x7c: {  	_ =	shalt  }
0x7d: {  	_ =	shalt  }
0x7e: {  	_ =	shalt  }
0x7f: {  	_ =	shalt  }
0x80: {  	_ =	shalt  }
0x81: {  	_ =	shalt  }
0x82: {  	_ =	shalt  }
0x83: {  	_ =	shalt  }
0x84: {  	_ =	shalt  }
0x85: {  	_ =	shalt  }
0x86: {  	_ =	shalt  }
0x87: {  	_ =	shalt  }
.Lfunc_end0:
.L_simem_size_0:
called_computation.5_lowered:
.L_overlay_start_0:
0x88: {  	s2 =	sld [smem:$0x3FD9]  }
0x89: {  	s3 =	sld [smem:$0x3FFE];
	_ =	sdelay $0x1  }
0x8a: {  	s1 =	srdreg.scid  }
0x8b: {  	s0 =	sand.u32 $0x1, s1  }
0x8c: {  	s17 =	sshll.u32 s0, $0xA;
	s2 =	sadd.s32 s3, s2  }
0x8d: {  	s2 =	sadd.s32 s2, s17  }
0x8e: {  	[smem:$0x3FB9] =	sst s2  }
0x8f: {  	_ = 	snop  }
0x90: {  	s2 =	sld [smem:$0x3FD0];
	(tm) =	ssettm $0x1  }
0x91: {  	s18 =	sld [smem:$0x3FFB];
	_ =	sdelay $0x3  }
0x92: {  	_ =	strace s18  }
0x93: {  	s3 =	sld [smem:$0x3FFC];
	_ =	sdelay $0x3  }
0x94: {  	_ =	strace s3  }
0x95: {  	s3 =	sld [smem:$0x3FFD];
	_ =	sdelay $0x3  }
0x96: {  	_ =	strace s3  }
0x97: {  	_ =	strace $0x8FFFFFFF  }
0x98: {  	s19 =	sld [smem:$0x3FDB];
	_ =	sdelay $0x1  }
0x99: {  	s4 =	simm.s32 $_scs_section_size  }
0x9a: {  	s5 =	simm.s32 $_size__tile_overlayer_lowered;
	s6 =	simm.s32 $_tile_overlayer_lowered  }
0x9b: {  	s22 =	simm.s32 $0x1BFF;
	s21 =	sshll.u32 s6, $0x1;
	s3 =	sadd.s32 s4, s19  }
0x9c: {  	s7 =	simm.s32 $0x0;
	s20 =	sshll.u32 s5, $0x1;
	s5 =	sadd.s32 s21, s3  }
0x9d: {  	[timem:s7], [sflag:s22] =	dma.local [hbm:s5], s20  }
0x9e: {  	_ =	swait.ge [sflag:s22], s20  }
0x9f: {  	s4 =	ssub.s32 $0x0, s20;
	[sflag:s22] =	ssyncset.done $0x0  }
0xa0: {  	[sflag:s22] =	ssyncadd.s32 s4;
	_ =	sdelay $0x1  }
0xa1: {  	s23 =	simm.s32 $0x1B8B  }
0xa2: {  	_ =	swait.ge [sflag:s23], $0x1  }
0xa3: {  	[sflag:s23] =	ssyncset.done $0x0  }
0xa4: {  	s25 =	simm.s32 $0x1B8E;
	s24 =	sld [smem:$0x3FFE];
	[sflag:s23] =	ssyncadd.s32 $0xFFFFFFFF  }
0xa5: {  	s26 =	simm.s32 $execute0_lowered;
	[smem:$0x3FD2] =	sst s25  }
0xa6: {  	s5 =	sshll.u32 s26, $0x1;
	_ =	strace $0x80000055;
	[dreg:$0x1] =	wrdreg $0xFFFFFFFF  }
0xa7: {  	s28 =	simm.s32 $_size_execute0_lowered;
	s3 =	sadd.s32 s3, s5;
	[dreg:$0x0] =	wrdreg $0x0  }
0xa8: {  	s5 =	sshll.u32 s28, $0x1;
	[dreg:$0x2] =	wrdreg s3  }
0xa9: {  	[dreg:$0x3] =	wrdreg s5  }
0xaa: {  	[dreg:$0x4] =	wrdreg $0xC0  }
0xab: {  	_ =	task [dreg:s7], $0x5FFFF  }
0xac: {  	[dreg:$0x1] =	wrdreg $0xFFFFFFFF  }
0xad: {  	[dreg:$0x0] =	wrdreg $0x60  }
0xae: {  	[dreg:$0x2] =	wrdreg s2  }
0xaf: {  	[dreg:$0x3] =	wrdreg s24  }
0xb0: {  	[dreg:$0x4] =	wrdreg $0xA  }
0xb1: {  	_ =	task.clear_ibuf [dreg:s7], $0x5FFFF;
	_ =	strace $0x90000055  }
0xb2: {  	s29 =	simm.s32 $0xA;
	_ =	strace $0x80000057  }
0xb3: {  	_ =	swait.ge [sflag:s29], $0x1  }
0xb4: {  	[sflag:s29] =	ssyncadd.s32 $0xFFFFFFFF  }
0xb5: {  	_ =	strace $0x90000057  }
0xb6: {  	_ =	sfence  }
0xb7: {  	s30 =	sld [smem:$0x0];
	_ =	sdelay $0x2  }
0xb8: {  	s31 =	sshll.u32 s1, $0xD;
	s1 =	sshrl.u32 s1, $0x2  }
0xb9: {  	s3 =	sand.u32 $0x4000, s31;
	s1 =	sadd.s32 s1, s30  }
0xba: {  	s0 =	sor.u32 s3, s0;
	s1 =	sshll.u32 s1, $0x11  }
0xbb: {  	s0 =	sor.u32 s1, s0  }
0xbc: {  	s0 =	sadd.s32 $0x8F2B, s0  }
0xbd: {  	[sflag:s0] =	ssyncadd.remote.s32 $0x1  }
0xbe: {  	_ =	sfence.sel $0xFFFF  }
0xbf: {  	[dreg:$0x0] =	wrdreg $0xFFFFFFFF;
	(pc) =	sbr.abs _section_cstart, $3  }
0xc0: {  	[dreg:$0x1] =	wrdreg $0xFFFFFFFF  }
0xc1: {  	_ =	task.clear_ibuf [dreg:s7], $0x2FFFF;
	_ =	strace $0x9FFFFFFF  }
0xc2: {  	(tm) =	ssettm $0x7FFFFFFF  }
0xc3: {  	_ =	shalt  }
tec
execute0_lowered:
.L_overlay_start_1:
0x0: {  	(tag) =	ssettag $0x1  }
0x1: {  	s1 =	srdreg.scid;
	s2 =	rddreg [dreg:$0x0]  }
0x2: {  	s0 =	stileid.u32;
	s5 =	rddreg [dreg:$0x1];
	s6 =	simm.s32 $0x1  }
0x3: {  	s9 =	simm.s32 $0x1;
	s10 =	simm.s32 $0x3;
	s1 =	sshll.u32 s1, $0xB  }
0x4: {  	s13 =	simm.s32 $0x0;
	s3 =	sshll.u32 s0, $0xC;
	s4 =	sand.u32 $0x800, s1  }
0x5: {  	s12 =	simm.s32 $0x0;
	s1 =	rddreg [dreg:$0x2];
	s3 =	sor.u32 s3, s4  }
0x6: {  	_ =	strace $0x80000056;
	s4 =	sadd.s32 $0xBA00, s5;
	s8 =	ssub.s32 $0x18000, s3  }
.Ltmp0:
0x7: {  	s5 =	sadd.s32 $0xEA00, s5;
	s7 =	sand.u32 $0xF800, s8;
	(pc) =	sbr.rel .LBB2_1-.Ltmp0, $4  }
0x8: {  	[sflag:s6] =	ssyncpa.u1 $0x0;
	s11 =	smov.u32 s3;
	p0 =	sne.s32 s7, $0x0  }
0x9: {  	s8 =	sshrl.u32 s8, $0x10;
	s7 =	simm.s32 $0x2;
	s9 =	simm.s32 @!p0 $0x0  }
0xa: {  	[sflag:s7] =	ssyncpa.u1 $0x0;
	p0 =	por $0x0, $0x0;
	s8 =	sadd.s32 s9, s8  }
0xb: {  	vm0 =	vmmov $0xffff;
	[sflag:s10] =	ssyncpa.u1 $0x0;
	s10 =	simm.s32 $0x0;
	s9 =	sadd.s32 $0x1, s8  }
.LBB2_4:
0xc: {  	v2 =	vnsel vm1, $0x0, v2  }
0xd: {  	vm1 =	vgt.s32 v0, $0x0;
	v2 =	vmin.u32 v2, $0x17FFF  }
0xe: {  	v0 =	vnsel vm1, $0x0, v0  }
0xf: {  	v0 =	vmin.u32 v0, $0x17FFF  }
0x10: {  	[tilespmem:s15], [sflag:$0x1] =	stream.indirect_vreg.gather [hbm4b:s2+s10], $0x1, v1, vm0, $0x4038;
	[tilespmem:$0x2000] =	vst v63  }
0x11: {  	(ifvalue) =	ssetifvalue $0x7FFFFFFF  }
0x12: {  	[tilespmem:s16], [sflag:$0x1] =	stream.indirect_vreg.gather [hbm4b:s2+s10], $0x1, v2, vm0, $0x4038;
	[tilespmem:$0x2000] =	vst v63  }
0x13: {  	s29 =	sadd.s32 $0x10, s16;
	(ifvalue) =	ssetifvalue $0x7FFFFFFF  }
0x14: {  	[tilespmem:s29], [sflag:$0x1] =	stream.indirect_vreg.gather [hbm4b:s2+s10], $0x1, v0, vm0, $0x4038;
	[tilespmem:$0x2000] =	vst v63  }
0x15: {  	_ =	swait.ge [sflag:s6], $0x800  }
0x16: {  	s30 =	sshrl.u32 s13, $0x3;
	[sflag:s6] =	ssyncset.done $0x0  }
0x17: {  	s31 =	sand.u32 $0x7, s13;
	s15 =	sadd.s32 s5, s30;
	[sflag:s6] =	ssyncadd.s32 $0xFFFFF800  }
0x18: {  	[hbm4b:s15+s31] =	stream.linear.scatter [tilespmem:s14], [sflag:$0x3], $0x800, $0x38;
	[tilespmem:$0x2000] =	vst v63  }
.LBB2_5:
0x19: {  	s15 =	sadd.s32 $0x10000, s11  }
0x1a: {  	p2 =	sgt.s32 s15, $0x17FFF  }
0x1b: {  	s15 =	smov.u32 @p2 s3;
	p2 =	sne.s32 s12, s9  }
.Ltmp1:
0x1c: {  	p1 =	slt.u32 s12, $0x2;
	(pc) =	sbr.rel @!p2 .LBB2_6-.Ltmp1, $4  }
0x1d: {  	s14 =	simm.s32 @!p1 $0x3  }
0x1e: {  	s16 =	sadd.s32 $0x1, s12;
	_ =	swait.ge @!p1 [sflag:s14], $0x800  }
0x1f: {  	s13 =	smov.u32 s11;
	p0 =	por !p0, !p0;
	[sflag:s14] =	ssyncset.done @!p1 $0x0  }
0x20: {  	s12 =	smov.u32 s16;
	s11 =	smov.u32 s15;
	[sflag:s14] =	ssyncadd.s32 @!p1 $0xFFFFF800  }
.LBB2_1:
0x21: {  	p1 =	sge.u32 s12, s8  }
0x22: {  	s14 =	sxor.u32 @!p1 $0xFFFFFFFF, s12  }
0x23: {  	s31 =	sadd.s32 $0xFFFFFFFF, s12;
	s15 =	sshrl.u32 @!p1 s11, $0x3;
	s14 =	sshll.u32 @!p1 s14, $0xB  }
0x24: {  	s16 =	sand.u32 @!p1 $0x7, s11;
	s15 =	sadd.s32 @!p1 s4, s15;
	s14 =	sand.u32 @!p1 $0x800, s14  }
0x25: {  	[tilespmem:s14], [sflag:$0x2] =	stream.linear.gather @!p1 [hbm4b:s15+s16], $0x800, $0x38;
	[tilespmem:$0x2000] =	vst v63  }
0x26: {  	p1 =	sge.u32 s31, s8  }
.Ltmp2:
0x27: {  	_ = 	snop;
	(pc) =	sbr.rel @p1 .LBB2_5-.Ltmp2, $1  }
0x28: {  	_ =	sdelay $0x3  }
0x29: {  	s14 =	simm.s32 $0x1  }
0x2a: {  	_ =	swait.ge [sflag:s7], $0x800;
	s14 =	simm.s32 @!p0 $0x0  }
0x2b: {  	[sflag:s7] =	ssyncset.done $0x0;
	s14 =	sshll.u32 s14, $0xB  }
0x2c: {  	[sflag:s7] =	ssyncadd.s32 $0xFFFFF800;
	(ifvalue) =	ssetifvalue $0x7FFFFFFF;
	v0 =	vld.msk [tilespmem:s14+$0x0 ss:$0x1], $0xffff;
	_ =	sdelay $0x4  }
0x2d: {  	s15 =	sadd.s32 $0x10, s14;
	vm1 =	vgt.s32 v0, $0x0  }
0x2e: {  	v2 =	vld.msk [tilespmem:s15+$0x0 ss:$0x1], $0xffff;
	v1 =	vnsel vm1, $0x0, v0  }
0x2f: {  	v1 =	vmin.u32 v1, $0x17FFF;
	_ =	sdelay $0x1  }
0x30: {  	s16 =	sshll.u32 s12, $0xB;
	s18 =	simm.s32 $0x20  }
0x31: {  	s16 =	sand.u32 $0x800, s16;
	s17 =	sadd.s32 $0x10, s15;
	s15 =	sor.u32 $0x1000, s14  }
0x32: {  	s14 =	sor.u32 $0x1000, s16;
	s16 =	sadd.s32 $0x10, s15;
	v0 =	vld.msk [tilespmem:s17+$0x0 ss:$0x1], $0xffff;
	vm1 =	vgt.s32 v2, $0x0;
	(ifvalue) =	ssetifvalue $0x7FFFFFFF  }
.LBB2_3:
0x33: {  	[tilespmem:s15], [sflag:$0x1] =	stream.indirect_vreg.gather [hbm4b:s2+s10], $0x1, v1, vm0, $0x4038;
	[tilespmem:$0x2000] =	vst v63  }
0x34: {  	s18 =	sadd.s32 $0x10, s18  }
0x35: {  	v2 =	vnsel vm1, $0x0, v2;
	p1 =	slt.u32 s18, $0x7F0  }
.Ltmp3:
0x36: {  	s15 =	smov.u32 s16;
	v1 =	vmin.u32 v2, $0x17FFF;
	(pc) =	sbr.rel @p1 .LBB2_3-.Ltmp3, $3  }
0x37: {  	_ =	sdelay $0x1  }
0x38: {  	s17 =	sadd.s32 $0x10, s17  }
0x39: {  	vm1 =	vgt.s32 v0, $0x0;
	s16 =	sadd.s32 $0x10, s16;
	v2 =	vmov v0;
	(ifvalue) =	ssetifvalue $0x7FFFFFFF;
	v0 =	vld.msk [tilespmem:s17+$0x0 ss:$0x1], $0xffff  }
.Ltmp4:
0x3a: {  	_ = 	snop;
	(pc) =	sbr.rel .LBB2_4-.Ltmp4, $1  }
0x3b: {  	_ =	sdelay $0x3  }
.LBB2_6:
0x3c: {  	_ =	sfence.sel $0x180000  }
0x3d: {  	s2 =	simm.s32 $0x2;
	[bflag:$0x0] =	sbarrier.arrive $0xFFFF  }
0x3e: {  	s30 =	simm.s32 $0x3;
	[sflag:s2] =	ssyncpa.u1 $0x1  }
0x3f: {  	s31 =	simm.s32 $0x1;
	[sflag:s30] =	ssyncpa.u1 $0x1  }
0x40: {  	[sflag:s31] =	ssyncpa.u1 $0x1  }
0x41: {  	p0 =	sne.s32 s0, $0x0;
	_ =	strace $0x90000056  }
0x42: {  	s0 =	sadd.s32 @!p0 $0x100000, s1;
	[bflag:$0x2] =	sbarrier.arrive $0xFFFF  }
0x43: {  	[sflag:s0] =	ssyncadd.tile.s32 @!p0 $0x1;
	_ =	shalt  }
.Lfunc_end2:
_tile_overlayer_lowered:
.L_overlay_start_2:
0x44: {  	(tag) =	ssettag $0x2  }
0x45: {  	s0 =	rddreg [dreg:$0x0];
	s2 =	stileid.u32  }
0x46: {  	s1 =	rddreg [dreg:$0x1];
	p0 =	sne.s32 s2, $0x0  }
0x47: {  	s3 =	rddreg [dreg:$0x2];
	[bflag:$0x3] =	sbarrier.arrive $0xFFFF;
	s2 =	simm.s32 @!p0 $0x1C01  }
0x48: {  	[timem:s3], [sflag:s2] =	dma.local @!p0 [hbm:s0], s1  }
0x49: {  	s0 =	simm.s32 @!p0 $0x1  }
0x4a: {  	_ =	swait.ge @!p0 [sflag:s0], s1  }
0x4b: {  	s1 =	ssub.s32 @!p0 $0x0, s1;
	[sflag:s0] =	ssyncset.done @!p0 $0x0  }
0x4c: {  	[sflag:s0] =	ssyncadd.s32 @!p0 s1  }
0x4d: {  	[bflag:$0x3] =	sbarrier.arrive $0xFFFF  }
0x4e: {  	_ =	shalt  }

// kernel: gather_offload_async_start
scs
__scs_entry_jumppad:
0x0: {  	(pc) =	sbr.rel $0x88, $3  }
0x1: {  	(tag) =	ssettag $0x0;
	lr =	simm.s32 $0x1  }
0x2: {  	[smem:$0x3F92] =	sst lr;
	_ =	strace $0xD0000000  }
0x3: {  	_ = 	snop  }
0x4: {  	_ = 	snop  }
0x5: {  	_ = 	snop  }
0x6: {  	_ = 	snop  }
0x7: {  	_ = 	snop  }
__scs_overlays_trampoline_lowered:
0x8: {  	[smem:$0x3FA1] =	sst s0  }
0x9: {  	[smem:$0x3FA2] =	sst s1  }
0xa: {  	[smem:$0x3FA3] =	sst s2  }
0xb: {  	[smem:$0x3FA4] =	sst s3  }
0xc: {  	[smem:$0x3FA5] =	sst s4  }
0xd: {  	[smem:$0x3FA6] =	sst s5  }
0xe: {  	[smem:$0x3FA7] =	sst s6  }
0xf: {  	[smem:$0x3FA8] =	sst s7  }
0x10: {  	[smem:$0x3FA9] =	sst s8  }
0x11: {  	[smem:$0x3FAA] =	sst s9;
	s0 =	simm.s32 @!p0 $0x0  }
0x12: {  	s1 =	sld [smem:$0x3F90];
	s0 =	simm.s32 @p0 $0x1  }
0x13: {  	[smem:$0x3FAB] =	sst s0;
	s0 =	simm.s32 @!p1 $0x0  }
0x14: {  	s2 =	sld [smem:$0x3F8F];
	s0 =	simm.s32 @p1 $0x1  }
0x15: {  	[smem:$0x3FAC] =	sst s0;
	s0 =	simm.s32 @!p2 $0x0  }
0x16: {  	s3 =	sld [smem:$0x3FDB];
	s0 =	simm.s32 @p2 $0x1  }
0x17: {  	s4 =	simm.s32 $0x1BF5;
	[smem:$0x3FAE] =	sst s0  }
0x18: {  	s0 =	sld [smem:$0x3F91];
	_ =	swait.ge [sflag:s4], $0x0  }
0x19: {  	s7 =	sld [smem:$0x3F92]  }
0x1a: {  	s8 =	sadd.s32 $0xFFFFE003, lr  }
0x1b: {  	s9 =	sadd.s32 $0xFFFFFEF7, lr;
	s5 =	simm.s32 $0xFFFFFFFF;
	p2 =	slt.u32 s8, $0xFFFFF086  }
0x1c: {  	p1 =	slt.u32 s9, $0xF7A;
	s5 =	simm.s32 @!p2 $0x0  }
0x1d: {  	s5 =	simm.s32 @p1 $0x1;
	p0 =	seq.s32 s7, s2  }
0x1e: {  	s7 =	smul.u32 @!p0 $0xF7A, s2;
	p2 =	seq.s32 @!p0 s5, $0x0  }
0x1f: {  	s9 =	smul.u32 $0xF7A, s1;
	s8 =	simm.s32 @!p0 $0x1BF5;
	p2 =	por !p2, p0  }
0x20: {  	[sflag:s8] =	ssyncset.s32 @!p0 $0xFFFFF086;
	s6 =	sadd.s32 @!p0 s3, s7;
	s7 =	simm.s32 @!p0 $0x108  }
0x21: {  	s3 =	sadd.s32 s3, s9;
	s6 =	sadd.s32 @!p0 $0x88, s6;
	s7 =	simm.s32 @p2 $0x1082  }
0x22: {  	[simem:s7], [sflag:s8] =	dma.local @!p0 [hbm:s6], $0xF7A  }
0x23: {  	s9 =	sor.u32 $0xD0000000, s2;
	s6 =	simm.s32 $0x108;
	_ =	swait.ge @!p0 [sflag:s8], $0x0  }
0x24: {  	s3 =	sadd.s32 $0x88, s3;
	s6 =	simm.s32 @!p1 $0x1082;
	[sflag:s4] =	ssyncset.s32 $0xFFFFF086  }
0x25: {  	[simem:s6], [sflag:s4] =	dma.local [hbm:s3], $0xF7A  }
0x26: {  	[smem:$0x3F92] =	sst s1;
	(tag) =	ssettag s2;
	_ =	strace s9  }
0x27: {  	s1 =	sld [smem:$0x3FA2]  }
0x28: {  	s2 =	sld [smem:$0x3FA3]  }
0x29: {  	s4 =	sld [smem:$0x3FA5]  }
0x2a: {  	p0 =	seq.s32 s5, $0x0;
	s5 =	sld [smem:$0x3FA6]  }
0x2b: {  	s6 =	sld [smem:$0x3FA7]  }
0x2c: {  	s7 =	sld [smem:$0x3FA8]  }
0x2d: {  	s3 =	simm.s32 $0x108;
	s8 =	sld [smem:$0x3FA9]  }
0x2e: {  	s3 =	simm.s32 @!p0 $0x1082;
	s9 =	sld [smem:$0x3FAA]  }
0x2f: {  	lr =	sadd.s32 s0, s3;
	s0 =	sld [smem:$0x3FA1]  }
0x30: {  	s3 =	sld [smem:$0x3FA4]  }
0x31: {  	[smem:$0x3FAD] =	sst s10  }
0x32: {  	s10 =	sld [smem:$0x3FAB];
	_ =	sdelay $0x3  }
0x33: {  	p0 =	seq.s32 s10, $0x1;
	s10 =	sld [smem:$0x3FAD];
	_ =	sdelay $0x3  }
0x34: {  	[smem:$0x3FAD] =	sst s10  }
0x35: {  	s10 =	sld [smem:$0x3FAC];
	_ =	sdelay $0x3  }
0x36: {  	p1 =	seq.s32 s10, $0x1;
	s10 =	sld [smem:$0x3FAD];
	_ =	sdelay $0x3  }
0x37: {  	[smem:$0x3FAD] =	sst s10  }
0x38: {  	s10 =	sld [smem:$0x3FAE]  }
0x39: {  	_ = 	snop;
	(pc) =	sbr.ind lr, $3  }
0x3a: {  	_ = 	snop  }
0x3b: {  	_ = 	snop  }
0x3c: {  	p2 =	seq.s32 s10, $0x1;
	s10 =	sld [smem:$0x3FAD]  }
0x3d: {  	_ =	shalt  }
0x3e: {  	_ =	shalt  }
0x3f: {  	_ =	shalt  }
0x40: {  	_ =	shalt  }
0x41: {  	_ =	shalt  }
0x42: {  	_ =	shalt  }
0x43: {  	_ =	shalt  }
0x44: {  	_ =	shalt  }
0x45: {  	_ =	shalt  }
0x46: {  	_ =	shalt  }
0x47: {  	_ =	shalt  }
0x48: {  	_ =	shalt  }
0x49: {  	_ =	shalt  }
0x4a: {  	_ =	shalt  }
0x4b: {  	_ =	shalt  }
0x4c: {  	_ =	shalt  }
0x4d: {  	_ =	shalt  }
0x4e: {  	_ =	shalt  }
0x4f: {  	_ =	shalt  }
0x50: {  	_ =	shalt  }
0x51: {  	_ =	shalt  }
0x52: {  	_ =	shalt  }
0x53: {  	_ =	shalt  }
0x54: {  	_ =	shalt  }
0x55: {  	_ =	shalt  }
0x56: {  	_ =	shalt  }
0x57: {  	_ =	shalt  }
0x58: {  	_ =	shalt  }
0x59: {  	_ =	shalt  }
0x5a: {  	_ =	shalt  }
0x5b: {  	_ =	shalt  }
0x5c: {  	_ =	shalt  }
0x5d: {  	_ =	shalt  }
0x5e: {  	_ =	shalt  }
0x5f: {  	_ =	shalt  }
0x60: {  	_ =	shalt  }
0x61: {  	_ =	shalt  }
0x62: {  	_ =	shalt  }
0x63: {  	_ =	shalt  }
0x64: {  	_ =	shalt  }
0x65: {  	_ =	shalt  }
0x66: {  	_ =	shalt  }
0x67: {  	_ =	shalt  }
0x68: {  	_ =	shalt  }
0x69: {  	_ =	shalt  }
0x6a: {  	_ =	shalt  }
0x6b: {  	_ =	shalt  }
0x6c: {  	_ =	shalt  }
0x6d: {  	_ =	shalt  }
0x6e: {  	_ =	shalt  }
0x6f: {  	_ =	shalt  }
0x70: {  	_ =	shalt  }
0x71: {  	_ =	shalt  }
0x72: {  	_ =	shalt  }
0x73: {  	_ =	shalt  }
0x74: {  	_ =	shalt  }
0x75: {  	_ =	shalt  }
0x76: {  	_ =	shalt  }
0x77: {  	_ =	shalt  }
0x78: {  	_ =	shalt  }
0x79: {  	_ =	shalt  }
0x7a: {  	_ =	shalt  }
0x7b: {  	_ =	shalt  }
0x7c: {  	_ =	shalt  }
0x7d: {  	_ =	shalt  }
0x7e: {  	_ =	shalt  }
0x7f: {  	_ =	shalt  }
0x80: {  	_ =	shalt  }
0x81: {  	_ =	shalt  }
0x82: {  	_ =	shalt  }
0x83: {  	_ =	shalt  }
0x84: {  	_ =	shalt  }
0x85: {  	_ =	shalt  }
0x86: {  	_ =	shalt  }
0x87: {  	_ =	shalt  }
.Lfunc_end0:
.L_simem_size_0:
called_computation_lowered:
.L_overlay_start_0:
0x88: {  	s2 =	sld [smem:$0x3FD9]  }
0x89: {  	s3 =	sld [smem:$0x3FFE];
	_ =	sdelay $0x1  }
0x8a: {  	s1 =	srdreg.scid  }
0x8b: {  	s0 =	sand.u32 $0x1, s1  }
0x8c: {  	s17 =	sshll.u32 s0, $0xA;
	s2 =	sadd.s32 s3, s2  }
0x8d: {  	s2 =	sadd.s32 s2, s17  }
0x8e: {  	[smem:$0x3FB9] =	sst s2  }
0x8f: {  	_ = 	snop  }
0x90: {  	s4 =	sld [smem:$0x3FC6]  }
0x91: {  	s18 =	sld [smem:$0x3FD0];
	(tm) =	ssettm $0x1  }
0x92: {  	s19 =	sld [smem:$0x3FFB];
	_ =	sdelay $0x3  }
0x93: {  	_ =	strace s19  }
0x94: {  	s2 =	sld [smem:$0x3FFC];
	_ =	sdelay $0x3  }
0x95: {  	_ =	strace s2  }
0x96: {  	s2 =	sld [smem:$0x3FFD];
	_ =	sdelay $0x3  }
0x97: {  	_ =	strace s2  }
0x98: {  	_ =	strace $0x8FFFFFFF  }
0x99: {  	s20 =	sld [smem:$0x3FDB];
	_ =	sdelay $0x1  }
0x9a: {  	s5 =	simm.s32 $_scs_section_size  }
0x9b: {  	s6 =	simm.s32 $_size__tile_overlayer_lowered;
	s7 =	simm.s32 $_tile_overlayer_lowered  }
0x9c: {  	s8 =	simm.s32 $0x1BFF;
	s21 =	sshll.u32 s7, $0x1;
	s5 =	sadd.s32 s5, s20  }
0x9d: {  	s22 =	simm.s32 $0x0;
	s6 =	sshll.u32 s6, $0x1;
	s7 =	sadd.s32 s21, s5  }
0x9e: {  	[timem:s22], [sflag:s8] =	dma.local [hbm:s7], s6  }
0x9f: {  	_ =	swait.ge [sflag:s8], s6  }
0xa0: {  	s6 =	ssub.s32 $0x0, s6;
	[sflag:s8] =	ssyncset.done $0x0  }
0xa1: {  	[sflag:s8] =	ssyncadd.s32 s6;
	_ =	sdelay $0x1  }
0xa2: {  	s23 =	simm.s32 $0x1B8B  }
0xa3: {  	_ =	swait.ge [sflag:s23], $0x1  }
0xa4: {  	[sflag:s23] =	ssyncset.done $0x0  }
0xa5: {  	[sflag:s23] =	ssyncadd.s32 $0xFFFFFFFF  }
0xa6: {  	s6 =	sld [smem:$0x0]  }
0xa7: {  	s7 =	sand.u32 $0xFFFFFFFE, s1  }
0xa8: {  	p0 =	sne.s32 s1, s7  }
0xa9: {  	s7 =	sshll.u32 @p0 s7, $0xE  }
0xaa: {  	s7 =	sadd.s32 @p0 $0x11B8D, s7;
	s8 =	sshll.u32 @p0 s6, $0x11  }
0xab: {  	s7 =	sor.u32 @p0 s8, s7  }
0xac: {  	[sflag:s7] =	ssyncadd.remote.s32 @p0 $0x1;
	_ =	sdelay $0x1  }
0xad: {  	s7 =	simm.s32 @p0 $0x1B8D  }
0xae: {  	_ =	swait.eq @p0 [sflag:s7], $0x1  }
0xaf: {  	[sflag:s7] =	ssyncadd.s32 @p0 $0xFFFFFFFF  }
0xb0: {  	s8 =	sshll.u32 @!p0 s1, $0xE  }
0xb1: {  	s8 =	sor.u32 @!p0 $0x4000, s8;
	s7 =	simm.s32 @!p0 $0x1B8D  }
0xb2: {  	s6 =	sshll.u32 @!p0 s6, $0x11;
	s8 =	sadd.s32 @!p0 $0x11B8D, s8;
	_ =	swait.eq @!p0 [sflag:s7], $0x1  }
0xb3: {  	s6 =	sor.u32 @!p0 s6, s8;
	[sflag:s7] =	ssyncadd.s32 @!p0 $0xFFFFFFFF  }
0xb4: {  	s25 =	simm.s32 $0x1B8E;
	s24 =	sld [smem:$0x3FFE];
	[sflag:s6] =	ssyncadd.remote.s32 @!p0 $0x1  }
0xb5: {  	s26 =	simm.s32 $execute0_lowered;
	[smem:$0x3FD2] =	sst s25  }
0xb6: {  	s7 =	sshll.u32 s26, $0x1;
	_ =	strace $0x80000049;
	[dreg:$0x1] =	wrdreg $0xFFFFFFFF  }
0xb7: {  	s28 =	simm.s32 $_size_execute0_lowered;
	s5 =	sadd.s32 s5, s7;
	[dreg:$0x0] =	wrdreg $0x0  }
0xb8: {  	s7 =	sshll.u32 s28, $0x1;
	[dreg:$0x2] =	wrdreg s5  }
0xb9: {  	[dreg:$0x3] =	wrdreg s7  }
0xba: {  	[dreg:$0x4] =	wrdreg $0xC0  }
0xbb: {  	_ =	task [dreg:s22], $0x5FFFF  }
0xbc: {  	[dreg:$0x1] =	wrdreg $0xFFFFFFFF  }
0xbd: {  	[dreg:$0x0] =	wrdreg $0x60  }
0xbe: {  	[dreg:$0x2] =	wrdreg s4  }
0xbf: {  	[dreg:$0x3] =	wrdreg s24  }
0xc0: {  	[dreg:$0x4] =	wrdreg s18  }
0xc1: {  	[dreg:$0x5] =	wrdreg $0x9  }
0xc2: {  	_ =	task.clear_ibuf [dreg:s22], $0x6FFFF;
	_ =	strace $0x90000049  }
0xc3: {  	s29 =	simm.s32 $0x9;
	_ =	strace $0x8000004B  }
0xc4: {  	_ =	swait.ge [sflag:s29], $0x1  }
0xc5: {  	[sflag:s29] =	ssyncadd.s32 $0xFFFFFFFF  }
0xc6: {  	_ =	strace $0x9000004B  }
0xc7: {  	_ =	sfence  }
0xc8: {  	s30 =	sld [smem:$0x0];
	_ =	sdelay $0x2  }
0xc9: {  	s31 =	sshll.u32 s1, $0xD;
	s1 =	sshrl.u32 s1, $0x2  }
0xca: {  	s4 =	sand.u32 $0x4000, s31;
	s1 =	sadd.s32 s1, s30  }
0xcb: {  	s0 =	sor.u32 s4, s0;
	s1 =	sshll.u32 s1, $0x11  }
0xcc: {  	s0 =	sor.u32 s1, s0  }
0xcd: {  	s0 =	sadd.s32 $0x8F2B, s0  }
0xce: {  	[sflag:s0] =	ssyncadd.remote.s32 $0x1  }
0xcf: {  	_ =	sfence.sel $0xFFFF  }
0xd0: {  	[dreg:$0x0] =	wrdreg $0xFFFFFFFF;
	(pc) =	sbr.abs _section_cstart, $3  }
0xd1: {  	[dreg:$0x1] =	wrdreg $0xFFFFFFFF  }
0xd2: {  	_ =	task.clear_ibuf [dreg:s22], $0x2FFFF;
	_ =	strace $0x9FFFFFFF  }
0xd3: {  	(tm) =	ssettm $0x7FFFFFFF  }
tec
execute0_lowered:
.L_overlay_start_1:
0x0: {  	(tag) =	ssettag $0x1  }
0x1: {  	s0 =	srdreg.scid  }
0x2: {  	s1 =	sshll.u32 s0, $0x4  }
0x3: {  	s0 =	stileid.u32;
	s1 =	sand.u32 $0x10, s1  }
0x4: {  	s9 =	rddreg [dreg:$0x1];
	s1 =	sor.u32 s0, s1  }
0x5: {  	s4 =	rddreg [dreg:$0x2];
	s2 =	smin.u32 s1, $0x4  }
0x6: {  	p0 =	slt.u32 s1, $0x4;
	s3 =	sadd.s32 s1, s2;
	s1 =	simm.s32 $0x80  }
0x7: {  	s6 =	simm.s32 $0x1;
	s3 =	sshll.u32 s3, $0x6;
	s1 =	simm.s32 @!p0 $0x40  }
0x8: {  	s7 =	simm.s32 $0x2;
	s10 =	simm.s32 $0x3;
	s1 =	sadd.s32 s1, s3  }
0x9: {  	s13 =	simm.s32 $0x0;
	s12 =	simm.s32 $0x0;
	s5 =	smin.u32 s1, $0x900  }
.Ltmp0:
0xa: {  	s2 =	rddreg [dreg:$0x0];
	s8 =	ssub.s32 s5, s3;
	(pc) =	sbr.rel .LBB2_1-.Ltmp0, $4  }
0xb: {  	s1 =	rddreg [dreg:$0x3];
	_ =	strace $0x8000004A;
	p0 =	sgt.s32 s8, $0x0  }
0xc: {  	s9 =	sadd.s32 $0x4600, s9;
	[sflag:s6] =	ssyncpa.u1 $0x0;
	s8 =	simm.s32 @!p0 $0x0  }
0xd: {  	s11 =	smov.u32 s3;
	[sflag:s7] =	ssyncpa.u1 $0x0;
	s8 =	sshrl.u32 s8, $0x6  }
0xe: {  	vm0 =	vmmov $0xff;
	vm1 =	vcmask $0x3F20;
	[sflag:s10] =	ssyncpa.u1 $0x0;
	p0 =	por $0x0, $0x0;
	s10 =	sadd.s32 $0x1, s8  }
.LBB2_9:
0xf: {  	s13 =	sadd.s32 $0x40, s11  }
0x10: {  	s15 =	smov.u32 s3;
	p2 =	slt.s32 s13, s5  }
0x11: {  	s15 =	smov.u32 @p2 s13;
	p2 =	sne.s32 s12, s10  }
.Ltmp1:
0x12: {  	p1 =	slt.u32 s12, $0x2;
	(pc) =	sbr.rel @!p2 .LBB2_10-.Ltmp1, $4  }
0x13: {  	s14 =	simm.s32 @!p1 $0x3  }
0x14: {  	s16 =	sadd.s32 $0x1, s12;
	_ =	swait.ge @!p1 [sflag:s14], $0xC000  }
0x15: {  	p0 =	por !p0, !p0;
	s13 =	smov.u32 s11;
	[sflag:s14] =	ssyncset.done @!p1 $0x0  }
0x16: {  	s12 =	smov.u32 s16;
	s11 =	smov.u32 s15;
	[sflag:s14] =	ssyncadd.s32 @!p1 $0xFFFF4000  }
.LBB2_1:
0x17: {  	p1 =	sge.u32 s12, s8  }
0x18: {  	s14 =	sxor.u32 @!p1 $0xFFFFFFFF, s12  }
0x19: {  	s31 =	sadd.s32 $0xFFFFFFFF, s12;
	s15 =	sshrl.u32 @!p1 s11, $0x3;
	s14 =	sshll.u32 @!p1 s14, $0x6  }
0x1a: {  	s16 =	sand.u32 @!p1 $0x7, s11;
	s15 =	sadd.s32 @!p1 s9, s15;
	s14 =	sand.u32 @!p1 $0x40, s14  }
0x1b: {  	[tilespmem:s14], [sflag:$0x2] =	stream.linear.gather @!p1 [hbm4b:s15+s16], $0x40, $0x38;
	[tilespmem:$0x18080] =	vst v63  }
0x1c: {  	p1 =	sge.u32 s31, s8  }
.Ltmp2:
0x1d: {  	_ = 	snop;
	(pc) =	sbr.rel @p1 .LBB2_9-.Ltmp2, $1  }
0x1e: {  	_ =	sdelay $0x3  }
0x1f: {  	s14 =	simm.s32 $0x1  }
0x20: {  	s14 =	simm.s32 @!p0 $0x0  }
0x21: {  	s14 =	smul.u32 $0x30000, s14;
	_ =	sdelay $0x1  }
0x22: {  	_ =	swait.ge [sflag:s7], $0x40;
	s15 =	sand.u32 $0x1, s12;
	s14 =	sshrl.u32 s14, $0x2  }
0x23: {  	s16 =	simm.s32 $0x0;
	[sflag:s7] =	ssyncset.done $0x0;
	s14 =	sor.u32 $0x80, s14  }
0x24: {  	s15 =	sshll.u32 s15, $0x6;
	[sflag:s7] =	ssyncadd.s32 $0xFFFFFFC0;
	s17 =	smov.u32 s14  }
.LBB2_3:
0x25: {  	s18 =	sshll.u32 s16, $0x4  }
0x26: {  	s18 =	sand.u32 $0x3FFFFFF0, s18  }
0x27: {  	s18 =	sadd.s32 s18, s15  }
0x28: {  	v0 =	vld.msk [tilespmem:s18+$0x0 ss:$0x1], $0xffff;
	_ =	sdelay $0x4  }
0x29: {  	vm2 =	vgt.s32 v0, $0x0  }
0x2a: {  	v0 =	vnsel vm2, $0x0, v0  }
0x2b: {  	v0 =	vmin.u32 v0, $0x8FF  }
0x2c: {  	v1 =	vshrl.u32 v0, $0x3  }
0x2d: {  	v0 =	vshll.u32 v0, $0x7;
	v1 =	vmul.u32 $0x1800, v1  }
0x2e: {  	v0 =	vand.u32 $0x380, v0  }
0x2f: {  	v0 =	vor.u32 v0, v1  }
0x30: {  	v0 =	vshrl.u32 v0, $0x3;
	_ =	sdelay $0x3  }
0x31: {  	s19 =	sadd.s32 $0x0, s17  }
0x32: {  	[tilespmem:s19], [sflag:$0x1] =	stream.indirect_vreg.gather [hbm:s2], $0x80, v0, vm0, $0x38;
	[tilespmem:$0x18080] =	vst v63  }
0x33: {  	s18 =	simm.s32 $0x1000;
	v1 =	vadd.s32 $0x80, v0;
	s19 =	sadd.s32 $0x1800, s19  }
.LBB2_4:
0x34: {  	[tilespmem:s19], [sflag:$0x1] =	stream.indirect_vreg.gather [hbm:s2], $0x80, v0, vm1, $0x38;
	[tilespmem:$0x18080] =	vst v63  }
0x35: {  	v0 =	vmov v1;
	s19 =	smov.u32 s18;
	p1 =	sne.s32 s18, $0x5000  }
.Ltmp3:
0x36: {  	s18 =	sadd.s32 $0x1000, s18;
	(pc) =	sbr.rel @p1 .LBB2_4-.Ltmp3, $4  }
0x37: {  	s19 =	sshra.s32 s19, $0x2  }
0x38: {  	s19 =	sadd.s32 s19, s17  }
0x39: {  	[tilespmem:s19], [sflag:$0x1] =	stream.indirect_vreg.gather [hbm:s2], $0x80, v1, vm0, $0x38;
	[tilespmem:$0x18080] =	vst v63  }
0x3a: {  	s19 =	sadd.s32 $0x1800, s19;
	v1 =	vadd.s32 $0x80, v1  }
0x3b: {  	s16 =	sadd.s32 $0x1, s16  }
0x3c: {  	p1 =	sne.s32 s16, $0x4  }
.Ltmp4:
0x3d: {  	_ = 	snop;
	(pc) =	sbr.rel @p1 .LBB2_3-.Ltmp4, $3  }
0x3e: {  	_ =	sdelay $0x1  }
0x3f: {  	[tilespmem:s19], [sflag:$0x1] =	stream.indirect_vreg.gather [hbm:s2], $0x80, v0, vm1, $0x38;
	[tilespmem:$0x18080] =	vst v63  }
0x40: {  	s17 =	sadd.s32 $0x3000, s17  }
0x41: {  	s15 =	sshrl.u32 s13, $0x3  }
0x42: {  	s15 =	smul.u32 $0x300, s15  }
0x43: {  	s31 =	sshll.u32 s13, $0x4  }
0x44: {  	_ =	swait.ge [sflag:s6], $0xC000;
	s13 =	sand.u32 $0x70, s31;
	s15 =	sadd.s32 s15, s4  }
0x45: {  	s16 =	sadd.s32 $0x1800, s14;
	[sflag:s6] =	ssyncset.done $0x0;
	s13 =	sadd.s32 s13, s15  }
0x46: {  	[sflag:s6] =	ssyncadd.s32 $0xFFFF4000;
	s15 =	simm.s32 $0x300;
	s17 =	sadd.s32 $0x0, s13  }
.LBB2_7:
0x47: {  	[hbm:s17] =	stream.linear.scatter [tilespmem:s14], [sflag:$0x3], $0x1800, $0x38;
	[tilespmem:$0x18080] =	vst v63  }
0x48: {  	s17 =	smov.u32 s15;
	s14 =	smov.u32 s16;
	p1 =	sne.s32 s15, $0x1500  }
.Ltmp5:
0x49: {  	s15 =	sadd.s32 $0x300, s15;
	(pc) =	sbr.rel @p1 .LBB2_7-.Ltmp5, $2  }
0x4a: {  	_ =	sdelay $0x2  }
0x4b: {  	s16 =	sadd.s32 $0x1800, s16;
	s17 =	sadd.s32 s17, s13  }
.Ltmp6:
0x4c: {  	(pc) =	sbr.rel .LBB2_9-.Ltmp6, $2  }
0x4d: {  	_ =	sdelay $0x2  }
0x4e: {  	[hbm:s17] =	stream.linear.scatter [tilespmem:s14], [sflag:$0x3], $0x1800, $0x38;
	[tilespmem:$0x18080] =	vst v63  }
.LBB2_10:
0x4f: {  	_ =	sfence.sel $0x180000  }
0x50: {  	s2 =	simm.s32 $0x2;
	[bflag:$0x0] =	sbarrier.arrive $0xFFFF  }
0x51: {  	s30 =	simm.s32 $0x3;
	[sflag:s2] =	ssyncpa.u1 $0x1  }
0x52: {  	s31 =	simm.s32 $0x1;
	[sflag:s30] =	ssyncpa.u1 $0x1  }
0x53: {  	[sflag:s31] =	ssyncpa.u1 $0x1  }
0x54: {  	p0 =	sne.s32 s0, $0x0;
	_ =	strace $0x9000004A  }
0x55: {  	s0 =	sadd.s32 @!p0 $0x100000, s1;
	[bflag:$0x2] =	sbarrier.arrive $0xFFFF  }
0x56: {  	[sflag:s0] =	ssyncadd.tile.s32 @!p0 $0x1;
	_ =	shalt  }
.Lfunc_end2:
_tile_overlayer_lowered:
.L_overlay_start_2:
0x57: {  	(tag) =	ssettag $0x2  }
0x58: {  	s0 =	rddreg [dreg:$0x0];
	s2 =	stileid.u32  }
0x59: {  	s1 =	rddreg [dreg:$0x1];
	p0 =	sne.s32 s2, $0x0  }
0x5a: {  	s3 =	rddreg [dreg:$0x2];
	[bflag:$0x3] =	sbarrier.arrive $0xFFFF;
	s2 =	simm.s32 @!p0 $0x1C01  }
0x5b: {  	[timem:s3], [sflag:s2] =	dma.local @!p0 [hbm:s0], s1  }
0x5c: {  	s0 =	simm.s32 @!p0 $0x1  }
0x5d: {  	_ =	swait.ge @!p0 [sflag:s0], s1  }
0x5e: {  	s1 =	ssub.s32 @!p0 $0x0, s1;
	[sflag:s0] =	ssyncset.done @!p0 $0x0  }
0x5f: {  	[sflag:s0] =	ssyncadd.s32 @!p0 s1  }
0x60: {  	[bflag:$0x3] =	sbarrier.arrive $0xFFFF  }
0x61: {  	_ =	shalt  }

// kernel: kernel.6.cloned.1.call-start
scs
__scs_entry_jumppad:
0x0: {  	(pc) =	sbr.rel $0x88, $3  }
0x1: {  	(tag) =	ssettag $0x0;
	lr =	simm.s32 $0x1  }
0x2: {  	[smem:$0x3F92] =	sst lr;
	_ =	strace $0xD0000000  }
0x3: {  	_ = 	snop  }
0x4: {  	_ = 	snop  }
0x5: {  	_ = 	snop  }
0x6: {  	_ = 	snop  }
0x7: {  	_ = 	snop  }
__scs_overlays_trampoline_lowered:
0x8: {  	[smem:$0x3FA1] =	sst s0  }
0x9: {  	[smem:$0x3FA2] =	sst s1  }
0xa: {  	[smem:$0x3FA3] =	sst s2  }
0xb: {  	[smem:$0x3FA4] =	sst s3  }
0xc: {  	[smem:$0x3FA5] =	sst s4  }
0xd: {  	[smem:$0x3FA6] =	sst s5  }
0xe: {  	[smem:$0x3FA7] =	sst s6  }
0xf: {  	[smem:$0x3FA8] =	sst s7  }
0x10: {  	[smem:$0x3FA9] =	sst s8  }
0x11: {  	[smem:$0x3FAA] =	sst s9;
	s0 =	simm.s32 @!p0 $0x0  }
0x12: {  	s1 =	sld [smem:$0x3F90];
	s0 =	simm.s32 @p0 $0x1  }
0x13: {  	[smem:$0x3FAB] =	sst s0;
	s0 =	simm.s32 @!p1 $0x0  }
0x14: {  	s2 =	sld [smem:$0x3F8F];
	s0 =	simm.s32 @p1 $0x1  }
0x15: {  	[smem:$0x3FAC] =	sst s0;
	s0 =	simm.s32 @!p2 $0x0  }
0x16: {  	s3 =	sld [smem:$0x3FDB];
	s0 =	simm.s32 @p2 $0x1  }
0x17: {  	s4 =	simm.s32 $0x1BF5;
	[smem:$0x3FAE] =	sst s0  }
0x18: {  	s0 =	sld [smem:$0x3F91];
	_ =	swait.ge [sflag:s4], $0x0  }
0x19: {  	s7 =	sld [smem:$0x3F92]  }
0x1a: {  	s8 =	sadd.s32 $0xFFFFE003, lr  }
0x1b: {  	s9 =	sadd.s32 $0xFFFFFEF7, lr;
	s5 =	simm.s32 $0xFFFFFFFF;
	p2 =	slt.u32 s8, $0xFFFFF086  }
0x1c: {  	p1 =	slt.u32 s9, $0xF7A;
	s5 =	simm.s32 @!p2 $0x0  }
0x1d: {  	s5 =	simm.s32 @p1 $0x1;
	p0 =	seq.s32 s7, s2  }
0x1e: {  	s7 =	smul.u32 @!p0 $0xF7A, s2;
	p2 =	seq.s32 @!p0 s5, $0x0  }
0x1f: {  	s9 =	smul.u32 $0xF7A, s1;
	s8 =	simm.s32 @!p0 $0x1BF5;
	p2 =	por !p2, p0  }
0x20: {  	[sflag:s8] =	ssyncset.s32 @!p0 $0xFFFFF086;
	s6 =	sadd.s32 @!p0 s3, s7;
	s7 =	simm.s32 @!p0 $0x108  }
0x21: {  	s3 =	sadd.s32 s3, s9;
	s6 =	sadd.s32 @!p0 $0x88, s6;
	s7 =	simm.s32 @p2 $0x1082  }
0x22: {  	[simem:s7], [sflag:s8] =	dma.local @!p0 [hbm:s6], $0xF7A  }
0x23: {  	s9 =	sor.u32 $0xD0000000, s2;
	s6 =	simm.s32 $0x108;
	_ =	swait.ge @!p0 [sflag:s8], $0x0  }
0x24: {  	s3 =	sadd.s32 $0x88, s3;
	s6 =	simm.s32 @!p1 $0x1082;
	[sflag:s4] =	ssyncset.s32 $0xFFFFF086  }
0x25: {  	[simem:s6], [sflag:s4] =	dma.local [hbm:s3], $0xF7A  }
0x26: {  	[smem:$0x3F92] =	sst s1;
	(tag) =	ssettag s2;
	_ =	strace s9  }
0x27: {  	s1 =	sld [smem:$0x3FA2]  }
0x28: {  	s2 =	sld [smem:$0x3FA3]  }
0x29: {  	s4 =	sld [smem:$0x3FA5]  }
0x2a: {  	p0 =	seq.s32 s5, $0x0;
	s5 =	sld [smem:$0x3FA6]  }
0x2b: {  	s6 =	sld [smem:$0x3FA7]  }
0x2c: {  	s7 =	sld [smem:$0x3FA8]  }
0x2d: {  	s3 =	simm.s32 $0x108;
	s8 =	sld [smem:$0x3FA9]  }
0x2e: {  	s3 =	simm.s32 @!p0 $0x1082;
	s9 =	sld [smem:$0x3FAA]  }
0x2f: {  	lr =	sadd.s32 s0, s3;
	s0 =	sld [smem:$0x3FA1]  }
0x30: {  	s3 =	sld [smem:$0x3FA4]  }
0x31: {  	[smem:$0x3FAD] =	sst s10  }
0x32: {  	s10 =	sld [smem:$0x3FAB];
	_ =	sdelay $0x3  }
0x33: {  	p0 =	seq.s32 s10, $0x1;
	s10 =	sld [smem:$0x3FAD];
	_ =	sdelay $0x3  }
0x34: {  	[smem:$0x3FAD] =	sst s10  }
0x35: {  	s10 =	sld [smem:$0x3FAC];
	_ =	sdelay $0x3  }
0x36: {  	p1 =	seq.s32 s10, $0x1;
	s10 =	sld [smem:$0x3FAD];
	_ =	sdelay $0x3  }
0x37: {  	[smem:$0x3FAD] =	sst s10  }
0x38: {  	s10 =	sld [smem:$0x3FAE]  }
0x39: {  	_ = 	snop;
	(pc) =	sbr.ind lr, $3  }
0x3a: {  	_ = 	snop  }
0x3b: {  	_ = 	snop  }
0x3c: {  	p2 =	seq.s32 s10, $0x1;
	s10 =	sld [smem:$0x3FAD]  }
0x3d: {  	_ =	shalt  }
0x3e: {  	_ =	shalt  }
0x3f: {  	_ =	shalt  }
0x40: {  	_ =	shalt  }
0x41: {  	_ =	shalt  }
0x42: {  	_ =	shalt  }
0x43: {  	_ =	shalt  }
0x44: {  	_ =	shalt  }
0x45: {  	_ =	shalt  }
0x46: {  	_ =	shalt  }
0x47: {  	_ =	shalt  }
0x48: {  	_ =	shalt  }
0x49: {  	_ =	shalt  }
0x4a: {  	_ =	shalt  }
0x4b: {  	_ =	shalt  }
0x4c: {  	_ =	shalt  }
0x4d: {  	_ =	shalt  }
0x4e: {  	_ =	shalt  }
0x4f: {  	_ =	shalt  }
0x50: {  	_ =	shalt  }
0x51: {  	_ =	shalt  }
0x52: {  	_ =	shalt  }
0x53: {  	_ =	shalt  }
0x54: {  	_ =	shalt  }
0x55: {  	_ =	shalt  }
0x56: {  	_ =	shalt  }
0x57: {  	_ =	shalt  }
0x58: {  	_ =	shalt  }
0x59: {  	_ =	shalt  }
0x5a: {  	_ =	shalt  }
0x5b: {  	_ =	shalt  }
0x5c: {  	_ =	shalt  }
0x5d: {  	_ =	shalt  }
0x5e: {  	_ =	shalt  }
0x5f: {  	_ =	shalt  }
0x60: {  	_ =	shalt  }
0x61: {  	_ =	shalt  }
0x62: {  	_ =	shalt  }
0x63: {  	_ =	shalt  }
0x64: {  	_ =	shalt  }
0x65: {  	_ =	shalt  }
0x66: {  	_ =	shalt  }
0x67: {  	_ =	shalt  }
0x68: {  	_ =	shalt  }
0x69: {  	_ =	shalt  }
0x6a: {  	_ =	shalt  }
0x6b: {  	_ =	shalt  }
0x6c: {  	_ =	shalt  }
0x6d: {  	_ =	shalt  }
0x6e: {  	_ =	shalt  }
0x6f: {  	_ =	shalt  }
0x70: {  	_ =	shalt  }
0x71: {  	_ =	shalt  }
0x72: {  	_ =	shalt  }
0x73: {  	_ =	shalt  }
0x74: {  	_ =	shalt  }
0x75: {  	_ =	shalt  }
0x76: {  	_ =	shalt  }
0x77: {  	_ =	shalt  }
0x78: {  	_ =	shalt  }
0x79: {  	_ =	shalt  }
0x7a: {  	_ =	shalt  }
0x7b: {  	_ =	shalt  }
0x7c: {  	_ =	shalt  }
0x7d: {  	_ =	shalt  }
0x7e: {  	_ =	shalt  }
0x7f: {  	_ =	shalt  }
0x80: {  	_ =	shalt  }
0x81: {  	_ =	shalt  }
0x82: {  	_ =	shalt  }
0x83: {  	_ =	shalt  }
0x84: {  	_ =	shalt  }
0x85: {  	_ =	shalt  }
0x86: {  	_ =	shalt  }
0x87: {  	_ =	shalt  }
.Lfunc_end0:
.L_simem_size_0:
called_computation.6_lowered:
.L_overlay_start_0:
0x88: {  	s2 =	sld [smem:$0x3FD9]  }
0x89: {  	s3 =	sld [smem:$0x3FFE];
	_ =	sdelay $0x1  }
0x8a: {  	s1 =	srdreg.scid  }
0x8b: {  	s0 =	sand.u32 $0x1, s1  }
0x8c: {  	s17 =	sshll.u32 s0, $0xA;
	s2 =	sadd.s32 s3, s2  }
0x8d: {  	s2 =	sadd.s32 s2, s17  }
0x8e: {  	[smem:$0x3FB9] =	sst s2  }
0x8f: {  	_ = 	snop  }
0x90: {  	(tm) =	ssettm $0x1  }
0x91: {  	s18 =	sld [smem:$0x3FFB];
	_ =	sdelay $0x3  }
0x92: {  	_ =	strace s18  }
0x93: {  	s2 =	sld [smem:$0x3FFC];
	_ =	sdelay $0x3  }
0x94: {  	_ =	strace s2  }
0x95: {  	s2 =	sld [smem:$0x3FFD];
	_ =	sdelay $0x3  }
0x96: {  	_ =	strace s2  }
0x97: {  	_ =	strace $0x8FFFFFFF  }
0x98: {  	s19 =	sld [smem:$0x3FDB];
	_ =	sdelay $0x1  }
0x99: {  	s20 =	simm.s32 $_scs_section_size  }
0x9a: {  	s4 =	simm.s32 $_size__tile_overlayer_lowered;
	s5 =	simm.s32 $_tile_overlayer_lowered  }
0x9b: {  	s6 =	simm.s32 $0x1BFF;
	s21 =	sshll.u32 s5, $0x1;
	s3 =	sadd.s32 s20, s19  }
0x9c: {  	s22 =	simm.s32 $0x0;
	s4 =	sshll.u32 s4, $0x1;
	s5 =	sadd.s32 s21, s3  }
0x9d: {  	[timem:s22], [sflag:s6] =	dma.local [hbm:s5], s4  }
0x9e: {  	_ =	swait.ge [sflag:s6], s4  }
0x9f: {  	s4 =	ssub.s32 $0x0, s4;
	[sflag:s6] =	ssyncset.done $0x0  }
0xa0: {  	[sflag:s6] =	ssyncadd.s32 s4;
	_ =	sdelay $0x1  }
0xa1: {  	s23 =	simm.s32 $0x1B8B  }
0xa2: {  	_ =	swait.ge [sflag:s23], $0x1  }
0xa3: {  	[sflag:s23] =	ssyncset.done $0x0  }
0xa4: {  	[sflag:s23] =	ssyncadd.s32 $0xFFFFFFFF  }
0xa5: {  	s4 =	sld [smem:$0x0]  }
0xa6: {  	s5 =	sand.u32 $0xFFFFFFFE, s1  }
0xa7: {  	p0 =	sne.s32 s1, s5  }
0xa8: {  	s5 =	sshll.u32 @p0 s5, $0xE  }
0xa9: {  	s5 =	sadd.s32 @p0 $0x11B8D, s5;
	s6 =	sshll.u32 @p0 s4, $0x11  }
0xaa: {  	s5 =	sor.u32 @p0 s6, s5  }
0xab: {  	[sflag:s5] =	ssyncadd.remote.s32 @p0 $0x1;
	_ =	sdelay $0x1  }
0xac: {  	s5 =	simm.s32 @p0 $0x1B8D  }
0xad: {  	_ =	swait.eq @p0 [sflag:s5], $0x1  }
0xae: {  	[sflag:s5] =	ssyncadd.s32 @p0 $0xFFFFFFFF  }
0xaf: {  	s6 =	sshll.u32 @!p0 s1, $0xE  }
0xb0: {  	s6 =	sor.u32 @!p0 $0x4000, s6;
	s5 =	simm.s32 @!p0 $0x1B8D  }
0xb1: {  	s4 =	sshll.u32 @!p0 s4, $0x11;
	s6 =	sadd.s32 @!p0 $0x11B8D, s6;
	_ =	swait.eq @!p0 [sflag:s5], $0x1  }
0xb2: {  	s4 =	sor.u32 @!p0 s4, s6;
	[sflag:s5] =	ssyncadd.s32 @!p0 $0xFFFFFFFF  }
0xb3: {  	s25 =	simm.s32 $0x1B8E;
	s24 =	sld [smem:$0x3FFE];
	[sflag:s4] =	ssyncadd.remote.s32 @!p0 $0x1  }
0xb4: {  	s26 =	simm.s32 $execute0_lowered;
	[smem:$0x3FD2] =	sst s25  }
0xb5: {  	s5 =	sshll.u32 s26, $0x1;
	_ =	strace $0x80000052;
	[dreg:$0x1] =	wrdreg $0xFFFFFFFF  }
0xb6: {  	s28 =	simm.s32 $_size_execute0_lowered;
	s3 =	sadd.s32 s3, s5;
	[dreg:$0x0] =	wrdreg $0x0  }
0xb7: {  	s5 =	sshll.u32 s28, $0x1;
	[dreg:$0x2] =	wrdreg s3  }
0xb8: {  	[dreg:$0x3] =	wrdreg s5  }
0xb9: {  	[dreg:$0x4] =	wrdreg $0xC0  }
0xba: {  	_ =	task [dreg:s22], $0x5FFFF  }
0xbb: {  	[dreg:$0x1] =	wrdreg $0xFFFFFFFF  }
0xbc: {  	[dreg:$0x0] =	wrdreg $0x60  }
0xbd: {  	[dreg:$0x2] =	wrdreg s24  }
0xbe: {  	[dreg:$0x3] =	wrdreg $0xB  }
0xbf: {  	_ =	task.clear_ibuf [dreg:s22], $0x4FFFF;
	_ =	strace $0x90000052  }
0xc0: {  	s29 =	simm.s32 $0xB;
	_ =	strace $0x80000054  }
0xc1: {  	_ =	swait.ge [sflag:s29], $0x1  }
0xc2: {  	[sflag:s29] =	ssyncadd.s32 $0xFFFFFFFF  }
0xc3: {  	_ =	strace $0x90000054  }
0xc4: {  	_ =	sfence  }
0xc5: {  	s30 =	sld [smem:$0x0];
	_ =	sdelay $0x2  }
0xc6: {  	s31 =	sshll.u32 s1, $0xD;
	s1 =	sshrl.u32 s1, $0x2  }
0xc7: {  	s4 =	sand.u32 $0x4000, s31;
	s1 =	sadd.s32 s1, s30  }
0xc8: {  	s0 =	sor.u32 s4, s0;
	s1 =	sshll.u32 s1, $0x11  }
0xc9: {  	s0 =	sor.u32 s1, s0  }
0xca: {  	s0 =	sadd.s32 $0x8F2B, s0  }
0xcb: {  	[sflag:s0] =	ssyncadd.remote.s32 $0x1  }
0xcc: {  	_ =	sfence.sel $0xFFFF  }
0xcd: {  	[dreg:$0x0] =	wrdreg $0xFFFFFFFF;
	(pc) =	sbr.abs _section_cstart, $3  }
0xce: {  	[dreg:$0x1] =	wrdreg $0xFFFFFFFF  }
0xcf: {  	_ =	task.clear_ibuf [dreg:s22], $0x2FFFF;
	_ =	strace $0x9FFFFFFF  }
0xd0: {  	(tm) =	ssettm $0x7FFFFFFF  }
0xd1: {  	_ =	shalt  }
tec
execute0_lowered:
.L_overlay_start_1:
0x0: {  	(tag) =	ssettag $0x1  }
0x1: {  	s1 =	stileid.u32  }
0x2: {  	p0 =	sgt.u32 s1, $0xB  }
.Ltmp0:
0x3: {  	_ = 	snop;
	(pc) =	sbr.rel @p0 .LBB2_5-.Ltmp0, $4  }
0x4: {  	_ = 	snop  }
0x5: {  	s3 =	rddreg [dreg:$0x0];
	s2 =	simm.s32 $0x0  }
0x6: {  	[smem:$0x7FF] =	sst s2  }
0x7: {  	s0 =	rddreg [dreg:$0x1];
	_ =	strace $0x80000053  }
0x8: {  	s4 =	srdreg.scid;
	s5 =	sshll.u32 s1, $0x5;
	s6 =	sshll.u32 s1, $0xA  }
0x9: {  	s8 =	sadd.s32 $0x368A00, s3;
	s9 =	simm.s32 $0x1000;
	s4 =	sand.u32 $0x1, s4  }
0xa: {  	s5 =	sand.u32 $0x60, s5;
	s7 =	sshll.u32 s4, $0x4;
	s4 =	ssub.s32 $0x2, s4  }
0xb: {  	s6 =	sand.u32 $0x3000, s6;
	s5 =	sor.u32 s7, s5;
	s30 =	sshrl.u32 s4, $0x1  }
0xc: {  	s7 =	simm.s32 $0x400;
	s5 =	sor.u32 s6, s5;
	s31 =	ssub.s32 s4, s30  }
0xd: {  	s6 =	sadd.s32 s5, s3;
	s4 =	sadd.s32 s8, s5;
	s5 =	smax.u32 s31, $0x1  }
0xe: {  	v0 =	vlaneseq.u32;
	s8 =	simm.s32 $0x1;
	s3 =	sadd.s32 $0x8A00, s6;
	s6 =	simm.s32 $0x80  }
.LBB2_2:
0xf: {  	s10 =	simm.s32 $0x0  }
0x10: {  	[tilespmem:s10], [sflag:$0x1] =	stream.strided.gather [hbm4b:s4+s6], $0x1000, s7, s6, $0x38;
	[tilespmem:$0x2000] =	vst v63  }
0x11: {  	_ =	swait.ge [sflag:s8], $0x1000  }
0x12: {  	[sflag:s8] =	ssyncset.done $0x0  }
0x13: {  	[sflag:s8] =	ssyncadd.s32 $0xFFFFF000  }
0x14: {  	s11 =	simm.s32 $0x10;
	s12 =	simm.s32 $0x0;
	v1 =	vld [tilespmem:s10+$0x0]  }
.LBB2_3:
0x15: {  	p0 =	sne.s32 s11, $0xFF0;
	_ =	sdelay $0x3  }
.Ltmp1:
0x16: {  	(pc) =	sbr.rel @p0 .LBB2_3-.Ltmp1, $4  }
0x17: {  	_ = 	snop  }
0x18: {  	v2 =	vor.u32 s10, v0;
	s10 =	smov.u32 s11  }
0x19: {  	s12 =	sadd.s32 $0x10, s12;
	[tilespmem:v1+s9+$0x0] =	vst.idx.msk $0xffff, v2  }
0x1a: {  	s11 =	sadd.s32 $0x10, s11;
	v1 =	vld [tilespmem:s12+$0x0]  }
0x1b: {  	_ =	sdelay $0x5  }
0x1c: {  	s2 =	sadd.s32 $0x1, s2  }
0x1d: {  	v2 =	vor.u32 s10, v0;
	p0 =	sne.s32 s2, s5  }
.Ltmp2:
0x1e: {  	[tilespmem:v1+s9+$0x0] =	vst.idx.msk $0xffff, v2;
	(pc) =	sbr.rel @p0 .LBB2_2-.Ltmp2, $4  }
0x1f: {  	[hbm4b:s3+s6] =	stream.strided.scatter [tilespmem:s9], [sflag:$0x1], $0x1000, s7, s6, $0x38;
	[tilespmem:$0x2000] =	vst v63  }
0x20: {  	_ =	swait.ge [sflag:s8], $0x1000  }
0x21: {  	[sflag:s8] =	ssyncset.done $0x0  }
0x22: {  	[sflag:s8] =	ssyncadd.s32 $0xFFFFF000  }
.LBB2_5:
0x23: {  	_ =	sfence.sel $0x180000  }
0x24: {  	[bflag:$0x0] =	sbarrier.arrive $0xFFFF  }
0x25: {  	p0 =	sne.s32 s1, $0x0;
	_ =	strace $0x90000053  }
0x26: {  	s0 =	sadd.s32 @!p0 $0x100000, s0;
	[bflag:$0x2] =	sbarrier.arrive $0xFFFF  }
0x27: {  	[sflag:s0] =	ssyncadd.tile.s32 @!p0 $0x1;
	_ =	shalt  }
.Lfunc_end2:
_tile_overlayer_lowered:
.L_overlay_start_2:
0x28: {  	(tag) =	ssettag $0x2  }
0x29: {  	s0 =	rddreg [dreg:$0x0];
	s2 =	stileid.u32  }
0x2a: {  	s1 =	rddreg [dreg:$0x1];
	p0 =	sne.s32 s2, $0x0  }
0x2b: {  	s3 =	rddreg [dreg:$0x2];
	[bflag:$0x3] =	sbarrier.arrive $0xFFFF;
	s2 =	simm.s32 @!p0 $0x1C01  }
0x2c: {  	[timem:s3], [sflag:s2] =	dma.local @!p0 [hbm:s0], s1  }
0x2d: {  	s0 =	simm.s32 @!p0 $0x1  }
0x2e: {  	_ =	swait.ge @!p0 [sflag:s0], s1  }
0x2f: {  	s1 =	ssub.s32 @!p0 $0x0, s1;
	[sflag:s0] =	ssyncset.done @!p0 $0x0  }
0x30: {  	[sflag:s0] =	ssyncadd.s32 @!p0 s1  }
0x31: {  	[bflag:$0x3] =	sbarrier.arrive $0xFFFF  }
0x32: {  	_ =	shalt  }

</sc_bundles>
